<compile_context>
chip_gen: v7x
topology: tpu7x:2x2x1
jax: 0.10.2.dev20260603
libtpu: 0.0.44.dev20260713+nightly
codegen_flags: <defaults>
</compile_context>

<pallas_src>
import functools

import jax
import jax.numpy as jnp
from jax import lax
from jax.experimental import pallas as pl
from jax.experimental.pallas import tpu as pltpu
from jax.experimental.pallas import tpu_sc as plsc

B = 4
N = 16384
NQ = 1024
NS1 = 16
NS2 = 32
R1SQ = 0.25
R2SQ = 1.0
NCHUNK = N // 16
_GRP = 8



def _fps_body(x_ref, y_ref, z_ref, nxc_ref, dists_ref):
    X = x_ref[...]
    Y = y_ref[...]
    Z = z_ref[...]
    n_idx = (lax.broadcasted_iota(jnp.int32, (B, 128, 128), 1) * 128
             + lax.broadcasted_iota(jnp.int32, (B, 128, 128), 2))
    dists_ref[...] = jnp.full((B, 128, 128), 1e10, jnp.float32)
    ones11 = jnp.ones((1, 1), jnp.float32)

    def body(i, fa):
        onehot = n_idx == fa
        cx = jnp.sum(jnp.where(onehot, X, 0.0), axis=(1, 2), keepdims=True)
        cy = jnp.sum(jnp.where(onehot, Y, 0.0), axis=(1, 2), keepdims=True)
        cz = jnp.sum(jnp.where(onehot, Z, 0.0), axis=(1, 2), keepdims=True)
        cat = jnp.concatenate(
            [cx.reshape(B, 1), cy.reshape(B, 1), cz.reshape(B, 1)], axis=0)
        row = lax.dot_general(ones11, cat, (((1,), (1,)), ((), ())),
                              preferred_element_type=jnp.float32,
                              precision=lax.Precision.HIGHEST)
        nxc_ref[pl.ds(i, 1), :] = row
        dx = X - cx
        dy = Y - cy
        dz = Z - cz
        d2 = dx * dx + dy * dy
        d2 = d2 + dz * dz
        dnew = jnp.minimum(dists_ref[...], d2)
        dists_ref[...] = dnew
        i2 = jnp.argmax(dnew, axis=2)
        m1v = jnp.max(dnew, axis=2)
        jj = jnp.argmax(m1v, axis=1).reshape(B, 1)
        k_iota = lax.broadcasted_iota(jnp.int32, (B, 128), 1)
        i2sel = jnp.sum(jnp.where(k_iota == jj, i2, 0), axis=1,
                        keepdims=True)
        return (jj * 128 + i2sel).reshape(B, 1, 1)

    lax.fori_loop(0, NQ, body, jnp.zeros((B, 1, 1), jnp.int32))


def _fps(x, y, z):
    return pl.pallas_call(
        _fps_body,
        out_shape=jax.ShapeDtypeStruct((NQ, 3 * B), jnp.float32),
        scratch_shapes=[pltpu.VMEM((B, 128, 128), jnp.float32)],
    )(x, y, z)



_QG = 16


@functools.cache
def _make_sc_group():
    mesh = plsc.VectorSubcoreMesh(core_axis_name="c", subcore_axis_name="s")
    return pl.kernel(
        _sc_group_body,
        mesh=mesh,
        compiler_params=pltpu.CompilerParams(needs_layout_passes=False),
        out_type=[
            jax.ShapeDtypeStruct((B * NQ * NS1 * 8,), jnp.float32),
            jax.ShapeDtypeStruct((B * NQ * NS2 * 8,), jnp.float32),
        ],
        scratch_types=[
            pltpu.VMEM((N,), jnp.float32),
            pltpu.VMEM((N,), jnp.float32),
            pltpu.VMEM((N,), jnp.float32),
            pltpu.VMEM((N,), jnp.float32),
            pltpu.VMEM((N,), jnp.float32),
            pltpu.VMEM((N,), jnp.float32),
            pltpu.VMEM((128 * 12,), jnp.float32),
            pltpu.VMEM((NS1,), jnp.int32),
            pltpu.VMEM((NS2,), jnp.int32),
            pltpu.VMEM((_QG * NS1 * 8,), jnp.float32),
            pltpu.VMEM((_QG * NS2 * 8,), jnp.float32),
        ],
    )


def _sc_group_body(xp, yp, zp, f0p, f1p, f2p, nxc, out1, out2,
                   px, py, pz, f0, f1, f2, nxv, sel1, sel2, st1, st2):
    cid = lax.axis_index("c")
    sid = lax.axis_index("s")
    wid = sid * 2 + cid
    b = wid // 8
    q0 = (wid % 8) * 128

    pltpu.sync_copy(xp.at[b], px)
    pltpu.sync_copy(yp.at[b], py)
    pltpu.sync_copy(zp.at[b], pz)
    pltpu.sync_copy(f0p.at[b], f0)
    pltpu.sync_copy(f1p.at[b], f1)
    pltpu.sync_copy(f2p.at[b], f2)
    pltpu.sync_copy(nxc.at[pl.ds(q0 * 12, 128 * 12)], nxv)

    iota16 = lax.iota(jnp.int32, 16)
    zero16i = jnp.zeros((16,), jnp.int32)
    zero16f = jnp.zeros((16,), jnp.float32)

    for k in range(_QG * NS1 * 8 // 16):
        st1[pl.ds(16 * k, 16)] = zero16f
    for k in range(_QG * NS2 * 8 // 16):
        st2[pl.ds(16 * k, 16)] = zero16f

    def qbody(g, qq, _):
        q = g * _QG + qq
        base_c = q * 12 + b
        cxv = plsc.load_gather(nxv, [zero16i + base_c])
        cyv = plsc.load_gather(nxv, [zero16i + (base_c + B)])
        czv = plsc.load_gather(nxv, [zero16i + (base_c + 2 * B)])

        def cond(st):
            g, n1, n2 = st
            return (g < NCHUNK // _GRP) & ((n1 < NS1) | (n2 < NS2))

        def scan(st):
            g, n1, n2 = st
            base0 = g * (16 * _GRP)
            d2s = []
            m2s = []
            for k in range(_GRP):
                base = base0 + 16 * k
                dx = px[pl.ds(base, 16)] - cxv
                dy = py[pl.ds(base, 16)] - cyv
                dz = pz[pl.ds(base, 16)] - czv
                d2 = dx * dx + dy * dy
                d2 = d2 + dz * dz
                d2s.append(d2)
                m2s.append(d2 <= R2SQ)
            anyv = m2s[0]
            for k in range(1, _GRP):
                anyv = anyv | m2s[k]

            def compact(carry):
                n1, n2 = carry
                for k in range(_GRP):
                    ivec = iota16 + (base0 + 16 * k)
                    d2 = d2s[k]
                    m1 = d2 <= R1SQ
                    m2 = m2s[k]
                    cs1 = plsc.cumsum(m1.astype(jnp.int32))
                    slots1 = n1 + cs1 - 1
                    plsc.store_scatter(sel1, [slots1], ivec,
                                       mask=m1 & (slots1 < NS1))
                    cs2 = plsc.cumsum(m2.astype(jnp.int32))
                    slots2 = n2 + cs2 - 1
                    plsc.store_scatter(sel2, [slots2], ivec,
                                       mask=m2 & (slots2 < NS2))
                    n1 = n1 + cs1[15]
                    n2 = n2 + cs2[15]
                return (n1, n2)

            n1, n2 = lax.cond(jnp.any(anyv), compact,
                              lambda c: c, (n1, n2))
            return (g + 1, n1, n2)

        _, n1, n2 = lax.while_loop(cond, scan, (0, 0, 0))

        f1h = jnp.where(n1 > 0, sel1[pl.ds(0, 16)][0], 0)
        f2h = jnp.where(n2 > 0, sel2[pl.ds(0, 16)][0], 0)
        plsc.store_scatter(sel1, [iota16], zero16i + f1h,
                           mask=iota16 >= n1)
        plsc.store_scatter(sel2, [iota16], zero16i + f2h,
                           mask=iota16 >= n2)
        plsc.store_scatter(sel2, [iota16 + 16], zero16i + f2h,
                           mask=iota16 + 16 >= n2)

        for sel, nsamp, stf in ((sel1, NS1, st1), (sel2, NS2, st2)):
            qoff = qq * nsamp * 8
            for k in range(nsamp // 16):
                idxv = sel[pl.ds(16 * k, 16)]
                rows = qoff + (iota16 + 16 * k) * 8
                for c, tab in enumerate((px, py, pz, f0, f1, f2)):
                    vals = plsc.load_gather(tab, [idxv])
                    if c == 0:
                        vals = vals - cxv
                    elif c == 1:
                        vals = vals - cyv
                    elif c == 2:
                        vals = vals - czv
                    plsc.store_scatter(stf, [rows + c], vals)
        return 0

    def gbody(g, _):
        lax.fori_loop(0, _QG, functools.partial(qbody, g), 0)
        base = (b * NQ + q0 + g * _QG)
        pltpu.sync_copy(st1, out1.at[pl.ds(base * NS1 * 8, _QG * NS1 * 8)])
        pltpu.sync_copy(st2, out2.at[pl.ds(base * NS2 * 8, _QG * NS2 * 8)])
        return 0

    lax.fori_loop(0, 128 // _QG, gbody, 0)




def _mlp_body(g1_ref, g2_ref, w10, b10, w11, b11, w12, b12,
              w20, b20, w21, b21, w22, b22, out_ref):
    def mlp(g, w0, b0, w1, b1, w2, b2, ns):
        h = jnp.maximum(jnp.dot(g, w0[...],
                                preferred_element_type=jnp.float32)
                        + b0[...], 0.0)
        h = jnp.maximum(jnp.dot(h, w1[...],
                                preferred_element_type=jnp.float32)
                        + b1[...], 0.0)
        h = jnp.maximum(jnp.dot(h, w2[...],
                                preferred_element_type=jnp.float32)
                        + b2[...], 0.0)
        return jnp.max(h.reshape(128, ns, 128), axis=1)

    o1 = mlp(g1_ref[...], w10, b10, w11, b11, w12, b12, NS1)
    o2 = mlp(g2_ref[...], w20, b20, w21, b21, w22, b22, NS2)
    out_ref[...] = jnp.concatenate([o1, o2], axis=1)


def _mlp(g1, g2, ws):
    nblk = B * NQ // 128
    wspecs = [pl.BlockSpec(w.shape, lambda i: (0, 0)) for w in ws]
    return pl.pallas_call(
        _mlp_body,
        grid=(nblk,),
        in_specs=[
            pl.BlockSpec((128 * NS1, 8), lambda i: (i, 0)),
            pl.BlockSpec((128 * NS2, 8), lambda i: (i, 0)),
            *wspecs,
        ],
        out_specs=pl.BlockSpec((128, 256), lambda i: (i, 0)),
        out_shape=jax.ShapeDtypeStruct((B * NQ, 256), jnp.float32),
    )(g1, g2, *ws)




def kernel(pointcloud, w1_0, b1_0, w1_1, b1_1, w1_2, b1_2,
           w2_0, b2_0, w2_1, b2_1, w2_2, b2_2):
    x = pointcloud[:, :, 0]
    y = pointcloud[:, :, 1]
    z = pointcloud[:, :, 2]
    f0 = pointcloud[:, :, 3]
    f1 = pointcloud[:, :, 4]
    f2 = pointcloud[:, :, 5]

    nxc = _fps(x.reshape(B, 128, 128), y.reshape(B, 128, 128),
               z.reshape(B, 128, 128))

    g1, g2 = _make_sc_group()(x, y, z, f0, f1, f2, nxc.reshape(NQ * 3 * B))
    g1 = g1.reshape(B * NQ * NS1, 8)
    g2 = g2.reshape(B * NQ * NS2, 8)

    def pad8(w):
        return jnp.zeros((8, w.shape[1]), jnp.float32).at[:6].set(w)

    ws = [pad8(w1_0), b1_0.reshape(1, -1), w1_1, b1_1.reshape(1, -1),
          w1_2, b1_2.reshape(1, -1),
          pad8(w2_0), b2_0.reshape(1, -1), w2_1, b2_1.reshape(1, -1),
          w2_2, b2_2.reshape(1, -1)]
    out = _mlp(g1, g2, ws)
    return out.reshape(B, NQ, 256)

# --- scband reference (transcript-rebuilt; emitter-appended) ---
"""Pipeline reference for scband-pointnet2-msg-12678743458428 (READ-ONLY COPY).

The authoritative reference and input builder live on the scoring server;
editing this copy changes nothing except your own understanding.
"""

import jax, jax.numpy as jnp
import numpy as np

NPOINT = 1024
RADII = (0.5, 1.0)
NSAMPLES = (16, 32)
DIMS1 = (6, 64, 64, 128)
DIMS2 = (6, 64, 96, 128)


def fps(xyz, npoint):
    B, N, _ = xyz.shape
    def body(i, state):
        idxs, dists, farthest = state
        idxs = idxs.at[:, i].set(farthest)
        centroid = xyz[jnp.arange(B), farthest][:, None, :]
        d = jnp.sum((xyz - centroid) ** 2, axis=-1)
        dists = jnp.minimum(dists, d)
        farthest = jnp.argmax(dists, axis=-1).astype(jnp.int32)
        return (idxs, dists, farthest)
    idxs = jnp.zeros((B, npoint), jnp.int32)
    dists = jnp.full((B, N), 1e10, jnp.float32)
    farthest = jnp.zeros((B,), jnp.int32)
    idxs, _, _ = jax.lax.fori_loop(0, npoint, body, (idxs, dists, farthest))
    return idxs


def gather_points(x, idx):
    return jax.vmap(lambda a, i: a[i])(x, idx)


def ball_query(xyz, new_xyz, radius, nsample):
    N = xyz.shape[1]
    d2 = jnp.sum((new_xyz[:, :, None, :] - xyz[:, None, :, :]) ** 2, axis=-1)
    ar = jnp.arange(N, dtype=jnp.int32)
    idx = jnp.where(d2 <= radius * radius, ar[None, None, :], N).astype(jnp.int32)
    idx = jnp.sort(idx, axis=-1)[:, :, :nsample]
    first = idx[:, :, :1]
    first = jnp.where(first == N, 0, first)
    idx = jnp.where(idx == N, first, idx)
    return idx


def setup_inputs(seed: int = 0):
    key = jax.random.key(seed)
    keys = jax.random.split(key, 16)
    inp = {}
    inp['pointcloud'] = jax.random.normal(keys[0], (4, 16384, 6), jnp.float32)
    k = 1
    for s, dims in ((1, DIMS1), (2, DIMS2)):
        for i in range(3):
            inp['w%d_%d' % (s, i)] = jax.random.normal(keys[k], (dims[i], dims[i + 1]), jnp.float32) / np.sqrt(dims[i])
            inp['b%d_%d' % (s, i)] = jnp.zeros((dims[i + 1],), jnp.float32)
            k += 1
    return inp


def reference(pointcloud, w1_0, b1_0, w1_1, b1_1, w1_2, b1_2, w2_0, b2_0, w2_1, b2_1, w2_2, b2_2):
    xyz = pointcloud[..., :3]
    feats = pointcloud[..., 3:]
    fidx = fps(xyz, NPOINT)
    new_xyz = gather_points(xyz, fidx)
    params = (((w1_0, b1_0), (w1_1, b1_1), (w1_2, b1_2)),
              ((w2_0, b2_0), (w2_1, b2_1), (w2_2, b2_2)))
    outs = []
    for radius, nsample, ps in zip(RADII, NSAMPLES, params):
        idx = ball_query(xyz, new_xyz, radius, nsample)
        g_xyz = gather_points(xyz, idx) - new_xyz[:, :, None, :]
        g_feat = gather_points(feats, idx)
        h = jnp.concatenate([g_xyz, g_feat], axis=-1)
        for W, b in ps:
            h = jax.nn.relu(h @ W + b)
        outs.append(jnp.max(h, axis=2))
    return jnp.concatenate(outs, axis=-1)

if __name__ == "__main__":
    import jax
    _d = setup_inputs()
    print(jax.jit(kernel)(*tuple(_d.values())))

</pallas_src>

<mosaic_0001>
#map = affine_map<(d0, d1) -> (0, 0)>
#map1 = affine_map<(d0, d1) -> (0)>
module attributes {stable_mosaic.version = 14 : i64} {
  func.func @_sc_group_body(%arg0: i32, %arg1: i32, %arg2: memref<4x16384xf32, #tpu.memory_space<hbm>>, %arg3: memref<4x16384xf32, #tpu.memory_space<hbm>>, %arg4: memref<4x16384xf32, #tpu.memory_space<hbm>>, %arg5: memref<4x16384xf32, #tpu.memory_space<hbm>>, %arg6: memref<4x16384xf32, #tpu.memory_space<hbm>>, %arg7: memref<4x16384xf32, #tpu.memory_space<hbm>>, %arg8: memref<12288xf32, #tpu.memory_space<hbm>>, %arg9: memref<524288xf32, #tpu.memory_space<hbm>>, %arg10: memref<1048576xf32, #tpu.memory_space<hbm>>, %arg11: memref<16384xf32, #tpu.memory_space<vmem>>, %arg12: memref<16384xf32, #tpu.memory_space<vmem>>, %arg13: memref<16384xf32, #tpu.memory_space<vmem>>, %arg14: memref<16384xf32, #tpu.memory_space<vmem>>, %arg15: memref<16384xf32, #tpu.memory_space<vmem>>, %arg16: memref<16384xf32, #tpu.memory_space<vmem>>, %arg17: memref<1536xf32, #tpu.memory_space<vmem>>, %arg18: memref<16xi32, #tpu.memory_space<vmem>>, %arg19: memref<32xi32, #tpu.memory_space<vmem>>, %arg20: memref<2048xf32, #tpu.memory_space<vmem>>, %arg21: memref<4096xf32, #tpu.memory_space<vmem>>) attributes {dimension_semantics = [#tpu.dimension_semantics<core_parallel>, #tpu.dimension_semantics<subcore_parallel>], iteration_bounds = array<i64: 2, 16>, scalar_prefetch = 0 : i64, scratch_operands = 11 : i64, tpu.core_type = #tpu.core_type<sc_vector_subcore>, window_params = [{transform_indices = #map}, {transform_indices = #map}, {transform_indices = #map}, {transform_indices = #map}, {transform_indices = #map}, {transform_indices = #map}, {transform_indices = #map1}, {transform_indices = #map1}, {transform_indices = #map1}]} {
    %mul3A = arith.constant 2 : i32
    %mul3A_0 = arith.muli %arg1, %mul3A : i32
    %add3A = arith.addi %mul3A_0, %arg0 : i32
    %jit3A = arith.constant 8 : i32
    %div3A = arith.divsi %add3A, %jit3A : i32
    %sign3A = arith.constant 0 : i32
    %sign3A_1 = arith.cmpi sgt, %add3A, %sign3A : i32
    %sign3A_2 = arith.extui %sign3A_1 : i1 to i32
    %sign3A_3 = arith.constant 0 : i32
    %sign3A_4 = arith.cmpi slt, %add3A, %sign3A_3 : i32
    %sign3A_5 = arith.extui %sign3A_4 : i1 to i32
    %sign3A_6 = arith.subi %sign3A_2, %sign3A_5 : i32
    %sign3A_7 = arith.constant 0 : i32
    %sign3A_8 = arith.cmpi sgt, %jit3A, %sign3A_7 : i32
    %sign3A_9 = arith.extui %sign3A_8 : i1 to i32
    %sign3A_10 = arith.constant 0 : i32
    %sign3A_11 = arith.cmpi slt, %jit3A, %sign3A_10 : i32
    %sign3A_12 = arith.extui %sign3A_11 : i1 to i32
    %sign3A_13 = arith.subi %sign3A_9, %sign3A_12 : i32
    %ne3A = arith.cmpi ne, %sign3A_6, %sign3A_13 : i32
    %rem3A = arith.remsi %add3A, %jit3A : i32
    %ne3A_14 = arith.constant 0 : i32
    %ne3A_15 = arith.cmpi ne, %rem3A, %ne3A_14 : i32
    %and3A = arith.andi %ne3A, %ne3A_15 : i1
    %sub3A = arith.constant 1 : i32
    %sub3A_16 = arith.subi %div3A, %sub3A : i32
    %select_n3A = arith.select %and3A, %sub3A_16, %div3A : i32
    %jit3A_17 = arith.constant 8 : i32
    %eq3A = arith.constant 0 : i32
    %eq3A_18 = arith.cmpi eq, %jit3A_17, %eq3A : i32
    %jit3A_19 = arith.constant 1 : i32
    %select_n3A_20 = arith.select %eq3A_18, %jit3A_19, %jit3A_17 : i32
    %rem3A_21 = arith.remsi %add3A, %select_n3A_20 : i32
    %ne3A_22 = arith.constant 0 : i32
    %ne3A_23 = arith.cmpi ne, %rem3A_21, %ne3A_22 : i32
    %lt3A = arith.constant 0 : i32
    %lt3A_24 = arith.cmpi slt, %rem3A_21, %lt3A : i32
    %lt3A_25 = arith.constant 0 : i32
    %lt3A_26 = arith.cmpi slt, %select_n3A_20, %lt3A_25 : i32
    %ne3A_27 = arith.xori %lt3A_24, %lt3A_26 : i1
    %and3A_28 = arith.andi %ne3A_27, %ne3A_23 : i1
    %add3A_29 = arith.addi %rem3A_21, %select_n3A_20 : i32
    %select_n3A_30 = arith.select %and3A_28, %add3A_29, %rem3A_21 : i32
    %mul3A_31 = arith.constant 128 : i32
    %mul3A_32 = arith.muli %select_n3A_30, %mul3A_31 : i32
    "tpu.region"() ({
      %run_scoped3A = tpu.sem_alloc : memref<!tpu.dma_semaphore, #tpu.memory_space<semaphore_mem>>
      %dma_start3A = arith.constant 0 : i32
      %dma_start3A_811 = tpu.memref_slice %arg2[%select_n3A, %dma_start3A] : memref<4x16384xf32, #tpu.memory_space<hbm>> -> memref<1x16384xf32, #tpu.memory_space<hbm>>
      %dma_start3A_812 = tpu.memref_squeeze %dma_start3A_811 : memref<1x16384xf32, #tpu.memory_space<hbm>> -> memref<16384xf32, #tpu.memory_space<hbm>>
      %dma_start3A_813 = arith.constant 0 : i32
      %dma_start3A_814 = tpu.memref_slice %arg2[%select_n3A, %dma_start3A_813] : memref<4x16384xf32, #tpu.memory_space<hbm>> -> memref<1x16384xf32, #tpu.memory_space<hbm>>
      %dma_start3A_815 = tpu.memref_squeeze %dma_start3A_814 : memref<1x16384xf32, #tpu.memory_space<hbm>> -> memref<16384xf32, #tpu.memory_space<hbm>>
      tpu.enqueue_dma source(%dma_start3A_815 : memref<16384xf32, #tpu.memory_space<hbm>>) target(%arg11 : memref<16384xf32, #tpu.memory_space<vmem>>) target_semaphore(%run_scoped3A : memref<!tpu.dma_semaphore, #tpu.memory_space<semaphore_mem>>)
      %dma_wait3A = arith.constant 0 : i32
      %dma_wait3A_816 = tpu.memref_slice %arg2[%select_n3A, %dma_wait3A] : memref<4x16384xf32, #tpu.memory_space<hbm>> -> memref<1x16384xf32, #tpu.memory_space<hbm>>
      %dma_wait3A_817 = tpu.memref_squeeze %dma_wait3A_816 : memref<1x16384xf32, #tpu.memory_space<hbm>> -> memref<16384xf32, #tpu.memory_space<hbm>>
      %dma_wait3A_818 = arith.constant 0 : i32
      %dma_wait3A_819 = tpu.memref_slice %arg2[%select_n3A, %dma_wait3A_818] : memref<4x16384xf32, #tpu.memory_space<hbm>> -> memref<1x16384xf32, #tpu.memory_space<hbm>>
      %dma_wait3A_820 = tpu.memref_squeeze %dma_wait3A_819 : memref<1x16384xf32, #tpu.memory_space<hbm>> -> memref<16384xf32, #tpu.memory_space<hbm>>
      tpu.wait_dma2 semaphore(%run_scoped3A : memref<!tpu.dma_semaphore, #tpu.memory_space<semaphore_mem>>) src(%dma_wait3A_820 : memref<16384xf32, #tpu.memory_space<hbm>>) dst(%arg11 : memref<16384xf32, #tpu.memory_space<vmem>>)
      tpu.yield
    }) : () -> ()
    "tpu.region"() ({
      %run_scoped3A = tpu.sem_alloc : memref<!tpu.dma_semaphore, #tpu.memory_space<semaphore_mem>>
      %dma_start3A = arith.constant 0 : i32
      %dma_start3A_811 = tpu.memref_slice %arg3[%select_n3A, %dma_start3A] : memref<4x16384xf32, #tpu.memory_space<hbm>> -> memref<1x16384xf32, #tpu.memory_space<hbm>>
      %dma_start3A_812 = tpu.memref_squeeze %dma_start3A_811 : memref<1x16384xf32, #tpu.memory_space<hbm>> -> memref<16384xf32, #tpu.memory_space<hbm>>
      %dma_start3A_813 = arith.constant 0 : i32
      %dma_start3A_814 = tpu.memref_slice %arg3[%select_n3A, %dma_start3A_813] : memref<4x16384xf32, #tpu.memory_space<hbm>> -> memref<1x16384xf32, #tpu.memory_space<hbm>>
      %dma_start3A_815 = tpu.memref_squeeze %dma_start3A_814 : memref<1x16384xf32, #tpu.memory_space<hbm>> -> memref<16384xf32, #tpu.memory_space<hbm>>
      tpu.enqueue_dma source(%dma_start3A_815 : memref<16384xf32, #tpu.memory_space<hbm>>) target(%arg12 : memref<16384xf32, #tpu.memory_space<vmem>>) target_semaphore(%run_scoped3A : memref<!tpu.dma_semaphore, #tpu.memory_space<semaphore_mem>>)
      %dma_wait3A = arith.constant 0 : i32
      %dma_wait3A_816 = tpu.memref_slice %arg3[%select_n3A, %dma_wait3A] : memref<4x16384xf32, #tpu.memory_space<hbm>> -> memref<1x16384xf32, #tpu.memory_space<hbm>>
      %dma_wait3A_817 = tpu.memref_squeeze %dma_wait3A_816 : memref<1x16384xf32, #tpu.memory_space<hbm>> -> memref<16384xf32, #tpu.memory_space<hbm>>
      %dma_wait3A_818 = arith.constant 0 : i32
      %dma_wait3A_819 = tpu.memref_slice %arg3[%select_n3A, %dma_wait3A_818] : memref<4x16384xf32, #tpu.memory_space<hbm>> -> memref<1x16384xf32, #tpu.memory_space<hbm>>
      %dma_wait3A_820 = tpu.memref_squeeze %dma_wait3A_819 : memref<1x16384xf32, #tpu.memory_space<hbm>> -> memref<16384xf32, #tpu.memory_space<hbm>>
      tpu.wait_dma2 semaphore(%run_scoped3A : memref<!tpu.dma_semaphore, #tpu.memory_space<semaphore_mem>>) src(%dma_wait3A_820 : memref<16384xf32, #tpu.memory_space<hbm>>) dst(%arg12 : memref<16384xf32, #tpu.memory_space<vmem>>)
      tpu.yield
    }) : () -> ()
    "tpu.region"() ({
      %run_scoped3A = tpu.sem_alloc : memref<!tpu.dma_semaphore, #tpu.memory_space<semaphore_mem>>
      %dma_start3A = arith.constant 0 : i32
      %dma_start3A_811 = tpu.memref_slice %arg4[%select_n3A, %dma_start3A] : memref<4x16384xf32, #tpu.memory_space<hbm>> -> memref<1x16384xf32, #tpu.memory_space<hbm>>
      %dma_start3A_812 = tpu.memref_squeeze %dma_start3A_811 : memref<1x16384xf32, #tpu.memory_space<hbm>> -> memref<16384xf32, #tpu.memory_space<hbm>>
      %dma_start3A_813 = arith.constant 0 : i32
      %dma_start3A_814 = tpu.memref_slice %arg4[%select_n3A, %dma_start3A_813] : memref<4x16384xf32, #tpu.memory_space<hbm>> -> memref<1x16384xf32, #tpu.memory_space<hbm>>
      %dma_start3A_815 = tpu.memref_squeeze %dma_start3A_814 : memref<1x16384xf32, #tpu.memory_space<hbm>> -> memref<16384xf32, #tpu.memory_space<hbm>>
      tpu.enqueue_dma source(%dma_start3A_815 : memref<16384xf32, #tpu.memory_space<hbm>>) target(%arg13 : memref<16384xf32, #tpu.memory_space<vmem>>) target_semaphore(%run_scoped3A : memref<!tpu.dma_semaphore, #tpu.memory_space<semaphore_mem>>)
      %dma_wait3A = arith.constant 0 : i32
      %dma_wait3A_816 = tpu.memref_slice %arg4[%select_n3A, %dma_wait3A] : memref<4x16384xf32, #tpu.memory_space<hbm>> -> memref<1x16384xf32, #tpu.memory_space<hbm>>
      %dma_wait3A_817 = tpu.memref_squeeze %dma_wait3A_816 : memref<1x16384xf32, #tpu.memory_space<hbm>> -> memref<16384xf32, #tpu.memory_space<hbm>>
      %dma_wait3A_818 = arith.constant 0 : i32
      %dma_wait3A_819 = tpu.memref_slice %arg4[%select_n3A, %dma_wait3A_818] : memref<4x16384xf32, #tpu.memory_space<hbm>> -> memref<1x16384xf32, #tpu.memory_space<hbm>>
      %dma_wait3A_820 = tpu.memref_squeeze %dma_wait3A_819 : memref<1x16384xf32, #tpu.memory_space<hbm>> -> memref<16384xf32, #tpu.memory_space<hbm>>
      tpu.wait_dma2 semaphore(%run_scoped3A : memref<!tpu.dma_semaphore, #tpu.memory_space<semaphore_mem>>) src(%dma_wait3A_820 : memref<16384xf32, #tpu.memory_space<hbm>>) dst(%arg13 : memref<16384xf32, #tpu.memory_space<vmem>>)
      tpu.yield
    }) : () -> ()
    "tpu.region"() ({
      %run_scoped3A = tpu.sem_alloc : memref<!tpu.dma_semaphore, #tpu.memory_space<semaphore_mem>>
      %dma_start3A = arith.constant 0 : i32
      %dma_start3A_811 = tpu.memref_slice %arg5[%select_n3A, %dma_start3A] : memref<4x16384xf32, #tpu.memory_space<hbm>> -> memref<1x16384xf32, #tpu.memory_space<hbm>>
      %dma_start3A_812 = tpu.memref_squeeze %dma_start3A_811 : memref<1x16384xf32, #tpu.memory_space<hbm>> -> memref<16384xf32, #tpu.memory_space<hbm>>
      %dma_start3A_813 = arith.constant 0 : i32
      %dma_start3A_814 = tpu.memref_slice %arg5[%select_n3A, %dma_start3A_813] : memref<4x16384xf32, #tpu.memory_space<hbm>> -> memref<1x16384xf32, #tpu.memory_space<hbm>>
      %dma_start3A_815 = tpu.memref_squeeze %dma_start3A_814 : memref<1x16384xf32, #tpu.memory_space<hbm>> -> memref<16384xf32, #tpu.memory_space<hbm>>
      tpu.enqueue_dma source(%dma_start3A_815 : memref<16384xf32, #tpu.memory_space<hbm>>) target(%arg14 : memref<16384xf32, #tpu.memory_space<vmem>>) target_semaphore(%run_scoped3A : memref<!tpu.dma_semaphore, #tpu.memory_space<semaphore_mem>>)
      %dma_wait3A = arith.constant 0 : i32
      %dma_wait3A_816 = tpu.memref_slice %arg5[%select_n3A, %dma_wait3A] : memref<4x16384xf32, #tpu.memory_space<hbm>> -> memref<1x16384xf32, #tpu.memory_space<hbm>>
      %dma_wait3A_817 = tpu.memref_squeeze %dma_wait3A_816 : memref<1x16384xf32, #tpu.memory_space<hbm>> -> memref<16384xf32, #tpu.memory_space<hbm>>
      %dma_wait3A_818 = arith.constant 0 : i32
      %dma_wait3A_819 = tpu.memref_slice %arg5[%select_n3A, %dma_wait3A_818] : memref<4x16384xf32, #tpu.memory_space<hbm>> -> memref<1x16384xf32, #tpu.memory_space<hbm>>
      %dma_wait3A_820 = tpu.memref_squeeze %dma_wait3A_819 : memref<1x16384xf32, #tpu.memory_space<hbm>> -> memref<16384xf32, #tpu.memory_space<hbm>>
      tpu.wait_dma2 semaphore(%run_scoped3A : memref<!tpu.dma_semaphore, #tpu.memory_space<semaphore_mem>>) src(%dma_wait3A_820 : memref<16384xf32, #tpu.memory_space<hbm>>) dst(%arg14 : memref<16384xf32, #tpu.memory_space<vmem>>)
      tpu.yield
    }) : () -> ()
    "tpu.region"() ({
      %run_scoped3A = tpu.sem_alloc : memref<!tpu.dma_semaphore, #tpu.memory_space<semaphore_mem>>
      %dma_start3A = arith.constant 0 : i32
      %dma_start3A_811 = tpu.memref_slice %arg6[%select_n3A, %dma_start3A] : memref<4x16384xf32, #tpu.memory_space<hbm>> -> memref<1x16384xf32, #tpu.memory_space<hbm>>
      %dma_start3A_812 = tpu.memref_squeeze %dma_start3A_811 : memref<1x16384xf32, #tpu.memory_space<hbm>> -> memref<16384xf32, #tpu.memory_space<hbm>>
      %dma_start3A_813 = arith.constant 0 : i32
      %dma_start3A_814 = tpu.memref_slice %arg6[%select_n3A, %dma_start3A_813] : memref<4x16384xf32, #tpu.memory_space<hbm>> -> memref<1x16384xf32, #tpu.memory_space<hbm>>
      %dma_start3A_815 = tpu.memref_squeeze %dma_start3A_814 : memref<1x16384xf32, #tpu.memory_space<hbm>> -> memref<16384xf32, #tpu.memory_space<hbm>>
      tpu.enqueue_dma source(%dma_start3A_815 : memref<16384xf32, #tpu.memory_space<hbm>>) target(%arg15 : memref<16384xf32, #tpu.memory_space<vmem>>) target_semaphore(%run_scoped3A : memref<!tpu.dma_semaphore, #tpu.memory_space<semaphore_mem>>)
      %dma_wait3A = arith.constant 0 : i32
      %dma_wait3A_816 = tpu.memref_slice %arg6[%select_n3A, %dma_wait3A] : memref<4x16384xf32, #tpu.memory_space<hbm>> -> memref<1x16384xf32, #tpu.memory_space<hbm>>
      %dma_wait3A_817 = tpu.memref_squeeze %dma_wait3A_816 : memref<1x16384xf32, #tpu.memory_space<hbm>> -> memref<16384xf32, #tpu.memory_space<hbm>>
      %dma_wait3A_818 = arith.constant 0 : i32
      %dma_wait3A_819 = tpu.memref_slice %arg6[%select_n3A, %dma_wait3A_818] : memref<4x16384xf32, #tpu.memory_space<hbm>> -> memref<1x16384xf32, #tpu.memory_space<hbm>>
      %dma_wait3A_820 = tpu.memref_squeeze %dma_wait3A_819 : memref<1x16384xf32, #tpu.memory_space<hbm>> -> memref<16384xf32, #tpu.memory_space<hbm>>
      tpu.wait_dma2 semaphore(%run_scoped3A : memref<!tpu.dma_semaphore, #tpu.memory_space<semaphore_mem>>) src(%dma_wait3A_820 : memref<16384xf32, #tpu.memory_space<hbm>>) dst(%arg15 : memref<16384xf32, #tpu.memory_space<vmem>>)
      tpu.yield
    }) : () -> ()
    "tpu.region"() ({
      %run_scoped3A = tpu.sem_alloc : memref<!tpu.dma_semaphore, #tpu.memory_space<semaphore_mem>>
      %dma_start3A = arith.constant 0 : i32
      %dma_start3A_811 = tpu.memref_slice %arg7[%select_n3A, %dma_start3A] : memref<4x16384xf32, #tpu.memory_space<hbm>> -> memref<1x16384xf32, #tpu.memory_space<hbm>>
      %dma_start3A_812 = tpu.memref_squeeze %dma_start3A_811 : memref<1x16384xf32, #tpu.memory_space<hbm>> -> memref<16384xf32, #tpu.memory_space<hbm>>
      %dma_start3A_813 = arith.constant 0 : i32
      %dma_start3A_814 = tpu.memref_slice %arg7[%select_n3A, %dma_start3A_813] : memref<4x16384xf32, #tpu.memory_space<hbm>> -> memref<1x16384xf32, #tpu.memory_space<hbm>>
      %dma_start3A_815 = tpu.memref_squeeze %dma_start3A_814 : memref<1x16384xf32, #tpu.memory_space<hbm>> -> memref<16384xf32, #tpu.memory_space<hbm>>
      tpu.enqueue_dma source(%dma_start3A_815 : memref<16384xf32, #tpu.memory_space<hbm>>) target(%arg16 : memref<16384xf32, #tpu.memory_space<vmem>>) target_semaphore(%run_scoped3A : memref<!tpu.dma_semaphore, #tpu.memory_space<semaphore_mem>>)
      %dma_wait3A = arith.constant 0 : i32
      %dma_wait3A_816 = tpu.memref_slice %arg7[%select_n3A, %dma_wait3A] : memref<4x16384xf32, #tpu.memory_space<hbm>> -> memref<1x16384xf32, #tpu.memory_space<hbm>>
      %dma_wait3A_817 = tpu.memref_squeeze %dma_wait3A_816 : memref<1x16384xf32, #tpu.memory_space<hbm>> -> memref<16384xf32, #tpu.memory_space<hbm>>
      %dma_wait3A_818 = arith.constant 0 : i32
      %dma_wait3A_819 = tpu.memref_slice %arg7[%select_n3A, %dma_wait3A_818] : memref<4x16384xf32, #tpu.memory_space<hbm>> -> memref<1x16384xf32, #tpu.memory_space<hbm>>
      %dma_wait3A_820 = tpu.memref_squeeze %dma_wait3A_819 : memref<1x16384xf32, #tpu.memory_space<hbm>> -> memref<16384xf32, #tpu.memory_space<hbm>>
      tpu.wait_dma2 semaphore(%run_scoped3A : memref<!tpu.dma_semaphore, #tpu.memory_space<semaphore_mem>>) src(%dma_wait3A_820 : memref<16384xf32, #tpu.memory_space<hbm>>) dst(%arg16 : memref<16384xf32, #tpu.memory_space<vmem>>)
      tpu.yield
    }) : () -> ()
    %mul3A_33 = arith.constant 12 : i32
    %mul3A_34 = arith.muli %mul3A_32, %mul3A_33 : i32
    "tpu.region"() ({
      %run_scoped3A = tpu.sem_alloc : memref<!tpu.dma_semaphore, #tpu.memory_space<semaphore_mem>>
      %dma_start3A = tpu.memref_slice %arg8[%mul3A_34] : memref<12288xf32, #tpu.memory_space<hbm>> -> memref<1536xf32, #tpu.memory_space<hbm>>
      %dma_start3A_811 = tpu.memref_slice %arg8[%mul3A_34] : memref<12288xf32, #tpu.memory_space<hbm>> -> memref<1536xf32, #tpu.memory_space<hbm>>
      tpu.enqueue_dma source(%dma_start3A_811 : memref<1536xf32, #tpu.memory_space<hbm>>) target(%arg17 : memref<1536xf32, #tpu.memory_space<vmem>>) target_semaphore(%run_scoped3A : memref<!tpu.dma_semaphore, #tpu.memory_space<semaphore_mem>>)
      %dma_wait3A = tpu.memref_slice %arg8[%mul3A_34] : memref<12288xf32, #tpu.memory_space<hbm>> -> memref<1536xf32, #tpu.memory_space<hbm>>
      %dma_wait3A_812 = tpu.memref_slice %arg8[%mul3A_34] : memref<12288xf32, #tpu.memory_space<hbm>> -> memref<1536xf32, #tpu.memory_space<hbm>>
      tpu.wait_dma2 semaphore(%run_scoped3A : memref<!tpu.dma_semaphore, #tpu.memory_space<semaphore_mem>>) src(%dma_wait3A_812 : memref<1536xf32, #tpu.memory_space<hbm>>) dst(%arg17 : memref<1536xf32, #tpu.memory_space<vmem>>)
      tpu.yield
    }) : () -> ()
    %iota3A = tpu.iota {dimensions = array<i32: 0>} : vector<16xi32>
    %broadcast_in_dim3A = arith.constant 0 : i32
    %broadcast_in_dim3A_35 = vector.broadcast %broadcast_in_dim3A : i32 to vector<16xi32>
    %broadcast_in_dim3A_36 = arith.constant 0.000000e+00 : f32
    %broadcast_in_dim3A_37 = vector.broadcast %broadcast_in_dim3A_36 : f32 to vector<16xf32>
    %swap3A = arith.constant 0 : index
    %swap3A_38 = tpu.vector_load %arg20[%swap3A] {strides = array<i32>} : memref<2048xf32, #tpu.memory_space<vmem>>, vector<16xf32>,
    tpu.vector_store %arg20[%swap3A], %broadcast_in_dim3A_37 {strides = array<i32>} : memref<2048xf32, #tpu.memory_space<vmem>>, vector<16xf32>,
    %swap3A_39 = arith.constant 16 : index
    %swap3A_40 = tpu.vector_load %arg20[%swap3A_39] {strides = array<i32>} : memref<2048xf32, #tpu.memory_space<vmem>>, vector<16xf32>,
    tpu.vector_store %arg20[%swap3A_39], %broadcast_in_dim3A_37 {strides = array<i32>} : memref<2048xf32, #tpu.memory_space<vmem>>, vector<16xf32>,
    %swap3A_41 = arith.constant 32 : index
    %swap3A_42 = tpu.vector_load %arg20[%swap3A_41] {strides = array<i32>} : memref<2048xf32, #tpu.memory_space<vmem>>, vector<16xf32>,
    tpu.vector_store %arg20[%swap3A_41], %broadcast_in_dim3A_37 {strides = array<i32>} : memref<2048xf32, #tpu.memory_space<vmem>>, vector<16xf32>,
    %swap3A_43 = arith.constant 48 : index
    %swap3A_44 = tpu.vector_load %arg20[%swap3A_43] {strides = array<i32>} : memref<2048xf32, #tpu.memory_space<vmem>>, vector<16xf32>,
    tpu.vector_store %arg20[%swap3A_43], %broadcast_in_dim3A_37 {strides = array<i32>} : memref<2048xf32, #tpu.memory_space<vmem>>, vector<16xf32>,
    %swap3A_45 = arith.constant 64 : index
    %swap3A_46 = tpu.vector_load %arg20[%swap3A_45] {strides = array<i32>} : memref<2048xf32, #tpu.memory_space<vmem>>, vector<16xf32>,
    tpu.vector_store %arg20[%swap3A_45], %broadcast_in_dim3A_37 {strides = array<i32>} : memref<2048xf32, #tpu.memory_space<vmem>>, vector<16xf32>,
    %swap3A_47 = arith.constant 80 : index
    %swap3A_48 = tpu.vector_load %arg20[%swap3A_47] {strides = array<i32>} : memref<2048xf32, #tpu.memory_space<vmem>>, vector<16xf32>,
    tpu.vector_store %arg20[%swap3A_47], %broadcast_in_dim3A_37 {strides = array<i32>} : memref<2048xf32, #tpu.memory_space<vmem>>, vector<16xf32>,
    %swap3A_49 = arith.constant 96 : index
    %swap3A_50 = tpu.vector_load %arg20[%swap3A_49] {strides = array<i32>} : memref<2048xf32, #tpu.memory_space<vmem>>, vector<16xf32>,
    tpu.vector_store %arg20[%swap3A_49], %broadcast_in_dim3A_37 {strides = array<i32>} : memref<2048xf32, #tpu.memory_space<vmem>>, vector<16xf32>,
    %swap3A_51 = arith.constant 112 : index
    %swap3A_52 = tpu.vector_load %arg20[%swap3A_51] {strides = array<i32>} : memref<2048xf32, #tpu.memory_space<vmem>>, vector<16xf32>,
    tpu.vector_store %arg20[%swap3A_51], %broadcast_in_dim3A_37 {strides = array<i32>} : memref<2048xf32, #tpu.memory_space<vmem>>, vector<16xf32>,
    %swap3A_53 = arith.constant 128 : index
    %swap3A_54 = tpu.vector_load %arg20[%swap3A_53] {strides = array<i32>} : memref<2048xf32, #tpu.memory_space<vmem>>, vector<16xf32>,
    tpu.vector_store %arg20[%swap3A_53], %broadcast_in_dim3A_37 {strides = array<i32>} : memref<2048xf32, #tpu.memory_space<vmem>>, vector<16xf32>,
    %swap3A_55 = arith.constant 144 : index
    %swap3A_56 = tpu.vector_load %arg20[%swap3A_55] {strides = array<i32>} : memref<2048xf32, #tpu.memory_space<vmem>>, vector<16xf32>,
    tpu.vector_store %arg20[%swap3A_55], %broadcast_in_dim3A_37 {strides = array<i32>} : memref<2048xf32, #tpu.memory_space<vmem>>, vector<16xf32>,
    %swap3A_57 = arith.constant 160 : index
    %swap3A_58 = tpu.vector_load %arg20[%swap3A_57] {strides = array<i32>} : memref<2048xf32, #tpu.memory_space<vmem>>, vector<16xf32>,
    tpu.vector_store %arg20[%swap3A_57], %broadcast_in_dim3A_37 {strides = array<i32>} : memref<2048xf32, #tpu.memory_space<vmem>>, vector<16xf32>,
    %swap3A_59 = arith.constant 176 : index
    %swap3A_60 = tpu.vector_load %arg20[%swap3A_59] {strides = array<i32>} : memref<2048xf32, #tpu.memory_space<vmem>>, vector<16xf32>,
    tpu.vector_store %arg20[%swap3A_59], %broadcast_in_dim3A_37 {strides = array<i32>} : memref<2048xf32, #tpu.memory_space<vmem>>, vector<16xf32>,
    %swap3A_61 = arith.constant 192 : index
    %swap3A_62 = tpu.vector_load %arg20[%swap3A_61] {strides = array<i32>} : memref<2048xf32, #tpu.memory_space<vmem>>, vector<16xf32>,
    tpu.vector_store %arg20[%swap3A_61], %broadcast_in_dim3A_37 {strides = array<i32>} : memref<2048xf32, #tpu.memory_space<vmem>>, vector<16xf32>,
    %swap3A_63 = arith.constant 208 : index
    %swap3A_64 = tpu.vector_load %arg20[%swap3A_63] {strides = array<i32>} : memref<2048xf32, #tpu.memory_space<vmem>>, vector<16xf32>,
    tpu.vector_store %arg20[%swap3A_63], %broadcast_in_dim3A_37 {strides = array<i32>} : memref<2048xf32, #tpu.memory_space<vmem>>, vector<16xf32>,
    %swap3A_65 = arith.constant 224 : index
    %swap3A_66 = tpu.vector_load %arg20[%swap3A_65] {strides = array<i32>} : memref<2048xf32, #tpu.memory_space<vmem>>, vector<16xf32>,
    tpu.vector_store %arg20[%swap3A_65], %broadcast_in_dim3A_37 {strides = array<i32>} : memref<2048xf32, #tpu.memory_space<vmem>>, vector<16xf32>,
    %swap3A_67 = arith.constant 240 : index
    %swap3A_68 = tpu.vector_load %arg20[%swap3A_67] {strides = array<i32>} : memref<2048xf32, #tpu.memory_space<vmem>>, vector<16xf32>,
    tpu.vector_store %arg20[%swap3A_67], %broadcast_in_dim3A_37 {strides = array<i32>} : memref<2048xf32, #tpu.memory_space<vmem>>, vector<16xf32>,
    %swap3A_69 = arith.constant 256 : index
    %swap3A_70 = tpu.vector_load %arg20[%swap3A_69] {strides = array<i32>} : memref<2048xf32, #tpu.memory_space<vmem>>, vector<16xf32>,
    tpu.vector_store %arg20[%swap3A_69], %broadcast_in_dim3A_37 {strides = array<i32>} : memref<2048xf32, #tpu.memory_space<vmem>>, vector<16xf32>,
    %swap3A_71 = arith.constant 272 : index
    %swap3A_72 = tpu.vector_load %arg20[%swap3A_71] {strides = array<i32>} : memref<2048xf32, #tpu.memory_space<vmem>>, vector<16xf32>,
    tpu.vector_store %arg20[%swap3A_71], %broadcast_in_dim3A_37 {strides = array<i32>} : memref<2048xf32, #tpu.memory_space<vmem>>, vector<16xf32>,
    %swap3A_73 = arith.constant 288 : index
    %swap3A_74 = tpu.vector_load %arg20[%swap3A_73] {strides = array<i32>} : memref<2048xf32, #tpu.memory_space<vmem>>, vector<16xf32>,
    tpu.vector_store %arg20[%swap3A_73], %broadcast_in_dim3A_37 {strides = array<i32>} : memref<2048xf32, #tpu.memory_space<vmem>>, vector<16xf32>,
    %swap3A_75 = arith.constant 304 : index
    %swap3A_76 = tpu.vector_load %arg20[%swap3A_75] {strides = array<i32>} : memref<2048xf32, #tpu.memory_space<vmem>>, vector<16xf32>,
    tpu.vector_store %arg20[%swap3A_75], %broadcast_in_dim3A_37 {strides = array<i32>} : memref<2048xf32, #tpu.memory_space<vmem>>, vector<16xf32>,
    %swap3A_77 = arith.constant 320 : index
    %swap3A_78 = tpu.vector_load %arg20[%swap3A_77] {strides = array<i32>} : memref<2048xf32, #tpu.memory_space<vmem>>, vector<16xf32>,
    tpu.vector_store %arg20[%swap3A_77], %broadcast_in_dim3A_37 {strides = array<i32>} : memref<2048xf32, #tpu.memory_space<vmem>>, vector<16xf32>,
    %swap3A_79 = arith.constant 336 : index
    %swap3A_80 = tpu.vector_load %arg20[%swap3A_79] {strides = array<i32>} : memref<2048xf32, #tpu.memory_space<vmem>>, vector<16xf32>,
    tpu.vector_store %arg20[%swap3A_79], %broadcast_in_dim3A_37 {strides = array<i32>} : memref<2048xf32, #tpu.memory_space<vmem>>, vector<16xf32>,
    %swap3A_81 = arith.constant 352 : index
    %swap3A_82 = tpu.vector_load %arg20[%swap3A_81] {strides = array<i32>} : memref<2048xf32, #tpu.memory_space<vmem>>, vector<16xf32>,
    tpu.vector_store %arg20[%swap3A_81], %broadcast_in_dim3A_37 {strides = array<i32>} : memref<2048xf32, #tpu.memory_space<vmem>>, vector<16xf32>,
    %swap3A_83 = arith.constant 368 : index
    %swap3A_84 = tpu.vector_load %arg20[%swap3A_83] {strides = array<i32>} : memref<2048xf32, #tpu.memory_space<vmem>>, vector<16xf32>,
    tpu.vector_store %arg20[%swap3A_83], %broadcast_in_dim3A_37 {strides = array<i32>} : memref<2048xf32, #tpu.memory_space<vmem>>, vector<16xf32>,
    %swap3A_85 = arith.constant 384 : index
    %swap3A_86 = tpu.vector_load %arg20[%swap3A_85] {strides = array<i32>} : memref<2048xf32, #tpu.memory_space<vmem>>, vector<16xf32>,
    tpu.vector_store %arg20[%swap3A_85], %broadcast_in_dim3A_37 {strides = array<i32>} : memref<2048xf32, #tpu.memory_space<vmem>>, vector<16xf32>,
    %swap3A_87 = arith.constant 400 : index
    %swap3A_88 = tpu.vector_load %arg20[%swap3A_87] {strides = array<i32>} : memref<2048xf32, #tpu.memory_space<vmem>>, vector<16xf32>,
    tpu.vector_store %arg20[%swap3A_87], %broadcast_in_dim3A_37 {strides = array<i32>} : memref<2048xf32, #tpu.memory_space<vmem>>, vector<16xf32>,
    %swap3A_89 = arith.constant 416 : index
    %swap3A_90 = tpu.vector_load %arg20[%swap3A_89] {strides = array<i32>} : memref<2048xf32, #tpu.memory_space<vmem>>, vector<16xf32>,
    tpu.vector_store %arg20[%swap3A_89], %broadcast_in_dim3A_37 {strides = array<i32>} : memref<2048xf32, #tpu.memory_space<vmem>>, vector<16xf32>,
    %swap3A_91 = arith.constant 432 : index
    %swap3A_92 = tpu.vector_load %arg20[%swap3A_91] {strides = array<i32>} : memref<2048xf32, #tpu.memory_space<vmem>>, vector<16xf32>,
    tpu.vector_store %arg20[%swap3A_91], %broadcast_in_dim3A_37 {strides = array<i32>} : memref<2048xf32, #tpu.memory_space<vmem>>, vector<16xf32>,
    %swap3A_93 = arith.constant 448 : index
    %swap3A_94 = tpu.vector_load %arg20[%swap3A_93] {strides = array<i32>} : memref<2048xf32, #tpu.memory_space<vmem>>, vector<16xf32>,
    tpu.vector_store %arg20[%swap3A_93], %broadcast_in_dim3A_37 {strides = array<i32>} : memref<2048xf32, #tpu.memory_space<vmem>>, vector<16xf32>,
    %swap3A_95 = arith.constant 464 : index
    %swap3A_96 = tpu.vector_load %arg20[%swap3A_95] {strides = array<i32>} : memref<2048xf32, #tpu.memory_space<vmem>>, vector<16xf32>,
    tpu.vector_store %arg20[%swap3A_95], %broadcast_in_dim3A_37 {strides = array<i32>} : memref<2048xf32, #tpu.memory_space<vmem>>, vector<16xf32>,
    %swap3A_97 = arith.constant 480 : index
    %swap3A_98 = tpu.vector_load %arg20[%swap3A_97] {strides = array<i32>} : memref<2048xf32, #tpu.memory_space<vmem>>, vector<16xf32>,
    tpu.vector_store %arg20[%swap3A_97], %broadcast_in_dim3A_37 {strides = array<i32>} : memref<2048xf32, #tpu.memory_space<vmem>>, vector<16xf32>,
    %swap3A_99 = arith.constant 496 : index
    %swap3A_100 = tpu.vector_load %arg20[%swap3A_99] {strides = array<i32>} : memref<2048xf32, #tpu.memory_space<vmem>>, vector<16xf32>,
    tpu.vector_store %arg20[%swap3A_99], %broadcast_in_dim3A_37 {strides = array<i32>} : memref<2048xf32, #tpu.memory_space<vmem>>, vector<16xf32>,
    %swap3A_101 = arith.constant 512 : index
    %swap3A_102 = tpu.vector_load %arg20[%swap3A_101] {strides = array<i32>} : memref<2048xf32, #tpu.memory_space<vmem>>, vector<16xf32>,
    tpu.vector_store %arg20[%swap3A_101], %broadcast_in_dim3A_37 {strides = array<i32>} : memref<2048xf32, #tpu.memory_space<vmem>>, vector<16xf32>,
    %swap3A_103 = arith.constant 528 : index
    %swap3A_104 = tpu.vector_load %arg20[%swap3A_103] {strides = array<i32>} : memref<2048xf32, #tpu.memory_space<vmem>>, vector<16xf32>,
    tpu.vector_store %arg20[%swap3A_103], %broadcast_in_dim3A_37 {strides = array<i32>} : memref<2048xf32, #tpu.memory_space<vmem>>, vector<16xf32>,
    %swap3A_105 = arith.constant 544 : index
    %swap3A_106 = tpu.vector_load %arg20[%swap3A_105] {strides = array<i32>} : memref<2048xf32, #tpu.memory_space<vmem>>, vector<16xf32>,
    tpu.vector_store %arg20[%swap3A_105], %broadcast_in_dim3A_37 {strides = array<i32>} : memref<2048xf32, #tpu.memory_space<vmem>>, vector<16xf32>,
    %swap3A_107 = arith.constant 560 : index
    %swap3A_108 = tpu.vector_load %arg20[%swap3A_107] {strides = array<i32>} : memref<2048xf32, #tpu.memory_space<vmem>>, vector<16xf32>,
    tpu.vector_store %arg20[%swap3A_107], %broadcast_in_dim3A_37 {strides = array<i32>} : memref<2048xf32, #tpu.memory_space<vmem>>, vector<16xf32>,
    %swap3A_109 = arith.constant 576 : index
    %swap3A_110 = tpu.vector_load %arg20[%swap3A_109] {strides = array<i32>} : memref<2048xf32, #tpu.memory_space<vmem>>, vector<16xf32>,
    tpu.vector_store %arg20[%swap3A_109], %broadcast_in_dim3A_37 {strides = array<i32>} : memref<2048xf32, #tpu.memory_space<vmem>>, vector<16xf32>,
    %swap3A_111 = arith.constant 592 : index
    %swap3A_112 = tpu.vector_load %arg20[%swap3A_111] {strides = array<i32>} : memref<2048xf32, #tpu.memory_space<vmem>>, vector<16xf32>,
    tpu.vector_store %arg20[%swap3A_111], %broadcast_in_dim3A_37 {strides = array<i32>} : memref<2048xf32, #tpu.memory_space<vmem>>, vector<16xf32>,
    %swap3A_113 = arith.constant 608 : index
    %swap3A_114 = tpu.vector_load %arg20[%swap3A_113] {strides = array<i32>} : memref<2048xf32, #tpu.memory_space<vmem>>, vector<16xf32>,
    tpu.vector_store %arg20[%swap3A_113], %broadcast_in_dim3A_37 {strides = array<i32>} : memref<2048xf32, #tpu.memory_space<vmem>>, vector<16xf32>,
    %swap3A_115 = arith.constant 624 : index
    %swap3A_116 = tpu.vector_load %arg20[%swap3A_115] {strides = array<i32>} : memref<2048xf32, #tpu.memory_space<vmem>>, vector<16xf32>,
    tpu.vector_store %arg20[%swap3A_115], %broadcast_in_dim3A_37 {strides = array<i32>} : memref<2048xf32, #tpu.memory_space<vmem>>, vector<16xf32>,
    %swap3A_117 = arith.constant 640 : index
    %swap3A_118 = tpu.vector_load %arg20[%swap3A_117] {strides = array<i32>} : memref<2048xf32, #tpu.memory_space<vmem>>, vector<16xf32>,
    tpu.vector_store %arg20[%swap3A_117], %broadcast_in_dim3A_37 {strides = array<i32>} : memref<2048xf32, #tpu.memory_space<vmem>>, vector<16xf32>,
    %swap3A_119 = arith.constant 656 : index
    %swap3A_120 = tpu.vector_load %arg20[%swap3A_119] {strides = array<i32>} : memref<2048xf32, #tpu.memory_space<vmem>>, vector<16xf32>,
    tpu.vector_store %arg20[%swap3A_119], %broadcast_in_dim3A_37 {strides = array<i32>} : memref<2048xf32, #tpu.memory_space<vmem>>, vector<16xf32>,
    %swap3A_121 = arith.constant 672 : index
    %swap3A_122 = tpu.vector_load %arg20[%swap3A_121] {strides = array<i32>} : memref<2048xf32, #tpu.memory_space<vmem>>, vector<16xf32>,
    tpu.vector_store %arg20[%swap3A_121], %broadcast_in_dim3A_37 {strides = array<i32>} : memref<2048xf32, #tpu.memory_space<vmem>>, vector<16xf32>,
    %swap3A_123 = arith.constant 688 : index
    %swap3A_124 = tpu.vector_load %arg20[%swap3A_123] {strides = array<i32>} : memref<2048xf32, #tpu.memory_space<vmem>>, vector<16xf32>,
    tpu.vector_store %arg20[%swap3A_123], %broadcast_in_dim3A_37 {strides = array<i32>} : memref<2048xf32, #tpu.memory_space<vmem>>, vector<16xf32>,
    %swap3A_125 = arith.constant 704 : index
    %swap3A_126 = tpu.vector_load %arg20[%swap3A_125] {strides = array<i32>} : memref<2048xf32, #tpu.memory_space<vmem>>, vector<16xf32>,
    tpu.vector_store %arg20[%swap3A_125], %broadcast_in_dim3A_37 {strides = array<i32>} : memref<2048xf32, #tpu.memory_space<vmem>>, vector<16xf32>,
    %swap3A_127 = arith.constant 720 : index
    %swap3A_128 = tpu.vector_load %arg20[%swap3A_127] {strides = array<i32>} : memref<2048xf32, #tpu.memory_space<vmem>>, vector<16xf32>,
    tpu.vector_store %arg20[%swap3A_127], %broadcast_in_dim3A_37 {strides = array<i32>} : memref<2048xf32, #tpu.memory_space<vmem>>, vector<16xf32>,
    %swap3A_129 = arith.constant 736 : index
    %swap3A_130 = tpu.vector_load %arg20[%swap3A_129] {strides = array<i32>} : memref<2048xf32, #tpu.memory_space<vmem>>, vector<16xf32>,
    tpu.vector_store %arg20[%swap3A_129], %broadcast_in_dim3A_37 {strides = array<i32>} : memref<2048xf32, #tpu.memory_space<vmem>>, vector<16xf32>,
    %swap3A_131 = arith.constant 752 : index
    %swap3A_132 = tpu.vector_load %arg20[%swap3A_131] {strides = array<i32>} : memref<2048xf32, #tpu.memory_space<vmem>>, vector<16xf32>,
    tpu.vector_store %arg20[%swap3A_131], %broadcast_in_dim3A_37 {strides = array<i32>} : memref<2048xf32, #tpu.memory_space<vmem>>, vector<16xf32>,
    %swap3A_133 = arith.constant 768 : index
    %swap3A_134 = tpu.vector_load %arg20[%swap3A_133] {strides = array<i32>} : memref<2048xf32, #tpu.memory_space<vmem>>, vector<16xf32>,
    tpu.vector_store %arg20[%swap3A_133], %broadcast_in_dim3A_37 {strides = array<i32>} : memref<2048xf32, #tpu.memory_space<vmem>>, vector<16xf32>,
    %swap3A_135 = arith.constant 784 : index
    %swap3A_136 = tpu.vector_load %arg20[%swap3A_135] {strides = array<i32>} : memref<2048xf32, #tpu.memory_space<vmem>>, vector<16xf32>,
    tpu.vector_store %arg20[%swap3A_135], %broadcast_in_dim3A_37 {strides = array<i32>} : memref<2048xf32, #tpu.memory_space<vmem>>, vector<16xf32>,
    %swap3A_137 = arith.constant 800 : index
    %swap3A_138 = tpu.vector_load %arg20[%swap3A_137] {strides = array<i32>} : memref<2048xf32, #tpu.memory_space<vmem>>, vector<16xf32>,
    tpu.vector_store %arg20[%swap3A_137], %broadcast_in_dim3A_37 {strides = array<i32>} : memref<2048xf32, #tpu.memory_space<vmem>>, vector<16xf32>,
    %swap3A_139 = arith.constant 816 : index
    %swap3A_140 = tpu.vector_load %arg20[%swap3A_139] {strides = array<i32>} : memref<2048xf32, #tpu.memory_space<vmem>>, vector<16xf32>,
    tpu.vector_store %arg20[%swap3A_139], %broadcast_in_dim3A_37 {strides = array<i32>} : memref<2048xf32, #tpu.memory_space<vmem>>, vector<16xf32>,
    %swap3A_141 = arith.constant 832 : index
    %swap3A_142 = tpu.vector_load %arg20[%swap3A_141] {strides = array<i32>} : memref<2048xf32, #tpu.memory_space<vmem>>, vector<16xf32>,
    tpu.vector_store %arg20[%swap3A_141], %broadcast_in_dim3A_37 {strides = array<i32>} : memref<2048xf32, #tpu.memory_space<vmem>>, vector<16xf32>,
    %swap3A_143 = arith.constant 848 : index
    %swap3A_144 = tpu.vector_load %arg20[%swap3A_143] {strides = array<i32>} : memref<2048xf32, #tpu.memory_space<vmem>>, vector<16xf32>,
    tpu.vector_store %arg20[%swap3A_143], %broadcast_in_dim3A_37 {strides = array<i32>} : memref<2048xf32, #tpu.memory_space<vmem>>, vector<16xf32>,
    %swap3A_145 = arith.constant 864 : index
    %swap3A_146 = tpu.vector_load %arg20[%swap3A_145] {strides = array<i32>} : memref<2048xf32, #tpu.memory_space<vmem>>, vector<16xf32>,
    tpu.vector_store %arg20[%swap3A_145], %broadcast_in_dim3A_37 {strides = array<i32>} : memref<2048xf32, #tpu.memory_space<vmem>>, vector<16xf32>,
    %swap3A_147 = arith.constant 880 : index
    %swap3A_148 = tpu.vector_load %arg20[%swap3A_147] {strides = array<i32>} : memref<2048xf32, #tpu.memory_space<vmem>>, vector<16xf32>,
    tpu.vector_store %arg20[%swap3A_147], %broadcast_in_dim3A_37 {strides = array<i32>} : memref<2048xf32, #tpu.memory_space<vmem>>, vector<16xf32>,
    %swap3A_149 = arith.constant 896 : index
    %swap3A_150 = tpu.vector_load %arg20[%swap3A_149] {strides = array<i32>} : memref<2048xf32, #tpu.memory_space<vmem>>, vector<16xf32>,
    tpu.vector_store %arg20[%swap3A_149], %broadcast_in_dim3A_37 {strides = array<i32>} : memref<2048xf32, #tpu.memory_space<vmem>>, vector<16xf32>,
    %swap3A_151 = arith.constant 912 : index
    %swap3A_152 = tpu.vector_load %arg20[%swap3A_151] {strides = array<i32>} : memref<2048xf32, #tpu.memory_space<vmem>>, vector<16xf32>,
    tpu.vector_store %arg20[%swap3A_151], %broadcast_in_dim3A_37 {strides = array<i32>} : memref<2048xf32, #tpu.memory_space<vmem>>, vector<16xf32>,
    %swap3A_153 = arith.constant 928 : index
    %swap3A_154 = tpu.vector_load %arg20[%swap3A_153] {strides = array<i32>} : memref<2048xf32, #tpu.memory_space<vmem>>, vector<16xf32>,
    tpu.vector_store %arg20[%swap3A_153], %broadcast_in_dim3A_37 {strides = array<i32>} : memref<2048xf32, #tpu.memory_space<vmem>>, vector<16xf32>,
    %swap3A_155 = arith.constant 944 : index
    %swap3A_156 = tpu.vector_load %arg20[%swap3A_155] {strides = array<i32>} : memref<2048xf32, #tpu.memory_space<vmem>>, vector<16xf32>,
    tpu.vector_store %arg20[%swap3A_155], %broadcast_in_dim3A_37 {strides = array<i32>} : memref<2048xf32, #tpu.memory_space<vmem>>, vector<16xf32>,
    %swap3A_157 = arith.constant 960 : index
    %swap3A_158 = tpu.vector_load %arg20[%swap3A_157] {strides = array<i32>} : memref<2048xf32, #tpu.memory_space<vmem>>, vector<16xf32>,
    tpu.vector_store %arg20[%swap3A_157], %broadcast_in_dim3A_37 {strides = array<i32>} : memref<2048xf32, #tpu.memory_space<vmem>>, vector<16xf32>,
    %swap3A_159 = arith.constant 976 : index
    %swap3A_160 = tpu.vector_load %arg20[%swap3A_159] {strides = array<i32>} : memref<2048xf32, #tpu.memory_space<vmem>>, vector<16xf32>,
    tpu.vector_store %arg20[%swap3A_159], %broadcast_in_dim3A_37 {strides = array<i32>} : memref<2048xf32, #tpu.memory_space<vmem>>, vector<16xf32>,
    %swap3A_161 = arith.constant 992 : index
    %swap3A_162 = tpu.vector_load %arg20[%swap3A_161] {strides = array<i32>} : memref<2048xf32, #tpu.memory_space<vmem>>, vector<16xf32>,
    tpu.vector_store %arg20[%swap3A_161], %broadcast_in_dim3A_37 {strides = array<i32>} : memref<2048xf32, #tpu.memory_space<vmem>>, vector<16xf32>,
    %swap3A_163 = arith.constant 1008 : index
    %swap3A_164 = tpu.vector_load %arg20[%swap3A_163] {strides = array<i32>} : memref<2048xf32, #tpu.memory_space<vmem>>, vector<16xf32>,
    tpu.vector_store %arg20[%swap3A_163], %broadcast_in_dim3A_37 {strides = array<i32>} : memref<2048xf32, #tpu.memory_space<vmem>>, vector<16xf32>,
    %swap3A_165 = arith.constant 1024 : index
    %swap3A_166 = tpu.vector_load %arg20[%swap3A_165] {strides = array<i32>} : memref<2048xf32, #tpu.memory_space<vmem>>, vector<16xf32>,
    tpu.vector_store %arg20[%swap3A_165], %broadcast_in_dim3A_37 {strides = array<i32>} : memref<2048xf32, #tpu.memory_space<vmem>>, vector<16xf32>,
    %swap3A_167 = arith.constant 1040 : index
    %swap3A_168 = tpu.vector_load %arg20[%swap3A_167] {strides = array<i32>} : memref<2048xf32, #tpu.memory_space<vmem>>, vector<16xf32>,
    tpu.vector_store %arg20[%swap3A_167], %broadcast_in_dim3A_37 {strides = array<i32>} : memref<2048xf32, #tpu.memory_space<vmem>>, vector<16xf32>,
    %swap3A_169 = arith.constant 1056 : index
    %swap3A_170 = tpu.vector_load %arg20[%swap3A_169] {strides = array<i32>} : memref<2048xf32, #tpu.memory_space<vmem>>, vector<16xf32>,
    tpu.vector_store %arg20[%swap3A_169], %broadcast_in_dim3A_37 {strides = array<i32>} : memref<2048xf32, #tpu.memory_space<vmem>>, vector<16xf32>,
    %swap3A_171 = arith.constant 1072 : index
    %swap3A_172 = tpu.vector_load %arg20[%swap3A_171] {strides = array<i32>} : memref<2048xf32, #tpu.memory_space<vmem>>, vector<16xf32>,
    tpu.vector_store %arg20[%swap3A_171], %broadcast_in_dim3A_37 {strides = array<i32>} : memref<2048xf32, #tpu.memory_space<vmem>>, vector<16xf32>,
    %swap3A_173 = arith.constant 1088 : index
    %swap3A_174 = tpu.vector_load %arg20[%swap3A_173] {strides = array<i32>} : memref<2048xf32, #tpu.memory_space<vmem>>, vector<16xf32>,
    tpu.vector_store %arg20[%swap3A_173], %broadcast_in_dim3A_37 {strides = array<i32>} : memref<2048xf32, #tpu.memory_space<vmem>>, vector<16xf32>,
    %swap3A_175 = arith.constant 1104 : index
    %swap3A_176 = tpu.vector_load %arg20[%swap3A_175] {strides = array<i32>} : memref<2048xf32, #tpu.memory_space<vmem>>, vector<16xf32>,
    tpu.vector_store %arg20[%swap3A_175], %broadcast_in_dim3A_37 {strides = array<i32>} : memref<2048xf32, #tpu.memory_space<vmem>>, vector<16xf32>,
    %swap3A_177 = arith.constant 1120 : index
    %swap3A_178 = tpu.vector_load %arg20[%swap3A_177] {strides = array<i32>} : memref<2048xf32, #tpu.memory_space<vmem>>, vector<16xf32>,
    tpu.vector_store %arg20[%swap3A_177], %broadcast_in_dim3A_37 {strides = array<i32>} : memref<2048xf32, #tpu.memory_space<vmem>>, vector<16xf32>,
    %swap3A_179 = arith.constant 1136 : index
    %swap3A_180 = tpu.vector_load %arg20[%swap3A_179] {strides = array<i32>} : memref<2048xf32, #tpu.memory_space<vmem>>, vector<16xf32>,
    tpu.vector_store %arg20[%swap3A_179], %broadcast_in_dim3A_37 {strides = array<i32>} : memref<2048xf32, #tpu.memory_space<vmem>>, vector<16xf32>,
    %swap3A_181 = arith.constant 1152 : index
    %swap3A_182 = tpu.vector_load %arg20[%swap3A_181] {strides = array<i32>} : memref<2048xf32, #tpu.memory_space<vmem>>, vector<16xf32>,
    tpu.vector_store %arg20[%swap3A_181], %broadcast_in_dim3A_37 {strides = array<i32>} : memref<2048xf32, #tpu.memory_space<vmem>>, vector<16xf32>,
    %swap3A_183 = arith.constant 1168 : index
    %swap3A_184 = tpu.vector_load %arg20[%swap3A_183] {strides = array<i32>} : memref<2048xf32, #tpu.memory_space<vmem>>, vector<16xf32>,
    tpu.vector_store %arg20[%swap3A_183], %broadcast_in_dim3A_37 {strides = array<i32>} : memref<2048xf32, #tpu.memory_space<vmem>>, vector<16xf32>,
    %swap3A_185 = arith.constant 1184 : index
    %swap3A_186 = tpu.vector_load %arg20[%swap3A_185] {strides = array<i32>} : memref<2048xf32, #tpu.memory_space<vmem>>, vector<16xf32>,
    tpu.vector_store %arg20[%swap3A_185], %broadcast_in_dim3A_37 {strides = array<i32>} : memref<2048xf32, #tpu.memory_space<vmem>>, vector<16xf32>,
    %swap3A_187 = arith.constant 1200 : index
    %swap3A_188 = tpu.vector_load %arg20[%swap3A_187] {strides = array<i32>} : memref<2048xf32, #tpu.memory_space<vmem>>, vector<16xf32>,
    tpu.vector_store %arg20[%swap3A_187], %broadcast_in_dim3A_37 {strides = array<i32>} : memref<2048xf32, #tpu.memory_space<vmem>>, vector<16xf32>,
    %swap3A_189 = arith.constant 1216 : index
    %swap3A_190 = tpu.vector_load %arg20[%swap3A_189] {strides = array<i32>} : memref<2048xf32, #tpu.memory_space<vmem>>, vector<16xf32>,
    tpu.vector_store %arg20[%swap3A_189], %broadcast_in_dim3A_37 {strides = array<i32>} : memref<2048xf32, #tpu.memory_space<vmem>>, vector<16xf32>,
    %swap3A_191 = arith.constant 1232 : index
    %swap3A_192 = tpu.vector_load %arg20[%swap3A_191] {strides = array<i32>} : memref<2048xf32, #tpu.memory_space<vmem>>, vector<16xf32>,
    tpu.vector_store %arg20[%swap3A_191], %broadcast_in_dim3A_37 {strides = array<i32>} : memref<2048xf32, #tpu.memory_space<vmem>>, vector<16xf32>,
    %swap3A_193 = arith.constant 1248 : index
    %swap3A_194 = tpu.vector_load %arg20[%swap3A_193] {strides = array<i32>} : memref<2048xf32, #tpu.memory_space<vmem>>, vector<16xf32>,
    tpu.vector_store %arg20[%swap3A_193], %broadcast_in_dim3A_37 {strides = array<i32>} : memref<2048xf32, #tpu.memory_space<vmem>>, vector<16xf32>,
    %swap3A_195 = arith.constant 1264 : index
    %swap3A_196 = tpu.vector_load %arg20[%swap3A_195] {strides = array<i32>} : memref<2048xf32, #tpu.memory_space<vmem>>, vector<16xf32>,
    tpu.vector_store %arg20[%swap3A_195], %broadcast_in_dim3A_37 {strides = array<i32>} : memref<2048xf32, #tpu.memory_space<vmem>>, vector<16xf32>,
    %swap3A_197 = arith.constant 1280 : index
    %swap3A_198 = tpu.vector_load %arg20[%swap3A_197] {strides = array<i32>} : memref<2048xf32, #tpu.memory_space<vmem>>, vector<16xf32>,
    tpu.vector_store %arg20[%swap3A_197], %broadcast_in_dim3A_37 {strides = array<i32>} : memref<2048xf32, #tpu.memory_space<vmem>>, vector<16xf32>,
    %swap3A_199 = arith.constant 1296 : index
    %swap3A_200 = tpu.vector_load %arg20[%swap3A_199] {strides = array<i32>} : memref<2048xf32, #tpu.memory_space<vmem>>, vector<16xf32>,
    tpu.vector_store %arg20[%swap3A_199], %broadcast_in_dim3A_37 {strides = array<i32>} : memref<2048xf32, #tpu.memory_space<vmem>>, vector<16xf32>,
    %swap3A_201 = arith.constant 1312 : index
    %swap3A_202 = tpu.vector_load %arg20[%swap3A_201] {strides = array<i32>} : memref<2048xf32, #tpu.memory_space<vmem>>, vector<16xf32>,
    tpu.vector_store %arg20[%swap3A_201], %broadcast_in_dim3A_37 {strides = array<i32>} : memref<2048xf32, #tpu.memory_space<vmem>>, vector<16xf32>,
    %swap3A_203 = arith.constant 1328 : index
    %swap3A_204 = tpu.vector_load %arg20[%swap3A_203] {strides = array<i32>} : memref<2048xf32, #tpu.memory_space<vmem>>, vector<16xf32>,
    tpu.vector_store %arg20[%swap3A_203], %broadcast_in_dim3A_37 {strides = array<i32>} : memref<2048xf32, #tpu.memory_space<vmem>>, vector<16xf32>,
    %swap3A_205 = arith.constant 1344 : index
    %swap3A_206 = tpu.vector_load %arg20[%swap3A_205] {strides = array<i32>} : memref<2048xf32, #tpu.memory_space<vmem>>, vector<16xf32>,
    tpu.vector_store %arg20[%swap3A_205], %broadcast_in_dim3A_37 {strides = array<i32>} : memref<2048xf32, #tpu.memory_space<vmem>>, vector<16xf32>,
    %swap3A_207 = arith.constant 1360 : index
    %swap3A_208 = tpu.vector_load %arg20[%swap3A_207] {strides = array<i32>} : memref<2048xf32, #tpu.memory_space<vmem>>, vector<16xf32>,
    tpu.vector_store %arg20[%swap3A_207], %broadcast_in_dim3A_37 {strides = array<i32>} : memref<2048xf32, #tpu.memory_space<vmem>>, vector<16xf32>,
    %swap3A_209 = arith.constant 1376 : index
    %swap3A_210 = tpu.vector_load %arg20[%swap3A_209] {strides = array<i32>} : memref<2048xf32, #tpu.memory_space<vmem>>, vector<16xf32>,
    tpu.vector_store %arg20[%swap3A_209], %broadcast_in_dim3A_37 {strides = array<i32>} : memref<2048xf32, #tpu.memory_space<vmem>>, vector<16xf32>,
    %swap3A_211 = arith.constant 1392 : index
    %swap3A_212 = tpu.vector_load %arg20[%swap3A_211] {strides = array<i32>} : memref<2048xf32, #tpu.memory_space<vmem>>, vector<16xf32>,
    tpu.vector_store %arg20[%swap3A_211], %broadcast_in_dim3A_37 {strides = array<i32>} : memref<2048xf32, #tpu.memory_space<vmem>>, vector<16xf32>,
    %swap3A_213 = arith.constant 1408 : index
    %swap3A_214 = tpu.vector_load %arg20[%swap3A_213] {strides = array<i32>} : memref<2048xf32, #tpu.memory_space<vmem>>, vector<16xf32>,
    tpu.vector_store %arg20[%swap3A_213], %broadcast_in_dim3A_37 {strides = array<i32>} : memref<2048xf32, #tpu.memory_space<vmem>>, vector<16xf32>,
    %swap3A_215 = arith.constant 1424 : index
    %swap3A_216 = tpu.vector_load %arg20[%swap3A_215] {strides = array<i32>} : memref<2048xf32, #tpu.memory_space<vmem>>, vector<16xf32>,
    tpu.vector_store %arg20[%swap3A_215], %broadcast_in_dim3A_37 {strides = array<i32>} : memref<2048xf32, #tpu.memory_space<vmem>>, vector<16xf32>,
    %swap3A_217 = arith.constant 1440 : index
    %swap3A_218 = tpu.vector_load %arg20[%swap3A_217] {strides = array<i32>} : memref<2048xf32, #tpu.memory_space<vmem>>, vector<16xf32>,
    tpu.vector_store %arg20[%swap3A_217], %broadcast_in_dim3A_37 {strides = array<i32>} : memref<2048xf32, #tpu.memory_space<vmem>>, vector<16xf32>,
    %swap3A_219 = arith.constant 1456 : index
    %swap3A_220 = tpu.vector_load %arg20[%swap3A_219] {strides = array<i32>} : memref<2048xf32, #tpu.memory_space<vmem>>, vector<16xf32>,
    tpu.vector_store %arg20[%swap3A_219], %broadcast_in_dim3A_37 {strides = array<i32>} : memref<2048xf32, #tpu.memory_space<vmem>>, vector<16xf32>,
    %swap3A_221 = arith.constant 1472 : index
    %swap3A_222 = tpu.vector_load %arg20[%swap3A_221] {strides = array<i32>} : memref<2048xf32, #tpu.memory_space<vmem>>, vector<16xf32>,
    tpu.vector_store %arg20[%swap3A_221], %broadcast_in_dim3A_37 {strides = array<i32>} : memref<2048xf32, #tpu.memory_space<vmem>>, vector<16xf32>,
    %swap3A_223 = arith.constant 1488 : index
    %swap3A_224 = tpu.vector_load %arg20[%swap3A_223] {strides = array<i32>} : memref<2048xf32, #tpu.memory_space<vmem>>, vector<16xf32>,
    tpu.vector_store %arg20[%swap3A_223], %broadcast_in_dim3A_37 {strides = array<i32>} : memref<2048xf32, #tpu.memory_space<vmem>>, vector<16xf32>,
    %swap3A_225 = arith.constant 1504 : index
    %swap3A_226 = tpu.vector_load %arg20[%swap3A_225] {strides = array<i32>} : memref<2048xf32, #tpu.memory_space<vmem>>, vector<16xf32>,
    tpu.vector_store %arg20[%swap3A_225], %broadcast_in_dim3A_37 {strides = array<i32>} : memref<2048xf32, #tpu.memory_space<vmem>>, vector<16xf32>,
    %swap3A_227 = arith.constant 1520 : index
    %swap3A_228 = tpu.vector_load %arg20[%swap3A_227] {strides = array<i32>} : memref<2048xf32, #tpu.memory_space<vmem>>, vector<16xf32>,
    tpu.vector_store %arg20[%swap3A_227], %broadcast_in_dim3A_37 {strides = array<i32>} : memref<2048xf32, #tpu.memory_space<vmem>>, vector<16xf32>,
    %swap3A_229 = arith.constant 1536 : index
    %swap3A_230 = tpu.vector_load %arg20[%swap3A_229] {strides = array<i32>} : memref<2048xf32, #tpu.memory_space<vmem>>, vector<16xf32>,
    tpu.vector_store %arg20[%swap3A_229], %broadcast_in_dim3A_37 {strides = array<i32>} : memref<2048xf32, #tpu.memory_space<vmem>>, vector<16xf32>,
    %swap3A_231 = arith.constant 1552 : index
    %swap3A_232 = tpu.vector_load %arg20[%swap3A_231] {strides = array<i32>} : memref<2048xf32, #tpu.memory_space<vmem>>, vector<16xf32>,
    tpu.vector_store %arg20[%swap3A_231], %broadcast_in_dim3A_37 {strides = array<i32>} : memref<2048xf32, #tpu.memory_space<vmem>>, vector<16xf32>,
    %swap3A_233 = arith.constant 1568 : index
    %swap3A_234 = tpu.vector_load %arg20[%swap3A_233] {strides = array<i32>} : memref<2048xf32, #tpu.memory_space<vmem>>, vector<16xf32>,
    tpu.vector_store %arg20[%swap3A_233], %broadcast_in_dim3A_37 {strides = array<i32>} : memref<2048xf32, #tpu.memory_space<vmem>>, vector<16xf32>,
    %swap3A_235 = arith.constant 1584 : index
    %swap3A_236 = tpu.vector_load %arg20[%swap3A_235] {strides = array<i32>} : memref<2048xf32, #tpu.memory_space<vmem>>, vector<16xf32>,
    tpu.vector_store %arg20[%swap3A_235], %broadcast_in_dim3A_37 {strides = array<i32>} : memref<2048xf32, #tpu.memory_space<vmem>>, vector<16xf32>,
    %swap3A_237 = arith.constant 1600 : index
    %swap3A_238 = tpu.vector_load %arg20[%swap3A_237] {strides = array<i32>} : memref<2048xf32, #tpu.memory_space<vmem>>, vector<16xf32>,
    tpu.vector_store %arg20[%swap3A_237], %broadcast_in_dim3A_37 {strides = array<i32>} : memref<2048xf32, #tpu.memory_space<vmem>>, vector<16xf32>,
    %swap3A_239 = arith.constant 1616 : index
    %swap3A_240 = tpu.vector_load %arg20[%swap3A_239] {strides = array<i32>} : memref<2048xf32, #tpu.memory_space<vmem>>, vector<16xf32>,
    tpu.vector_store %arg20[%swap3A_239], %broadcast_in_dim3A_37 {strides = array<i32>} : memref<2048xf32, #tpu.memory_space<vmem>>, vector<16xf32>,
    %swap3A_241 = arith.constant 1632 : index
    %swap3A_242 = tpu.vector_load %arg20[%swap3A_241] {strides = array<i32>} : memref<2048xf32, #tpu.memory_space<vmem>>, vector<16xf32>,
    tpu.vector_store %arg20[%swap3A_241], %broadcast_in_dim3A_37 {strides = array<i32>} : memref<2048xf32, #tpu.memory_space<vmem>>, vector<16xf32>,
    %swap3A_243 = arith.constant 1648 : index
    %swap3A_244 = tpu.vector_load %arg20[%swap3A_243] {strides = array<i32>} : memref<2048xf32, #tpu.memory_space<vmem>>, vector<16xf32>,
    tpu.vector_store %arg20[%swap3A_243], %broadcast_in_dim3A_37 {strides = array<i32>} : memref<2048xf32, #tpu.memory_space<vmem>>, vector<16xf32>,
    %swap3A_245 = arith.constant 1664 : index
    %swap3A_246 = tpu.vector_load %arg20[%swap3A_245] {strides = array<i32>} : memref<2048xf32, #tpu.memory_space<vmem>>, vector<16xf32>,
    tpu.vector_store %arg20[%swap3A_245], %broadcast_in_dim3A_37 {strides = array<i32>} : memref<2048xf32, #tpu.memory_space<vmem>>, vector<16xf32>,
    %swap3A_247 = arith.constant 1680 : index
    %swap3A_248 = tpu.vector_load %arg20[%swap3A_247] {strides = array<i32>} : memref<2048xf32, #tpu.memory_space<vmem>>, vector<16xf32>,
    tpu.vector_store %arg20[%swap3A_247], %broadcast_in_dim3A_37 {strides = array<i32>} : memref<2048xf32, #tpu.memory_space<vmem>>, vector<16xf32>,
    %swap3A_249 = arith.constant 1696 : index
    %swap3A_250 = tpu.vector_load %arg20[%swap3A_249] {strides = array<i32>} : memref<2048xf32, #tpu.memory_space<vmem>>, vector<16xf32>,
    tpu.vector_store %arg20[%swap3A_249], %broadcast_in_dim3A_37 {strides = array<i32>} : memref<2048xf32, #tpu.memory_space<vmem>>, vector<16xf32>,
    %swap3A_251 = arith.constant 1712 : index
    %swap3A_252 = tpu.vector_load %arg20[%swap3A_251] {strides = array<i32>} : memref<2048xf32, #tpu.memory_space<vmem>>, vector<16xf32>,
    tpu.vector_store %arg20[%swap3A_251], %broadcast_in_dim3A_37 {strides = array<i32>} : memref<2048xf32, #tpu.memory_space<vmem>>, vector<16xf32>,
    %swap3A_253 = arith.constant 1728 : index
    %swap3A_254 = tpu.vector_load %arg20[%swap3A_253] {strides = array<i32>} : memref<2048xf32, #tpu.memory_space<vmem>>, vector<16xf32>,
    tpu.vector_store %arg20[%swap3A_253], %broadcast_in_dim3A_37 {strides = array<i32>} : memref<2048xf32, #tpu.memory_space<vmem>>, vector<16xf32>,
    %swap3A_255 = arith.constant 1744 : index
    %swap3A_256 = tpu.vector_load %arg20[%swap3A_255] {strides = array<i32>} : memref<2048xf32, #tpu.memory_space<vmem>>, vector<16xf32>,
    tpu.vector_store %arg20[%swap3A_255], %broadcast_in_dim3A_37 {strides = array<i32>} : memref<2048xf32, #tpu.memory_space<vmem>>, vector<16xf32>,
    %swap3A_257 = arith.constant 1760 : index
    %swap3A_258 = tpu.vector_load %arg20[%swap3A_257] {strides = array<i32>} : memref<2048xf32, #tpu.memory_space<vmem>>, vector<16xf32>,
    tpu.vector_store %arg20[%swap3A_257], %broadcast_in_dim3A_37 {strides = array<i32>} : memref<2048xf32, #tpu.memory_space<vmem>>, vector<16xf32>,
    %swap3A_259 = arith.constant 1776 : index
    %swap3A_260 = tpu.vector_load %arg20[%swap3A_259] {strides = array<i32>} : memref<2048xf32, #tpu.memory_space<vmem>>, vector<16xf32>,
    tpu.vector_store %arg20[%swap3A_259], %broadcast_in_dim3A_37 {strides = array<i32>} : memref<2048xf32, #tpu.memory_space<vmem>>, vector<16xf32>,
    %swap3A_261 = arith.constant 1792 : index
    %swap3A_262 = tpu.vector_load %arg20[%swap3A_261] {strides = array<i32>} : memref<2048xf32, #tpu.memory_space<vmem>>, vector<16xf32>,
    tpu.vector_store %arg20[%swap3A_261], %broadcast_in_dim3A_37 {strides = array<i32>} : memref<2048xf32, #tpu.memory_space<vmem>>, vector<16xf32>,
    %swap3A_263 = arith.constant 1808 : index
    %swap3A_264 = tpu.vector_load %arg20[%swap3A_263] {strides = array<i32>} : memref<2048xf32, #tpu.memory_space<vmem>>, vector<16xf32>,
    tpu.vector_store %arg20[%swap3A_263], %broadcast_in_dim3A_37 {strides = array<i32>} : memref<2048xf32, #tpu.memory_space<vmem>>, vector<16xf32>,
    %swap3A_265 = arith.constant 1824 : index
    %swap3A_266 = tpu.vector_load %arg20[%swap3A_265] {strides = array<i32>} : memref<2048xf32, #tpu.memory_space<vmem>>, vector<16xf32>,
    tpu.vector_store %arg20[%swap3A_265], %broadcast_in_dim3A_37 {strides = array<i32>} : memref<2048xf32, #tpu.memory_space<vmem>>, vector<16xf32>,
    %swap3A_267 = arith.constant 1840 : index
    %swap3A_268 = tpu.vector_load %arg20[%swap3A_267] {strides = array<i32>} : memref<2048xf32, #tpu.memory_space<vmem>>, vector<16xf32>,
    tpu.vector_store %arg20[%swap3A_267], %broadcast_in_dim3A_37 {strides = array<i32>} : memref<2048xf32, #tpu.memory_space<vmem>>, vector<16xf32>,
    %swap3A_269 = arith.constant 1856 : index
    %swap3A_270 = tpu.vector_load %arg20[%swap3A_269] {strides = array<i32>} : memref<2048xf32, #tpu.memory_space<vmem>>, vector<16xf32>,
    tpu.vector_store %arg20[%swap3A_269], %broadcast_in_dim3A_37 {strides = array<i32>} : memref<2048xf32, #tpu.memory_space<vmem>>, vector<16xf32>,
    %swap3A_271 = arith.constant 1872 : index
    %swap3A_272 = tpu.vector_load %arg20[%swap3A_271] {strides = array<i32>} : memref<2048xf32, #tpu.memory_space<vmem>>, vector<16xf32>,
    tpu.vector_store %arg20[%swap3A_271], %broadcast_in_dim3A_37 {strides = array<i32>} : memref<2048xf32, #tpu.memory_space<vmem>>, vector<16xf32>,
    %swap3A_273 = arith.constant 1888 : index
    %swap3A_274 = tpu.vector_load %arg20[%swap3A_273] {strides = array<i32>} : memref<2048xf32, #tpu.memory_space<vmem>>, vector<16xf32>,
    tpu.vector_store %arg20[%swap3A_273], %broadcast_in_dim3A_37 {strides = array<i32>} : memref<2048xf32, #tpu.memory_space<vmem>>, vector<16xf32>,
    %swap3A_275 = arith.constant 1904 : index
    %swap3A_276 = tpu.vector_load %arg20[%swap3A_275] {strides = array<i32>} : memref<2048xf32, #tpu.memory_space<vmem>>, vector<16xf32>,
    tpu.vector_store %arg20[%swap3A_275], %broadcast_in_dim3A_37 {strides = array<i32>} : memref<2048xf32, #tpu.memory_space<vmem>>, vector<16xf32>,
    %swap3A_277 = arith.constant 1920 : index
    %swap3A_278 = tpu.vector_load %arg20[%swap3A_277] {strides = array<i32>} : memref<2048xf32, #tpu.memory_space<vmem>>, vector<16xf32>,
    tpu.vector_store %arg20[%swap3A_277], %broadcast_in_dim3A_37 {strides = array<i32>} : memref<2048xf32, #tpu.memory_space<vmem>>, vector<16xf32>,
    %swap3A_279 = arith.constant 1936 : index
    %swap3A_280 = tpu.vector_load %arg20[%swap3A_279] {strides = array<i32>} : memref<2048xf32, #tpu.memory_space<vmem>>, vector<16xf32>,
    tpu.vector_store %arg20[%swap3A_279], %broadcast_in_dim3A_37 {strides = array<i32>} : memref<2048xf32, #tpu.memory_space<vmem>>, vector<16xf32>,
    %swap3A_281 = arith.constant 1952 : index
    %swap3A_282 = tpu.vector_load %arg20[%swap3A_281] {strides = array<i32>} : memref<2048xf32, #tpu.memory_space<vmem>>, vector<16xf32>,
    tpu.vector_store %arg20[%swap3A_281], %broadcast_in_dim3A_37 {strides = array<i32>} : memref<2048xf32, #tpu.memory_space<vmem>>, vector<16xf32>,
    %swap3A_283 = arith.constant 1968 : index
    %swap3A_284 = tpu.vector_load %arg20[%swap3A_283] {strides = array<i32>} : memref<2048xf32, #tpu.memory_space<vmem>>, vector<16xf32>,
    tpu.vector_store %arg20[%swap3A_283], %broadcast_in_dim3A_37 {strides = array<i32>} : memref<2048xf32, #tpu.memory_space<vmem>>, vector<16xf32>,
    %swap3A_285 = arith.constant 1984 : index
    %swap3A_286 = tpu.vector_load %arg20[%swap3A_285] {strides = array<i32>} : memref<2048xf32, #tpu.memory_space<vmem>>, vector<16xf32>,
    tpu.vector_store %arg20[%swap3A_285], %broadcast_in_dim3A_37 {strides = array<i32>} : memref<2048xf32, #tpu.memory_space<vmem>>, vector<16xf32>,
    %swap3A_287 = arith.constant 2000 : index
    %swap3A_288 = tpu.vector_load %arg20[%swap3A_287] {strides = array<i32>} : memref<2048xf32, #tpu.memory_space<vmem>>, vector<16xf32>,
    tpu.vector_store %arg20[%swap3A_287], %broadcast_in_dim3A_37 {strides = array<i32>} : memref<2048xf32, #tpu.memory_space<vmem>>, vector<16xf32>,
    %swap3A_289 = arith.constant 2016 : index
    %swap3A_290 = tpu.vector_load %arg20[%swap3A_289] {strides = array<i32>} : memref<2048xf32, #tpu.memory_space<vmem>>, vector<16xf32>,
    tpu.vector_store %arg20[%swap3A_289], %broadcast_in_dim3A_37 {strides = array<i32>} : memref<2048xf32, #tpu.memory_space<vmem>>, vector<16xf32>,
    %swap3A_291 = arith.constant 2032 : index
    %swap3A_292 = tpu.vector_load %arg20[%swap3A_291] {strides = array<i32>} : memref<2048xf32, #tpu.memory_space<vmem>>, vector<16xf32>,
    tpu.vector_store %arg20[%swap3A_291], %broadcast_in_dim3A_37 {strides = array<i32>} : memref<2048xf32, #tpu.memory_space<vmem>>, vector<16xf32>,
    %swap3A_293 = arith.constant 0 : index
    %swap3A_294 = tpu.vector_load %arg21[%swap3A_293] {strides = array<i32>} : memref<4096xf32, #tpu.memory_space<vmem>>, vector<16xf32>,
    tpu.vector_store %arg21[%swap3A_293], %broadcast_in_dim3A_37 {strides = array<i32>} : memref<4096xf32, #tpu.memory_space<vmem>>, vector<16xf32>,
    %swap3A_295 = arith.constant 16 : index
    %swap3A_296 = tpu.vector_load %arg21[%swap3A_295] {strides = array<i32>} : memref<4096xf32, #tpu.memory_space<vmem>>, vector<16xf32>,
    tpu.vector_store %arg21[%swap3A_295], %broadcast_in_dim3A_37 {strides = array<i32>} : memref<4096xf32, #tpu.memory_space<vmem>>, vector<16xf32>,
    %swap3A_297 = arith.constant 32 : index
    %swap3A_298 = tpu.vector_load %arg21[%swap3A_297] {strides = array<i32>} : memref<4096xf32, #tpu.memory_space<vmem>>, vector<16xf32>,
    tpu.vector_store %arg21[%swap3A_297], %broadcast_in_dim3A_37 {strides = array<i32>} : memref<4096xf32, #tpu.memory_space<vmem>>, vector<16xf32>,
    %swap3A_299 = arith.constant 48 : index
    %swap3A_300 = tpu.vector_load %arg21[%swap3A_299] {strides = array<i32>} : memref<4096xf32, #tpu.memory_space<vmem>>, vector<16xf32>,
    tpu.vector_store %arg21[%swap3A_299], %broadcast_in_dim3A_37 {strides = array<i32>} : memref<4096xf32, #tpu.memory_space<vmem>>, vector<16xf32>,
    %swap3A_301 = arith.constant 64 : index
    %swap3A_302 = tpu.vector_load %arg21[%swap3A_301] {strides = array<i32>} : memref<4096xf32, #tpu.memory_space<vmem>>, vector<16xf32>,
    tpu.vector_store %arg21[%swap3A_301], %broadcast_in_dim3A_37 {strides = array<i32>} : memref<4096xf32, #tpu.memory_space<vmem>>, vector<16xf32>,
    %swap3A_303 = arith.constant 80 : index
    %swap3A_304 = tpu.vector_load %arg21[%swap3A_303] {strides = array<i32>} : memref<4096xf32, #tpu.memory_space<vmem>>, vector<16xf32>,
    tpu.vector_store %arg21[%swap3A_303], %broadcast_in_dim3A_37 {strides = array<i32>} : memref<4096xf32, #tpu.memory_space<vmem>>, vector<16xf32>,
    %swap3A_305 = arith.constant 96 : index
    %swap3A_306 = tpu.vector_load %arg21[%swap3A_305] {strides = array<i32>} : memref<4096xf32, #tpu.memory_space<vmem>>, vector<16xf32>,
    tpu.vector_store %arg21[%swap3A_305], %broadcast_in_dim3A_37 {strides = array<i32>} : memref<4096xf32, #tpu.memory_space<vmem>>, vector<16xf32>,
    %swap3A_307 = arith.constant 112 : index
    %swap3A_308 = tpu.vector_load %arg21[%swap3A_307] {strides = array<i32>} : memref<4096xf32, #tpu.memory_space<vmem>>, vector<16xf32>,
    tpu.vector_store %arg21[%swap3A_307], %broadcast_in_dim3A_37 {strides = array<i32>} : memref<4096xf32, #tpu.memory_space<vmem>>, vector<16xf32>,
    %swap3A_309 = arith.constant 128 : index
    %swap3A_310 = tpu.vector_load %arg21[%swap3A_309] {strides = array<i32>} : memref<4096xf32, #tpu.memory_space<vmem>>, vector<16xf32>,
    tpu.vector_store %arg21[%swap3A_309], %broadcast_in_dim3A_37 {strides = array<i32>} : memref<4096xf32, #tpu.memory_space<vmem>>, vector<16xf32>,
    %swap3A_311 = arith.constant 144 : index
    %swap3A_312 = tpu.vector_load %arg21[%swap3A_311] {strides = array<i32>} : memref<4096xf32, #tpu.memory_space<vmem>>, vector<16xf32>,
    tpu.vector_store %arg21[%swap3A_311], %broadcast_in_dim3A_37 {strides = array<i32>} : memref<4096xf32, #tpu.memory_space<vmem>>, vector<16xf32>,
    %swap3A_313 = arith.constant 160 : index
    %swap3A_314 = tpu.vector_load %arg21[%swap3A_313] {strides = array<i32>} : memref<4096xf32, #tpu.memory_space<vmem>>, vector<16xf32>,
    tpu.vector_store %arg21[%swap3A_313], %broadcast_in_dim3A_37 {strides = array<i32>} : memref<4096xf32, #tpu.memory_space<vmem>>, vector<16xf32>,
    %swap3A_315 = arith.constant 176 : index
    %swap3A_316 = tpu.vector_load %arg21[%swap3A_315] {strides = array<i32>} : memref<4096xf32, #tpu.memory_space<vmem>>, vector<16xf32>,
    tpu.vector_store %arg21[%swap3A_315], %broadcast_in_dim3A_37 {strides = array<i32>} : memref<4096xf32, #tpu.memory_space<vmem>>, vector<16xf32>,
    %swap3A_317 = arith.constant 192 : index
    %swap3A_318 = tpu.vector_load %arg21[%swap3A_317] {strides = array<i32>} : memref<4096xf32, #tpu.memory_space<vmem>>, vector<16xf32>,
    tpu.vector_store %arg21[%swap3A_317], %broadcast_in_dim3A_37 {strides = array<i32>} : memref<4096xf32, #tpu.memory_space<vmem>>, vector<16xf32>,
    %swap3A_319 = arith.constant 208 : index
    %swap3A_320 = tpu.vector_load %arg21[%swap3A_319] {strides = array<i32>} : memref<4096xf32, #tpu.memory_space<vmem>>, vector<16xf32>,
    tpu.vector_store %arg21[%swap3A_319], %broadcast_in_dim3A_37 {strides = array<i32>} : memref<4096xf32, #tpu.memory_space<vmem>>, vector<16xf32>,
    %swap3A_321 = arith.constant 224 : index
    %swap3A_322 = tpu.vector_load %arg21[%swap3A_321] {strides = array<i32>} : memref<4096xf32, #tpu.memory_space<vmem>>, vector<16xf32>,
    tpu.vector_store %arg21[%swap3A_321], %broadcast_in_dim3A_37 {strides = array<i32>} : memref<4096xf32, #tpu.memory_space<vmem>>, vector<16xf32>,
    %swap3A_323 = arith.constant 240 : index
    %swap3A_324 = tpu.vector_load %arg21[%swap3A_323] {strides = array<i32>} : memref<4096xf32, #tpu.memory_space<vmem>>, vector<16xf32>,
    tpu.vector_store %arg21[%swap3A_323], %broadcast_in_dim3A_37 {strides = array<i32>} : memref<4096xf32, #tpu.memory_space<vmem>>, vector<16xf32>,
    %swap3A_325 = arith.constant 256 : index
    %swap3A_326 = tpu.vector_load %arg21[%swap3A_325] {strides = array<i32>} : memref<4096xf32, #tpu.memory_space<vmem>>, vector<16xf32>,
    tpu.vector_store %arg21[%swap3A_325], %broadcast_in_dim3A_37 {strides = array<i32>} : memref<4096xf32, #tpu.memory_space<vmem>>, vector<16xf32>,
    %swap3A_327 = arith.constant 272 : index
    %swap3A_328 = tpu.vector_load %arg21[%swap3A_327] {strides = array<i32>} : memref<4096xf32, #tpu.memory_space<vmem>>, vector<16xf32>,
    tpu.vector_store %arg21[%swap3A_327], %broadcast_in_dim3A_37 {strides = array<i32>} : memref<4096xf32, #tpu.memory_space<vmem>>, vector<16xf32>,
    %swap3A_329 = arith.constant 288 : index
    %swap3A_330 = tpu.vector_load %arg21[%swap3A_329] {strides = array<i32>} : memref<4096xf32, #tpu.memory_space<vmem>>, vector<16xf32>,
    tpu.vector_store %arg21[%swap3A_329], %broadcast_in_dim3A_37 {strides = array<i32>} : memref<4096xf32, #tpu.memory_space<vmem>>, vector<16xf32>,
    %swap3A_331 = arith.constant 304 : index
    %swap3A_332 = tpu.vector_load %arg21[%swap3A_331] {strides = array<i32>} : memref<4096xf32, #tpu.memory_space<vmem>>, vector<16xf32>,
    tpu.vector_store %arg21[%swap3A_331], %broadcast_in_dim3A_37 {strides = array<i32>} : memref<4096xf32, #tpu.memory_space<vmem>>, vector<16xf32>,
    %swap3A_333 = arith.constant 320 : index
    %swap3A_334 = tpu.vector_load %arg21[%swap3A_333] {strides = array<i32>} : memref<4096xf32, #tpu.memory_space<vmem>>, vector<16xf32>,
    tpu.vector_store %arg21[%swap3A_333], %broadcast_in_dim3A_37 {strides = array<i32>} : memref<4096xf32, #tpu.memory_space<vmem>>, vector<16xf32>,
    %swap3A_335 = arith.constant 336 : index
    %swap3A_336 = tpu.vector_load %arg21[%swap3A_335] {strides = array<i32>} : memref<4096xf32, #tpu.memory_space<vmem>>, vector<16xf32>,
    tpu.vector_store %arg21[%swap3A_335], %broadcast_in_dim3A_37 {strides = array<i32>} : memref<4096xf32, #tpu.memory_space<vmem>>, vector<16xf32>,
    %swap3A_337 = arith.constant 352 : index
    %swap3A_338 = tpu.vector_load %arg21[%swap3A_337] {strides = array<i32>} : memref<4096xf32, #tpu.memory_space<vmem>>, vector<16xf32>,
    tpu.vector_store %arg21[%swap3A_337], %broadcast_in_dim3A_37 {strides = array<i32>} : memref<4096xf32, #tpu.memory_space<vmem>>, vector<16xf32>,
    %swap3A_339 = arith.constant 368 : index
    %swap3A_340 = tpu.vector_load %arg21[%swap3A_339] {strides = array<i32>} : memref<4096xf32, #tpu.memory_space<vmem>>, vector<16xf32>,
    tpu.vector_store %arg21[%swap3A_339], %broadcast_in_dim3A_37 {strides = array<i32>} : memref<4096xf32, #tpu.memory_space<vmem>>, vector<16xf32>,
    %swap3A_341 = arith.constant 384 : index
    %swap3A_342 = tpu.vector_load %arg21[%swap3A_341] {strides = array<i32>} : memref<4096xf32, #tpu.memory_space<vmem>>, vector<16xf32>,
    tpu.vector_store %arg21[%swap3A_341], %broadcast_in_dim3A_37 {strides = array<i32>} : memref<4096xf32, #tpu.memory_space<vmem>>, vector<16xf32>,
    %swap3A_343 = arith.constant 400 : index
    %swap3A_344 = tpu.vector_load %arg21[%swap3A_343] {strides = array<i32>} : memref<4096xf32, #tpu.memory_space<vmem>>, vector<16xf32>,
    tpu.vector_store %arg21[%swap3A_343], %broadcast_in_dim3A_37 {strides = array<i32>} : memref<4096xf32, #tpu.memory_space<vmem>>, vector<16xf32>,
    %swap3A_345 = arith.constant 416 : index
    %swap3A_346 = tpu.vector_load %arg21[%swap3A_345] {strides = array<i32>} : memref<4096xf32, #tpu.memory_space<vmem>>, vector<16xf32>,
    tpu.vector_store %arg21[%swap3A_345], %broadcast_in_dim3A_37 {strides = array<i32>} : memref<4096xf32, #tpu.memory_space<vmem>>, vector<16xf32>,
    %swap3A_347 = arith.constant 432 : index
    %swap3A_348 = tpu.vector_load %arg21[%swap3A_347] {strides = array<i32>} : memref<4096xf32, #tpu.memory_space<vmem>>, vector<16xf32>,
    tpu.vector_store %arg21[%swap3A_347], %broadcast_in_dim3A_37 {strides = array<i32>} : memref<4096xf32, #tpu.memory_space<vmem>>, vector<16xf32>,
    %swap3A_349 = arith.constant 448 : index
    %swap3A_350 = tpu.vector_load %arg21[%swap3A_349] {strides = array<i32>} : memref<4096xf32, #tpu.memory_space<vmem>>, vector<16xf32>,
    tpu.vector_store %arg21[%swap3A_349], %broadcast_in_dim3A_37 {strides = array<i32>} : memref<4096xf32, #tpu.memory_space<vmem>>, vector<16xf32>,
    %swap3A_351 = arith.constant 464 : index
    %swap3A_352 = tpu.vector_load %arg21[%swap3A_351] {strides = array<i32>} : memref<4096xf32, #tpu.memory_space<vmem>>, vector<16xf32>,
    tpu.vector_store %arg21[%swap3A_351], %broadcast_in_dim3A_37 {strides = array<i32>} : memref<4096xf32, #tpu.memory_space<vmem>>, vector<16xf32>,
    %swap3A_353 = arith.constant 480 : index
    %swap3A_354 = tpu.vector_load %arg21[%swap3A_353] {strides = array<i32>} : memref<4096xf32, #tpu.memory_space<vmem>>, vector<16xf32>,
    tpu.vector_store %arg21[%swap3A_353], %broadcast_in_dim3A_37 {strides = array<i32>} : memref<4096xf32, #tpu.memory_space<vmem>>, vector<16xf32>,
    %swap3A_355 = arith.constant 496 : index
    %swap3A_356 = tpu.vector_load %arg21[%swap3A_355] {strides = array<i32>} : memref<4096xf32, #tpu.memory_space<vmem>>, vector<16xf32>,
    tpu.vector_store %arg21[%swap3A_355], %broadcast_in_dim3A_37 {strides = array<i32>} : memref<4096xf32, #tpu.memory_space<vmem>>, vector<16xf32>,
    %swap3A_357 = arith.constant 512 : index
    %swap3A_358 = tpu.vector_load %arg21[%swap3A_357] {strides = array<i32>} : memref<4096xf32, #tpu.memory_space<vmem>>, vector<16xf32>,
    tpu.vector_store %arg21[%swap3A_357], %broadcast_in_dim3A_37 {strides = array<i32>} : memref<4096xf32, #tpu.memory_space<vmem>>, vector<16xf32>,
    %swap3A_359 = arith.constant 528 : index
    %swap3A_360 = tpu.vector_load %arg21[%swap3A_359] {strides = array<i32>} : memref<4096xf32, #tpu.memory_space<vmem>>, vector<16xf32>,
    tpu.vector_store %arg21[%swap3A_359], %broadcast_in_dim3A_37 {strides = array<i32>} : memref<4096xf32, #tpu.memory_space<vmem>>, vector<16xf32>,
    %swap3A_361 = arith.constant 544 : index
    %swap3A_362 = tpu.vector_load %arg21[%swap3A_361] {strides = array<i32>} : memref<4096xf32, #tpu.memory_space<vmem>>, vector<16xf32>,
    tpu.vector_store %arg21[%swap3A_361], %broadcast_in_dim3A_37 {strides = array<i32>} : memref<4096xf32, #tpu.memory_space<vmem>>, vector<16xf32>,
    %swap3A_363 = arith.constant 560 : index
    %swap3A_364 = tpu.vector_load %arg21[%swap3A_363] {strides = array<i32>} : memref<4096xf32, #tpu.memory_space<vmem>>, vector<16xf32>,
    tpu.vector_store %arg21[%swap3A_363], %broadcast_in_dim3A_37 {strides = array<i32>} : memref<4096xf32, #tpu.memory_space<vmem>>, vector<16xf32>,
    %swap3A_365 = arith.constant 576 : index
    %swap3A_366 = tpu.vector_load %arg21[%swap3A_365] {strides = array<i32>} : memref<4096xf32, #tpu.memory_space<vmem>>, vector<16xf32>,
    tpu.vector_store %arg21[%swap3A_365], %broadcast_in_dim3A_37 {strides = array<i32>} : memref<4096xf32, #tpu.memory_space<vmem>>, vector<16xf32>,
    %swap3A_367 = arith.constant 592 : index
    %swap3A_368 = tpu.vector_load %arg21[%swap3A_367] {strides = array<i32>} : memref<4096xf32, #tpu.memory_space<vmem>>, vector<16xf32>,
    tpu.vector_store %arg21[%swap3A_367], %broadcast_in_dim3A_37 {strides = array<i32>} : memref<4096xf32, #tpu.memory_space<vmem>>, vector<16xf32>,
    %swap3A_369 = arith.constant 608 : index
    %swap3A_370 = tpu.vector_load %arg21[%swap3A_369] {strides = array<i32>} : memref<4096xf32, #tpu.memory_space<vmem>>, vector<16xf32>,
    tpu.vector_store %arg21[%swap3A_369], %broadcast_in_dim3A_37 {strides = array<i32>} : memref<4096xf32, #tpu.memory_space<vmem>>, vector<16xf32>,
    %swap3A_371 = arith.constant 624 : index
    %swap3A_372 = tpu.vector_load %arg21[%swap3A_371] {strides = array<i32>} : memref<4096xf32, #tpu.memory_space<vmem>>, vector<16xf32>,
    tpu.vector_store %arg21[%swap3A_371], %broadcast_in_dim3A_37 {strides = array<i32>} : memref<4096xf32, #tpu.memory_space<vmem>>, vector<16xf32>,
    %swap3A_373 = arith.constant 640 : index
    %swap3A_374 = tpu.vector_load %arg21[%swap3A_373] {strides = array<i32>} : memref<4096xf32, #tpu.memory_space<vmem>>, vector<16xf32>,
    tpu.vector_store %arg21[%swap3A_373], %broadcast_in_dim3A_37 {strides = array<i32>} : memref<4096xf32, #tpu.memory_space<vmem>>, vector<16xf32>,
    %swap3A_375 = arith.constant 656 : index
    %swap3A_376 = tpu.vector_load %arg21[%swap3A_375] {strides = array<i32>} : memref<4096xf32, #tpu.memory_space<vmem>>, vector<16xf32>,
    tpu.vector_store %arg21[%swap3A_375], %broadcast_in_dim3A_37 {strides = array<i32>} : memref<4096xf32, #tpu.memory_space<vmem>>, vector<16xf32>,
    %swap3A_377 = arith.constant 672 : index
    %swap3A_378 = tpu.vector_load %arg21[%swap3A_377] {strides = array<i32>} : memref<4096xf32, #tpu.memory_space<vmem>>, vector<16xf32>,
    tpu.vector_store %arg21[%swap3A_377], %broadcast_in_dim3A_37 {strides = array<i32>} : memref<4096xf32, #tpu.memory_space<vmem>>, vector<16xf32>,
    %swap3A_379 = arith.constant 688 : index
    %swap3A_380 = tpu.vector_load %arg21[%swap3A_379] {strides = array<i32>} : memref<4096xf32, #tpu.memory_space<vmem>>, vector<16xf32>,
    tpu.vector_store %arg21[%swap3A_379], %broadcast_in_dim3A_37 {strides = array<i32>} : memref<4096xf32, #tpu.memory_space<vmem>>, vector<16xf32>,
    %swap3A_381 = arith.constant 704 : index
    %swap3A_382 = tpu.vector_load %arg21[%swap3A_381] {strides = array<i32>} : memref<4096xf32, #tpu.memory_space<vmem>>, vector<16xf32>,
    tpu.vector_store %arg21[%swap3A_381], %broadcast_in_dim3A_37 {strides = array<i32>} : memref<4096xf32, #tpu.memory_space<vmem>>, vector<16xf32>,
    %swap3A_383 = arith.constant 720 : index
    %swap3A_384 = tpu.vector_load %arg21[%swap3A_383] {strides = array<i32>} : memref<4096xf32, #tpu.memory_space<vmem>>, vector<16xf32>,
    tpu.vector_store %arg21[%swap3A_383], %broadcast_in_dim3A_37 {strides = array<i32>} : memref<4096xf32, #tpu.memory_space<vmem>>, vector<16xf32>,
    %swap3A_385 = arith.constant 736 : index
    %swap3A_386 = tpu.vector_load %arg21[%swap3A_385] {strides = array<i32>} : memref<4096xf32, #tpu.memory_space<vmem>>, vector<16xf32>,
    tpu.vector_store %arg21[%swap3A_385], %broadcast_in_dim3A_37 {strides = array<i32>} : memref<4096xf32, #tpu.memory_space<vmem>>, vector<16xf32>,
    %swap3A_387 = arith.constant 752 : index
    %swap3A_388 = tpu.vector_load %arg21[%swap3A_387] {strides = array<i32>} : memref<4096xf32, #tpu.memory_space<vmem>>, vector<16xf32>,
    tpu.vector_store %arg21[%swap3A_387], %broadcast_in_dim3A_37 {strides = array<i32>} : memref<4096xf32, #tpu.memory_space<vmem>>, vector<16xf32>,
    %swap3A_389 = arith.constant 768 : index
    %swap3A_390 = tpu.vector_load %arg21[%swap3A_389] {strides = array<i32>} : memref<4096xf32, #tpu.memory_space<vmem>>, vector<16xf32>,
    tpu.vector_store %arg21[%swap3A_389], %broadcast_in_dim3A_37 {strides = array<i32>} : memref<4096xf32, #tpu.memory_space<vmem>>, vector<16xf32>,
    %swap3A_391 = arith.constant 784 : index
    %swap3A_392 = tpu.vector_load %arg21[%swap3A_391] {strides = array<i32>} : memref<4096xf32, #tpu.memory_space<vmem>>, vector<16xf32>,
    tpu.vector_store %arg21[%swap3A_391], %broadcast_in_dim3A_37 {strides = array<i32>} : memref<4096xf32, #tpu.memory_space<vmem>>, vector<16xf32>,
    %swap3A_393 = arith.constant 800 : index
    %swap3A_394 = tpu.vector_load %arg21[%swap3A_393] {strides = array<i32>} : memref<4096xf32, #tpu.memory_space<vmem>>, vector<16xf32>,
    tpu.vector_store %arg21[%swap3A_393], %broadcast_in_dim3A_37 {strides = array<i32>} : memref<4096xf32, #tpu.memory_space<vmem>>, vector<16xf32>,
    %swap3A_395 = arith.constant 816 : index
    %swap3A_396 = tpu.vector_load %arg21[%swap3A_395] {strides = array<i32>} : memref<4096xf32, #tpu.memory_space<vmem>>, vector<16xf32>,
    tpu.vector_store %arg21[%swap3A_395], %broadcast_in_dim3A_37 {strides = array<i32>} : memref<4096xf32, #tpu.memory_space<vmem>>, vector<16xf32>,
    %swap3A_397 = arith.constant 832 : index
    %swap3A_398 = tpu.vector_load %arg21[%swap3A_397] {strides = array<i32>} : memref<4096xf32, #tpu.memory_space<vmem>>, vector<16xf32>,
    tpu.vector_store %arg21[%swap3A_397], %broadcast_in_dim3A_37 {strides = array<i32>} : memref<4096xf32, #tpu.memory_space<vmem>>, vector<16xf32>,
    %swap3A_399 = arith.constant 848 : index
    %swap3A_400 = tpu.vector_load %arg21[%swap3A_399] {strides = array<i32>} : memref<4096xf32, #tpu.memory_space<vmem>>, vector<16xf32>,
    tpu.vector_store %arg21[%swap3A_399], %broadcast_in_dim3A_37 {strides = array<i32>} : memref<4096xf32, #tpu.memory_space<vmem>>, vector<16xf32>,
    %swap3A_401 = arith.constant 864 : index
    %swap3A_402 = tpu.vector_load %arg21[%swap3A_401] {strides = array<i32>} : memref<4096xf32, #tpu.memory_space<vmem>>, vector<16xf32>,
    tpu.vector_store %arg21[%swap3A_401], %broadcast_in_dim3A_37 {strides = array<i32>} : memref<4096xf32, #tpu.memory_space<vmem>>, vector<16xf32>,
    %swap3A_403 = arith.constant 880 : index
    %swap3A_404 = tpu.vector_load %arg21[%swap3A_403] {strides = array<i32>} : memref<4096xf32, #tpu.memory_space<vmem>>, vector<16xf32>,
    tpu.vector_store %arg21[%swap3A_403], %broadcast_in_dim3A_37 {strides = array<i32>} : memref<4096xf32, #tpu.memory_space<vmem>>, vector<16xf32>,
    %swap3A_405 = arith.constant 896 : index
    %swap3A_406 = tpu.vector_load %arg21[%swap3A_405] {strides = array<i32>} : memref<4096xf32, #tpu.memory_space<vmem>>, vector<16xf32>,
    tpu.vector_store %arg21[%swap3A_405], %broadcast_in_dim3A_37 {strides = array<i32>} : memref<4096xf32, #tpu.memory_space<vmem>>, vector<16xf32>,
    %swap3A_407 = arith.constant 912 : index
    %swap3A_408 = tpu.vector_load %arg21[%swap3A_407] {strides = array<i32>} : memref<4096xf32, #tpu.memory_space<vmem>>, vector<16xf32>,
    tpu.vector_store %arg21[%swap3A_407], %broadcast_in_dim3A_37 {strides = array<i32>} : memref<4096xf32, #tpu.memory_space<vmem>>, vector<16xf32>,
    %swap3A_409 = arith.constant 928 : index
    %swap3A_410 = tpu.vector_load %arg21[%swap3A_409] {strides = array<i32>} : memref<4096xf32, #tpu.memory_space<vmem>>, vector<16xf32>,
    tpu.vector_store %arg21[%swap3A_409], %broadcast_in_dim3A_37 {strides = array<i32>} : memref<4096xf32, #tpu.memory_space<vmem>>, vector<16xf32>,
    %swap3A_411 = arith.constant 944 : index
    %swap3A_412 = tpu.vector_load %arg21[%swap3A_411] {strides = array<i32>} : memref<4096xf32, #tpu.memory_space<vmem>>, vector<16xf32>,
    tpu.vector_store %arg21[%swap3A_411], %broadcast_in_dim3A_37 {strides = array<i32>} : memref<4096xf32, #tpu.memory_space<vmem>>, vector<16xf32>,
    %swap3A_413 = arith.constant 960 : index
    %swap3A_414 = tpu.vector_load %arg21[%swap3A_413] {strides = array<i32>} : memref<4096xf32, #tpu.memory_space<vmem>>, vector<16xf32>,
    tpu.vector_store %arg21[%swap3A_413], %broadcast_in_dim3A_37 {strides = array<i32>} : memref<4096xf32, #tpu.memory_space<vmem>>, vector<16xf32>,
    %swap3A_415 = arith.constant 976 : index
    %swap3A_416 = tpu.vector_load %arg21[%swap3A_415] {strides = array<i32>} : memref<4096xf32, #tpu.memory_space<vmem>>, vector<16xf32>,
    tpu.vector_store %arg21[%swap3A_415], %broadcast_in_dim3A_37 {strides = array<i32>} : memref<4096xf32, #tpu.memory_space<vmem>>, vector<16xf32>,
    %swap3A_417 = arith.constant 992 : index
    %swap3A_418 = tpu.vector_load %arg21[%swap3A_417] {strides = array<i32>} : memref<4096xf32, #tpu.memory_space<vmem>>, vector<16xf32>,
    tpu.vector_store %arg21[%swap3A_417], %broadcast_in_dim3A_37 {strides = array<i32>} : memref<4096xf32, #tpu.memory_space<vmem>>, vector<16xf32>,
    %swap3A_419 = arith.constant 1008 : index
    %swap3A_420 = tpu.vector_load %arg21[%swap3A_419] {strides = array<i32>} : memref<4096xf32, #tpu.memory_space<vmem>>, vector<16xf32>,
    tpu.vector_store %arg21[%swap3A_419], %broadcast_in_dim3A_37 {strides = array<i32>} : memref<4096xf32, #tpu.memory_space<vmem>>, vector<16xf32>,
    %swap3A_421 = arith.constant 1024 : index
    %swap3A_422 = tpu.vector_load %arg21[%swap3A_421] {strides = array<i32>} : memref<4096xf32, #tpu.memory_space<vmem>>, vector<16xf32>,
    tpu.vector_store %arg21[%swap3A_421], %broadcast_in_dim3A_37 {strides = array<i32>} : memref<4096xf32, #tpu.memory_space<vmem>>, vector<16xf32>,
    %swap3A_423 = arith.constant 1040 : index
    %swap3A_424 = tpu.vector_load %arg21[%swap3A_423] {strides = array<i32>} : memref<4096xf32, #tpu.memory_space<vmem>>, vector<16xf32>,
    tpu.vector_store %arg21[%swap3A_423], %broadcast_in_dim3A_37 {strides = array<i32>} : memref<4096xf32, #tpu.memory_space<vmem>>, vector<16xf32>,
    %swap3A_425 = arith.constant 1056 : index
    %swap3A_426 = tpu.vector_load %arg21[%swap3A_425] {strides = array<i32>} : memref<4096xf32, #tpu.memory_space<vmem>>, vector<16xf32>,
    tpu.vector_store %arg21[%swap3A_425], %broadcast_in_dim3A_37 {strides = array<i32>} : memref<4096xf32, #tpu.memory_space<vmem>>, vector<16xf32>,
    %swap3A_427 = arith.constant 1072 : index
    %swap3A_428 = tpu.vector_load %arg21[%swap3A_427] {strides = array<i32>} : memref<4096xf32, #tpu.memory_space<vmem>>, vector<16xf32>,
    tpu.vector_store %arg21[%swap3A_427], %broadcast_in_dim3A_37 {strides = array<i32>} : memref<4096xf32, #tpu.memory_space<vmem>>, vector<16xf32>,
    %swap3A_429 = arith.constant 1088 : index
    %swap3A_430 = tpu.vector_load %arg21[%swap3A_429] {strides = array<i32>} : memref<4096xf32, #tpu.memory_space<vmem>>, vector<16xf32>,
    tpu.vector_store %arg21[%swap3A_429], %broadcast_in_dim3A_37 {strides = array<i32>} : memref<4096xf32, #tpu.memory_space<vmem>>, vector<16xf32>,
    %swap3A_431 = arith.constant 1104 : index
    %swap3A_432 = tpu.vector_load %arg21[%swap3A_431] {strides = array<i32>} : memref<4096xf32, #tpu.memory_space<vmem>>, vector<16xf32>,
    tpu.vector_store %arg21[%swap3A_431], %broadcast_in_dim3A_37 {strides = array<i32>} : memref<4096xf32, #tpu.memory_space<vmem>>, vector<16xf32>,
    %swap3A_433 = arith.constant 1120 : index
    %swap3A_434 = tpu.vector_load %arg21[%swap3A_433] {strides = array<i32>} : memref<4096xf32, #tpu.memory_space<vmem>>, vector<16xf32>,
    tpu.vector_store %arg21[%swap3A_433], %broadcast_in_dim3A_37 {strides = array<i32>} : memref<4096xf32, #tpu.memory_space<vmem>>, vector<16xf32>,
    %swap3A_435 = arith.constant 1136 : index
    %swap3A_436 = tpu.vector_load %arg21[%swap3A_435] {strides = array<i32>} : memref<4096xf32, #tpu.memory_space<vmem>>, vector<16xf32>,
    tpu.vector_store %arg21[%swap3A_435], %broadcast_in_dim3A_37 {strides = array<i32>} : memref<4096xf32, #tpu.memory_space<vmem>>, vector<16xf32>,
    %swap3A_437 = arith.constant 1152 : index
    %swap3A_438 = tpu.vector_load %arg21[%swap3A_437] {strides = array<i32>} : memref<4096xf32, #tpu.memory_space<vmem>>, vector<16xf32>,
    tpu.vector_store %arg21[%swap3A_437], %broadcast_in_dim3A_37 {strides = array<i32>} : memref<4096xf32, #tpu.memory_space<vmem>>, vector<16xf32>,
    %swap3A_439 = arith.constant 1168 : index
    %swap3A_440 = tpu.vector_load %arg21[%swap3A_439] {strides = array<i32>} : memref<4096xf32, #tpu.memory_space<vmem>>, vector<16xf32>,
    tpu.vector_store %arg21[%swap3A_439], %broadcast_in_dim3A_37 {strides = array<i32>} : memref<4096xf32, #tpu.memory_space<vmem>>, vector<16xf32>,
    %swap3A_441 = arith.constant 1184 : index
    %swap3A_442 = tpu.vector_load %arg21[%swap3A_441] {strides = array<i32>} : memref<4096xf32, #tpu.memory_space<vmem>>, vector<16xf32>,
    tpu.vector_store %arg21[%swap3A_441], %broadcast_in_dim3A_37 {strides = array<i32>} : memref<4096xf32, #tpu.memory_space<vmem>>, vector<16xf32>,
    %swap3A_443 = arith.constant 1200 : index
    %swap3A_444 = tpu.vector_load %arg21[%swap3A_443] {strides = array<i32>} : memref<4096xf32, #tpu.memory_space<vmem>>, vector<16xf32>,
    tpu.vector_store %arg21[%swap3A_443], %broadcast_in_dim3A_37 {strides = array<i32>} : memref<4096xf32, #tpu.memory_space<vmem>>, vector<16xf32>,
    %swap3A_445 = arith.constant 1216 : index
    %swap3A_446 = tpu.vector_load %arg21[%swap3A_445] {strides = array<i32>} : memref<4096xf32, #tpu.memory_space<vmem>>, vector<16xf32>,
    tpu.vector_store %arg21[%swap3A_445], %broadcast_in_dim3A_37 {strides = array<i32>} : memref<4096xf32, #tpu.memory_space<vmem>>, vector<16xf32>,
    %swap3A_447 = arith.constant 1232 : index
    %swap3A_448 = tpu.vector_load %arg21[%swap3A_447] {strides = array<i32>} : memref<4096xf32, #tpu.memory_space<vmem>>, vector<16xf32>,
    tpu.vector_store %arg21[%swap3A_447], %broadcast_in_dim3A_37 {strides = array<i32>} : memref<4096xf32, #tpu.memory_space<vmem>>, vector<16xf32>,
    %swap3A_449 = arith.constant 1248 : index
    %swap3A_450 = tpu.vector_load %arg21[%swap3A_449] {strides = array<i32>} : memref<4096xf32, #tpu.memory_space<vmem>>, vector<16xf32>,
    tpu.vector_store %arg21[%swap3A_449], %broadcast_in_dim3A_37 {strides = array<i32>} : memref<4096xf32, #tpu.memory_space<vmem>>, vector<16xf32>,
    %swap3A_451 = arith.constant 1264 : index
    %swap3A_452 = tpu.vector_load %arg21[%swap3A_451] {strides = array<i32>} : memref<4096xf32, #tpu.memory_space<vmem>>, vector<16xf32>,
    tpu.vector_store %arg21[%swap3A_451], %broadcast_in_dim3A_37 {strides = array<i32>} : memref<4096xf32, #tpu.memory_space<vmem>>, vector<16xf32>,
    %swap3A_453 = arith.constant 1280 : index
    %swap3A_454 = tpu.vector_load %arg21[%swap3A_453] {strides = array<i32>} : memref<4096xf32, #tpu.memory_space<vmem>>, vector<16xf32>,
    tpu.vector_store %arg21[%swap3A_453], %broadcast_in_dim3A_37 {strides = array<i32>} : memref<4096xf32, #tpu.memory_space<vmem>>, vector<16xf32>,
    %swap3A_455 = arith.constant 1296 : index
    %swap3A_456 = tpu.vector_load %arg21[%swap3A_455] {strides = array<i32>} : memref<4096xf32, #tpu.memory_space<vmem>>, vector<16xf32>,
    tpu.vector_store %arg21[%swap3A_455], %broadcast_in_dim3A_37 {strides = array<i32>} : memref<4096xf32, #tpu.memory_space<vmem>>, vector<16xf32>,
    %swap3A_457 = arith.constant 1312 : index
    %swap3A_458 = tpu.vector_load %arg21[%swap3A_457] {strides = array<i32>} : memref<4096xf32, #tpu.memory_space<vmem>>, vector<16xf32>,
    tpu.vector_store %arg21[%swap3A_457], %broadcast_in_dim3A_37 {strides = array<i32>} : memref<4096xf32, #tpu.memory_space<vmem>>, vector<16xf32>,
    %swap3A_459 = arith.constant 1328 : index
    %swap3A_460 = tpu.vector_load %arg21[%swap3A_459] {strides = array<i32>} : memref<4096xf32, #tpu.memory_space<vmem>>, vector<16xf32>,
    tpu.vector_store %arg21[%swap3A_459], %broadcast_in_dim3A_37 {strides = array<i32>} : memref<4096xf32, #tpu.memory_space<vmem>>, vector<16xf32>,
    %swap3A_461 = arith.constant 1344 : index
    %swap3A_462 = tpu.vector_load %arg21[%swap3A_461] {strides = array<i32>} : memref<4096xf32, #tpu.memory_space<vmem>>, vector<16xf32>,
    tpu.vector_store %arg21[%swap3A_461], %broadcast_in_dim3A_37 {strides = array<i32>} : memref<4096xf32, #tpu.memory_space<vmem>>, vector<16xf32>,
    %swap3A_463 = arith.constant 1360 : index
    %swap3A_464 = tpu.vector_load %arg21[%swap3A_463] {strides = array<i32>} : memref<4096xf32, #tpu.memory_space<vmem>>, vector<16xf32>,
    tpu.vector_store %arg21[%swap3A_463], %broadcast_in_dim3A_37 {strides = array<i32>} : memref<4096xf32, #tpu.memory_space<vmem>>, vector<16xf32>,
    %swap3A_465 = arith.constant 1376 : index
    %swap3A_466 = tpu.vector_load %arg21[%swap3A_465] {strides = array<i32>} : memref<4096xf32, #tpu.memory_space<vmem>>, vector<16xf32>,
    tpu.vector_store %arg21[%swap3A_465], %broadcast_in_dim3A_37 {strides = array<i32>} : memref<4096xf32, #tpu.memory_space<vmem>>, vector<16xf32>,
    %swap3A_467 = arith.constant 1392 : index
    %swap3A_468 = tpu.vector_load %arg21[%swap3A_467] {strides = array<i32>} : memref<4096xf32, #tpu.memory_space<vmem>>, vector<16xf32>,
    tpu.vector_store %arg21[%swap3A_467], %broadcast_in_dim3A_37 {strides = array<i32>} : memref<4096xf32, #tpu.memory_space<vmem>>, vector<16xf32>,
    %swap3A_469 = arith.constant 1408 : index
    %swap3A_470 = tpu.vector_load %arg21[%swap3A_469] {strides = array<i32>} : memref<4096xf32, #tpu.memory_space<vmem>>, vector<16xf32>,
    tpu.vector_store %arg21[%swap3A_469], %broadcast_in_dim3A_37 {strides = array<i32>} : memref<4096xf32, #tpu.memory_space<vmem>>, vector<16xf32>,
    %swap3A_471 = arith.constant 1424 : index
    %swap3A_472 = tpu.vector_load %arg21[%swap3A_471] {strides = array<i32>} : memref<4096xf32, #tpu.memory_space<vmem>>, vector<16xf32>,
    tpu.vector_store %arg21[%swap3A_471], %broadcast_in_dim3A_37 {strides = array<i32>} : memref<4096xf32, #tpu.memory_space<vmem>>, vector<16xf32>,
    %swap3A_473 = arith.constant 1440 : index
    %swap3A_474 = tpu.vector_load %arg21[%swap3A_473] {strides = array<i32>} : memref<4096xf32, #tpu.memory_space<vmem>>, vector<16xf32>,
    tpu.vector_store %arg21[%swap3A_473], %broadcast_in_dim3A_37 {strides = array<i32>} : memref<4096xf32, #tpu.memory_space<vmem>>, vector<16xf32>,
    %swap3A_475 = arith.constant 1456 : index
    %swap3A_476 = tpu.vector_load %arg21[%swap3A_475] {strides = array<i32>} : memref<4096xf32, #tpu.memory_space<vmem>>, vector<16xf32>,
    tpu.vector_store %arg21[%swap3A_475], %broadcast_in_dim3A_37 {strides = array<i32>} : memref<4096xf32, #tpu.memory_space<vmem>>, vector<16xf32>,
    %swap3A_477 = arith.constant 1472 : index
    %swap3A_478 = tpu.vector_load %arg21[%swap3A_477] {strides = array<i32>} : memref<4096xf32, #tpu.memory_space<vmem>>, vector<16xf32>,
    tpu.vector_store %arg21[%swap3A_477], %broadcast_in_dim3A_37 {strides = array<i32>} : memref<4096xf32, #tpu.memory_space<vmem>>, vector<16xf32>,
    %swap3A_479 = arith.constant 1488 : index
    %swap3A_480 = tpu.vector_load %arg21[%swap3A_479] {strides = array<i32>} : memref<4096xf32, #tpu.memory_space<vmem>>, vector<16xf32>,
    tpu.vector_store %arg21[%swap3A_479], %broadcast_in_dim3A_37 {strides = array<i32>} : memref<4096xf32, #tpu.memory_space<vmem>>, vector<16xf32>,
    %swap3A_481 = arith.constant 1504 : index
    %swap3A_482 = tpu.vector_load %arg21[%swap3A_481] {strides = array<i32>} : memref<4096xf32, #tpu.memory_space<vmem>>, vector<16xf32>,
    tpu.vector_store %arg21[%swap3A_481], %broadcast_in_dim3A_37 {strides = array<i32>} : memref<4096xf32, #tpu.memory_space<vmem>>, vector<16xf32>,
    %swap3A_483 = arith.constant 1520 : index
    %swap3A_484 = tpu.vector_load %arg21[%swap3A_483] {strides = array<i32>} : memref<4096xf32, #tpu.memory_space<vmem>>, vector<16xf32>,
    tpu.vector_store %arg21[%swap3A_483], %broadcast_in_dim3A_37 {strides = array<i32>} : memref<4096xf32, #tpu.memory_space<vmem>>, vector<16xf32>,
    %swap3A_485 = arith.constant 1536 : index
    %swap3A_486 = tpu.vector_load %arg21[%swap3A_485] {strides = array<i32>} : memref<4096xf32, #tpu.memory_space<vmem>>, vector<16xf32>,
    tpu.vector_store %arg21[%swap3A_485], %broadcast_in_dim3A_37 {strides = array<i32>} : memref<4096xf32, #tpu.memory_space<vmem>>, vector<16xf32>,
    %swap3A_487 = arith.constant 1552 : index
    %swap3A_488 = tpu.vector_load %arg21[%swap3A_487] {strides = array<i32>} : memref<4096xf32, #tpu.memory_space<vmem>>, vector<16xf32>,
    tpu.vector_store %arg21[%swap3A_487], %broadcast_in_dim3A_37 {strides = array<i32>} : memref<4096xf32, #tpu.memory_space<vmem>>, vector<16xf32>,
    %swap3A_489 = arith.constant 1568 : index
    %swap3A_490 = tpu.vector_load %arg21[%swap3A_489] {strides = array<i32>} : memref<4096xf32, #tpu.memory_space<vmem>>, vector<16xf32>,
    tpu.vector_store %arg21[%swap3A_489], %broadcast_in_dim3A_37 {strides = array<i32>} : memref<4096xf32, #tpu.memory_space<vmem>>, vector<16xf32>,
    %swap3A_491 = arith.constant 1584 : index
    %swap3A_492 = tpu.vector_load %arg21[%swap3A_491] {strides = array<i32>} : memref<4096xf32, #tpu.memory_space<vmem>>, vector<16xf32>,
    tpu.vector_store %arg21[%swap3A_491], %broadcast_in_dim3A_37 {strides = array<i32>} : memref<4096xf32, #tpu.memory_space<vmem>>, vector<16xf32>,
    %swap3A_493 = arith.constant 1600 : index
    %swap3A_494 = tpu.vector_load %arg21[%swap3A_493] {strides = array<i32>} : memref<4096xf32, #tpu.memory_space<vmem>>, vector<16xf32>,
    tpu.vector_store %arg21[%swap3A_493], %broadcast_in_dim3A_37 {strides = array<i32>} : memref<4096xf32, #tpu.memory_space<vmem>>, vector<16xf32>,
    %swap3A_495 = arith.constant 1616 : index
    %swap3A_496 = tpu.vector_load %arg21[%swap3A_495] {strides = array<i32>} : memref<4096xf32, #tpu.memory_space<vmem>>, vector<16xf32>,
    tpu.vector_store %arg21[%swap3A_495], %broadcast_in_dim3A_37 {strides = array<i32>} : memref<4096xf32, #tpu.memory_space<vmem>>, vector<16xf32>,
    %swap3A_497 = arith.constant 1632 : index
    %swap3A_498 = tpu.vector_load %arg21[%swap3A_497] {strides = array<i32>} : memref<4096xf32, #tpu.memory_space<vmem>>, vector<16xf32>,
    tpu.vector_store %arg21[%swap3A_497], %broadcast_in_dim3A_37 {strides = array<i32>} : memref<4096xf32, #tpu.memory_space<vmem>>, vector<16xf32>,
    %swap3A_499 = arith.constant 1648 : index
    %swap3A_500 = tpu.vector_load %arg21[%swap3A_499] {strides = array<i32>} : memref<4096xf32, #tpu.memory_space<vmem>>, vector<16xf32>,
    tpu.vector_store %arg21[%swap3A_499], %broadcast_in_dim3A_37 {strides = array<i32>} : memref<4096xf32, #tpu.memory_space<vmem>>, vector<16xf32>,
    %swap3A_501 = arith.constant 1664 : index
    %swap3A_502 = tpu.vector_load %arg21[%swap3A_501] {strides = array<i32>} : memref<4096xf32, #tpu.memory_space<vmem>>, vector<16xf32>,
    tpu.vector_store %arg21[%swap3A_501], %broadcast_in_dim3A_37 {strides = array<i32>} : memref<4096xf32, #tpu.memory_space<vmem>>, vector<16xf32>,
    %swap3A_503 = arith.constant 1680 : index
    %swap3A_504 = tpu.vector_load %arg21[%swap3A_503] {strides = array<i32>} : memref<4096xf32, #tpu.memory_space<vmem>>, vector<16xf32>,
    tpu.vector_store %arg21[%swap3A_503], %broadcast_in_dim3A_37 {strides = array<i32>} : memref<4096xf32, #tpu.memory_space<vmem>>, vector<16xf32>,
    %swap3A_505 = arith.constant 1696 : index
    %swap3A_506 = tpu.vector_load %arg21[%swap3A_505] {strides = array<i32>} : memref<4096xf32, #tpu.memory_space<vmem>>, vector<16xf32>,
    tpu.vector_store %arg21[%swap3A_505], %broadcast_in_dim3A_37 {strides = array<i32>} : memref<4096xf32, #tpu.memory_space<vmem>>, vector<16xf32>,
    %swap3A_507 = arith.constant 1712 : index
    %swap3A_508 = tpu.vector_load %arg21[%swap3A_507] {strides = array<i32>} : memref<4096xf32, #tpu.memory_space<vmem>>, vector<16xf32>,
    tpu.vector_store %arg21[%swap3A_507], %broadcast_in_dim3A_37 {strides = array<i32>} : memref<4096xf32, #tpu.memory_space<vmem>>, vector<16xf32>,
    %swap3A_509 = arith.constant 1728 : index
    %swap3A_510 = tpu.vector_load %arg21[%swap3A_509] {strides = array<i32>} : memref<4096xf32, #tpu.memory_space<vmem>>, vector<16xf32>,
    tpu.vector_store %arg21[%swap3A_509], %broadcast_in_dim3A_37 {strides = array<i32>} : memref<4096xf32, #tpu.memory_space<vmem>>, vector<16xf32>,
    %swap3A_511 = arith.constant 1744 : index
    %swap3A_512 = tpu.vector_load %arg21[%swap3A_511] {strides = array<i32>} : memref<4096xf32, #tpu.memory_space<vmem>>, vector<16xf32>,
    tpu.vector_store %arg21[%swap3A_511], %broadcast_in_dim3A_37 {strides = array<i32>} : memref<4096xf32, #tpu.memory_space<vmem>>, vector<16xf32>,
    %swap3A_513 = arith.constant 1760 : index
    %swap3A_514 = tpu.vector_load %arg21[%swap3A_513] {strides = array<i32>} : memref<4096xf32, #tpu.memory_space<vmem>>, vector<16xf32>,
    tpu.vector_store %arg21[%swap3A_513], %broadcast_in_dim3A_37 {strides = array<i32>} : memref<4096xf32, #tpu.memory_space<vmem>>, vector<16xf32>,
    %swap3A_515 = arith.constant 1776 : index
    %swap3A_516 = tpu.vector_load %arg21[%swap3A_515] {strides = array<i32>} : memref<4096xf32, #tpu.memory_space<vmem>>, vector<16xf32>,
    tpu.vector_store %arg21[%swap3A_515], %broadcast_in_dim3A_37 {strides = array<i32>} : memref<4096xf32, #tpu.memory_space<vmem>>, vector<16xf32>,
    %swap3A_517 = arith.constant 1792 : index
    %swap3A_518 = tpu.vector_load %arg21[%swap3A_517] {strides = array<i32>} : memref<4096xf32, #tpu.memory_space<vmem>>, vector<16xf32>,
    tpu.vector_store %arg21[%swap3A_517], %broadcast_in_dim3A_37 {strides = array<i32>} : memref<4096xf32, #tpu.memory_space<vmem>>, vector<16xf32>,
    %swap3A_519 = arith.constant 1808 : index
    %swap3A_520 = tpu.vector_load %arg21[%swap3A_519] {strides = array<i32>} : memref<4096xf32, #tpu.memory_space<vmem>>, vector<16xf32>,
    tpu.vector_store %arg21[%swap3A_519], %broadcast_in_dim3A_37 {strides = array<i32>} : memref<4096xf32, #tpu.memory_space<vmem>>, vector<16xf32>,
    %swap3A_521 = arith.constant 1824 : index
    %swap3A_522 = tpu.vector_load %arg21[%swap3A_521] {strides = array<i32>} : memref<4096xf32, #tpu.memory_space<vmem>>, vector<16xf32>,
    tpu.vector_store %arg21[%swap3A_521], %broadcast_in_dim3A_37 {strides = array<i32>} : memref<4096xf32, #tpu.memory_space<vmem>>, vector<16xf32>,
    %swap3A_523 = arith.constant 1840 : index
    %swap3A_524 = tpu.vector_load %arg21[%swap3A_523] {strides = array<i32>} : memref<4096xf32, #tpu.memory_space<vmem>>, vector<16xf32>,
    tpu.vector_store %arg21[%swap3A_523], %broadcast_in_dim3A_37 {strides = array<i32>} : memref<4096xf32, #tpu.memory_space<vmem>>, vector<16xf32>,
    %swap3A_525 = arith.constant 1856 : index
    %swap3A_526 = tpu.vector_load %arg21[%swap3A_525] {strides = array<i32>} : memref<4096xf32, #tpu.memory_space<vmem>>, vector<16xf32>,
    tpu.vector_store %arg21[%swap3A_525], %broadcast_in_dim3A_37 {strides = array<i32>} : memref<4096xf32, #tpu.memory_space<vmem>>, vector<16xf32>,
    %swap3A_527 = arith.constant 1872 : index
    %swap3A_528 = tpu.vector_load %arg21[%swap3A_527] {strides = array<i32>} : memref<4096xf32, #tpu.memory_space<vmem>>, vector<16xf32>,
    tpu.vector_store %arg21[%swap3A_527], %broadcast_in_dim3A_37 {strides = array<i32>} : memref<4096xf32, #tpu.memory_space<vmem>>, vector<16xf32>,
    %swap3A_529 = arith.constant 1888 : index
    %swap3A_530 = tpu.vector_load %arg21[%swap3A_529] {strides = array<i32>} : memref<4096xf32, #tpu.memory_space<vmem>>, vector<16xf32>,
    tpu.vector_store %arg21[%swap3A_529], %broadcast_in_dim3A_37 {strides = array<i32>} : memref<4096xf32, #tpu.memory_space<vmem>>, vector<16xf32>,
    %swap3A_531 = arith.constant 1904 : index
    %swap3A_532 = tpu.vector_load %arg21[%swap3A_531] {strides = array<i32>} : memref<4096xf32, #tpu.memory_space<vmem>>, vector<16xf32>,
    tpu.vector_store %arg21[%swap3A_531], %broadcast_in_dim3A_37 {strides = array<i32>} : memref<4096xf32, #tpu.memory_space<vmem>>, vector<16xf32>,
    %swap3A_533 = arith.constant 1920 : index
    %swap3A_534 = tpu.vector_load %arg21[%swap3A_533] {strides = array<i32>} : memref<4096xf32, #tpu.memory_space<vmem>>, vector<16xf32>,
    tpu.vector_store %arg21[%swap3A_533], %broadcast_in_dim3A_37 {strides = array<i32>} : memref<4096xf32, #tpu.memory_space<vmem>>, vector<16xf32>,
    %swap3A_535 = arith.constant 1936 : index
    %swap3A_536 = tpu.vector_load %arg21[%swap3A_535] {strides = array<i32>} : memref<4096xf32, #tpu.memory_space<vmem>>, vector<16xf32>,
    tpu.vector_store %arg21[%swap3A_535], %broadcast_in_dim3A_37 {strides = array<i32>} : memref<4096xf32, #tpu.memory_space<vmem>>, vector<16xf32>,
    %swap3A_537 = arith.constant 1952 : index
    %swap3A_538 = tpu.vector_load %arg21[%swap3A_537] {strides = array<i32>} : memref<4096xf32, #tpu.memory_space<vmem>>, vector<16xf32>,
    tpu.vector_store %arg21[%swap3A_537], %broadcast_in_dim3A_37 {strides = array<i32>} : memref<4096xf32, #tpu.memory_space<vmem>>, vector<16xf32>,
    %swap3A_539 = arith.constant 1968 : index
    %swap3A_540 = tpu.vector_load %arg21[%swap3A_539] {strides = array<i32>} : memref<4096xf32, #tpu.memory_space<vmem>>, vector<16xf32>,
    tpu.vector_store %arg21[%swap3A_539], %broadcast_in_dim3A_37 {strides = array<i32>} : memref<4096xf32, #tpu.memory_space<vmem>>, vector<16xf32>,
    %swap3A_541 = arith.constant 1984 : index
    %swap3A_542 = tpu.vector_load %arg21[%swap3A_541] {strides = array<i32>} : memref<4096xf32, #tpu.memory_space<vmem>>, vector<16xf32>,
    tpu.vector_store %arg21[%swap3A_541], %broadcast_in_dim3A_37 {strides = array<i32>} : memref<4096xf32, #tpu.memory_space<vmem>>, vector<16xf32>,
    %swap3A_543 = arith.constant 2000 : index
    %swap3A_544 = tpu.vector_load %arg21[%swap3A_543] {strides = array<i32>} : memref<4096xf32, #tpu.memory_space<vmem>>, vector<16xf32>,
    tpu.vector_store %arg21[%swap3A_543], %broadcast_in_dim3A_37 {strides = array<i32>} : memref<4096xf32, #tpu.memory_space<vmem>>, vector<16xf32>,
    %swap3A_545 = arith.constant 2016 : index
    %swap3A_546 = tpu.vector_load %arg21[%swap3A_545] {strides = array<i32>} : memref<4096xf32, #tpu.memory_space<vmem>>, vector<16xf32>,
    tpu.vector_store %arg21[%swap3A_545], %broadcast_in_dim3A_37 {strides = array<i32>} : memref<4096xf32, #tpu.memory_space<vmem>>, vector<16xf32>,
    %swap3A_547 = arith.constant 2032 : index
    %swap3A_548 = tpu.vector_load %arg21[%swap3A_547] {strides = array<i32>} : memref<4096xf32, #tpu.memory_space<vmem>>, vector<16xf32>,
    tpu.vector_store %arg21[%swap3A_547], %broadcast_in_dim3A_37 {strides = array<i32>} : memref<4096xf32, #tpu.memory_space<vmem>>, vector<16xf32>,
    %swap3A_549 = arith.constant 2048 : index
    %swap3A_550 = tpu.vector_load %arg21[%swap3A_549] {strides = array<i32>} : memref<4096xf32, #tpu.memory_space<vmem>>, vector<16xf32>,
    tpu.vector_store %arg21[%swap3A_549], %broadcast_in_dim3A_37 {strides = array<i32>} : memref<4096xf32, #tpu.memory_space<vmem>>, vector<16xf32>,
    %swap3A_551 = arith.constant 2064 : index
    %swap3A_552 = tpu.vector_load %arg21[%swap3A_551] {strides = array<i32>} : memref<4096xf32, #tpu.memory_space<vmem>>, vector<16xf32>,
    tpu.vector_store %arg21[%swap3A_551], %broadcast_in_dim3A_37 {strides = array<i32>} : memref<4096xf32, #tpu.memory_space<vmem>>, vector<16xf32>,
    %swap3A_553 = arith.constant 2080 : index
    %swap3A_554 = tpu.vector_load %arg21[%swap3A_553] {strides = array<i32>} : memref<4096xf32, #tpu.memory_space<vmem>>, vector<16xf32>,
    tpu.vector_store %arg21[%swap3A_553], %broadcast_in_dim3A_37 {strides = array<i32>} : memref<4096xf32, #tpu.memory_space<vmem>>, vector<16xf32>,
    %swap3A_555 = arith.constant 2096 : index
    %swap3A_556 = tpu.vector_load %arg21[%swap3A_555] {strides = array<i32>} : memref<4096xf32, #tpu.memory_space<vmem>>, vector<16xf32>,
    tpu.vector_store %arg21[%swap3A_555], %broadcast_in_dim3A_37 {strides = array<i32>} : memref<4096xf32, #tpu.memory_space<vmem>>, vector<16xf32>,
    %swap3A_557 = arith.constant 2112 : index
    %swap3A_558 = tpu.vector_load %arg21[%swap3A_557] {strides = array<i32>} : memref<4096xf32, #tpu.memory_space<vmem>>, vector<16xf32>,
    tpu.vector_store %arg21[%swap3A_557], %broadcast_in_dim3A_37 {strides = array<i32>} : memref<4096xf32, #tpu.memory_space<vmem>>, vector<16xf32>,
    %swap3A_559 = arith.constant 2128 : index
    %swap3A_560 = tpu.vector_load %arg21[%swap3A_559] {strides = array<i32>} : memref<4096xf32, #tpu.memory_space<vmem>>, vector<16xf32>,
    tpu.vector_store %arg21[%swap3A_559], %broadcast_in_dim3A_37 {strides = array<i32>} : memref<4096xf32, #tpu.memory_space<vmem>>, vector<16xf32>,
    %swap3A_561 = arith.constant 2144 : index
    %swap3A_562 = tpu.vector_load %arg21[%swap3A_561] {strides = array<i32>} : memref<4096xf32, #tpu.memory_space<vmem>>, vector<16xf32>,
    tpu.vector_store %arg21[%swap3A_561], %broadcast_in_dim3A_37 {strides = array<i32>} : memref<4096xf32, #tpu.memory_space<vmem>>, vector<16xf32>,
    %swap3A_563 = arith.constant 2160 : index
    %swap3A_564 = tpu.vector_load %arg21[%swap3A_563] {strides = array<i32>} : memref<4096xf32, #tpu.memory_space<vmem>>, vector<16xf32>,
    tpu.vector_store %arg21[%swap3A_563], %broadcast_in_dim3A_37 {strides = array<i32>} : memref<4096xf32, #tpu.memory_space<vmem>>, vector<16xf32>,
    %swap3A_565 = arith.constant 2176 : index
    %swap3A_566 = tpu.vector_load %arg21[%swap3A_565] {strides = array<i32>} : memref<4096xf32, #tpu.memory_space<vmem>>, vector<16xf32>,
    tpu.vector_store %arg21[%swap3A_565], %broadcast_in_dim3A_37 {strides = array<i32>} : memref<4096xf32, #tpu.memory_space<vmem>>, vector<16xf32>,
    %swap3A_567 = arith.constant 2192 : index
    %swap3A_568 = tpu.vector_load %arg21[%swap3A_567] {strides = array<i32>} : memref<4096xf32, #tpu.memory_space<vmem>>, vector<16xf32>,
    tpu.vector_store %arg21[%swap3A_567], %broadcast_in_dim3A_37 {strides = array<i32>} : memref<4096xf32, #tpu.memory_space<vmem>>, vector<16xf32>,
    %swap3A_569 = arith.constant 2208 : index
    %swap3A_570 = tpu.vector_load %arg21[%swap3A_569] {strides = array<i32>} : memref<4096xf32, #tpu.memory_space<vmem>>, vector<16xf32>,
    tpu.vector_store %arg21[%swap3A_569], %broadcast_in_dim3A_37 {strides = array<i32>} : memref<4096xf32, #tpu.memory_space<vmem>>, vector<16xf32>,
    %swap3A_571 = arith.constant 2224 : index
    %swap3A_572 = tpu.vector_load %arg21[%swap3A_571] {strides = array<i32>} : memref<4096xf32, #tpu.memory_space<vmem>>, vector<16xf32>,
    tpu.vector_store %arg21[%swap3A_571], %broadcast_in_dim3A_37 {strides = array<i32>} : memref<4096xf32, #tpu.memory_space<vmem>>, vector<16xf32>,
    %swap3A_573 = arith.constant 2240 : index
    %swap3A_574 = tpu.vector_load %arg21[%swap3A_573] {strides = array<i32>} : memref<4096xf32, #tpu.memory_space<vmem>>, vector<16xf32>,
    tpu.vector_store %arg21[%swap3A_573], %broadcast_in_dim3A_37 {strides = array<i32>} : memref<4096xf32, #tpu.memory_space<vmem>>, vector<16xf32>,
    %swap3A_575 = arith.constant 2256 : index
    %swap3A_576 = tpu.vector_load %arg21[%swap3A_575] {strides = array<i32>} : memref<4096xf32, #tpu.memory_space<vmem>>, vector<16xf32>,
    tpu.vector_store %arg21[%swap3A_575], %broadcast_in_dim3A_37 {strides = array<i32>} : memref<4096xf32, #tpu.memory_space<vmem>>, vector<16xf32>,
    %swap3A_577 = arith.constant 2272 : index
    %swap3A_578 = tpu.vector_load %arg21[%swap3A_577] {strides = array<i32>} : memref<4096xf32, #tpu.memory_space<vmem>>, vector<16xf32>,
    tpu.vector_store %arg21[%swap3A_577], %broadcast_in_dim3A_37 {strides = array<i32>} : memref<4096xf32, #tpu.memory_space<vmem>>, vector<16xf32>,
    %swap3A_579 = arith.constant 2288 : index
    %swap3A_580 = tpu.vector_load %arg21[%swap3A_579] {strides = array<i32>} : memref<4096xf32, #tpu.memory_space<vmem>>, vector<16xf32>,
    tpu.vector_store %arg21[%swap3A_579], %broadcast_in_dim3A_37 {strides = array<i32>} : memref<4096xf32, #tpu.memory_space<vmem>>, vector<16xf32>,
    %swap3A_581 = arith.constant 2304 : index
    %swap3A_582 = tpu.vector_load %arg21[%swap3A_581] {strides = array<i32>} : memref<4096xf32, #tpu.memory_space<vmem>>, vector<16xf32>,
    tpu.vector_store %arg21[%swap3A_581], %broadcast_in_dim3A_37 {strides = array<i32>} : memref<4096xf32, #tpu.memory_space<vmem>>, vector<16xf32>,
    %swap3A_583 = arith.constant 2320 : index
    %swap3A_584 = tpu.vector_load %arg21[%swap3A_583] {strides = array<i32>} : memref<4096xf32, #tpu.memory_space<vmem>>, vector<16xf32>,
    tpu.vector_store %arg21[%swap3A_583], %broadcast_in_dim3A_37 {strides = array<i32>} : memref<4096xf32, #tpu.memory_space<vmem>>, vector<16xf32>,
    %swap3A_585 = arith.constant 2336 : index
    %swap3A_586 = tpu.vector_load %arg21[%swap3A_585] {strides = array<i32>} : memref<4096xf32, #tpu.memory_space<vmem>>, vector<16xf32>,
    tpu.vector_store %arg21[%swap3A_585], %broadcast_in_dim3A_37 {strides = array<i32>} : memref<4096xf32, #tpu.memory_space<vmem>>, vector<16xf32>,
    %swap3A_587 = arith.constant 2352 : index
    %swap3A_588 = tpu.vector_load %arg21[%swap3A_587] {strides = array<i32>} : memref<4096xf32, #tpu.memory_space<vmem>>, vector<16xf32>,
    tpu.vector_store %arg21[%swap3A_587], %broadcast_in_dim3A_37 {strides = array<i32>} : memref<4096xf32, #tpu.memory_space<vmem>>, vector<16xf32>,
    %swap3A_589 = arith.constant 2368 : index
    %swap3A_590 = tpu.vector_load %arg21[%swap3A_589] {strides = array<i32>} : memref<4096xf32, #tpu.memory_space<vmem>>, vector<16xf32>,
    tpu.vector_store %arg21[%swap3A_589], %broadcast_in_dim3A_37 {strides = array<i32>} : memref<4096xf32, #tpu.memory_space<vmem>>, vector<16xf32>,
    %swap3A_591 = arith.constant 2384 : index
    %swap3A_592 = tpu.vector_load %arg21[%swap3A_591] {strides = array<i32>} : memref<4096xf32, #tpu.memory_space<vmem>>, vector<16xf32>,
    tpu.vector_store %arg21[%swap3A_591], %broadcast_in_dim3A_37 {strides = array<i32>} : memref<4096xf32, #tpu.memory_space<vmem>>, vector<16xf32>,
    %swap3A_593 = arith.constant 2400 : index
    %swap3A_594 = tpu.vector_load %arg21[%swap3A_593] {strides = array<i32>} : memref<4096xf32, #tpu.memory_space<vmem>>, vector<16xf32>,
    tpu.vector_store %arg21[%swap3A_593], %broadcast_in_dim3A_37 {strides = array<i32>} : memref<4096xf32, #tpu.memory_space<vmem>>, vector<16xf32>,
    %swap3A_595 = arith.constant 2416 : index
    %swap3A_596 = tpu.vector_load %arg21[%swap3A_595] {strides = array<i32>} : memref<4096xf32, #tpu.memory_space<vmem>>, vector<16xf32>,
    tpu.vector_store %arg21[%swap3A_595], %broadcast_in_dim3A_37 {strides = array<i32>} : memref<4096xf32, #tpu.memory_space<vmem>>, vector<16xf32>,
    %swap3A_597 = arith.constant 2432 : index
    %swap3A_598 = tpu.vector_load %arg21[%swap3A_597] {strides = array<i32>} : memref<4096xf32, #tpu.memory_space<vmem>>, vector<16xf32>,
    tpu.vector_store %arg21[%swap3A_597], %broadcast_in_dim3A_37 {strides = array<i32>} : memref<4096xf32, #tpu.memory_space<vmem>>, vector<16xf32>,
    %swap3A_599 = arith.constant 2448 : index
    %swap3A_600 = tpu.vector_load %arg21[%swap3A_599] {strides = array<i32>} : memref<4096xf32, #tpu.memory_space<vmem>>, vector<16xf32>,
    tpu.vector_store %arg21[%swap3A_599], %broadcast_in_dim3A_37 {strides = array<i32>} : memref<4096xf32, #tpu.memory_space<vmem>>, vector<16xf32>,
    %swap3A_601 = arith.constant 2464 : index
    %swap3A_602 = tpu.vector_load %arg21[%swap3A_601] {strides = array<i32>} : memref<4096xf32, #tpu.memory_space<vmem>>, vector<16xf32>,
    tpu.vector_store %arg21[%swap3A_601], %broadcast_in_dim3A_37 {strides = array<i32>} : memref<4096xf32, #tpu.memory_space<vmem>>, vector<16xf32>,
    %swap3A_603 = arith.constant 2480 : index
    %swap3A_604 = tpu.vector_load %arg21[%swap3A_603] {strides = array<i32>} : memref<4096xf32, #tpu.memory_space<vmem>>, vector<16xf32>,
    tpu.vector_store %arg21[%swap3A_603], %broadcast_in_dim3A_37 {strides = array<i32>} : memref<4096xf32, #tpu.memory_space<vmem>>, vector<16xf32>,
    %swap3A_605 = arith.constant 2496 : index
    %swap3A_606 = tpu.vector_load %arg21[%swap3A_605] {strides = array<i32>} : memref<4096xf32, #tpu.memory_space<vmem>>, vector<16xf32>,
    tpu.vector_store %arg21[%swap3A_605], %broadcast_in_dim3A_37 {strides = array<i32>} : memref<4096xf32, #tpu.memory_space<vmem>>, vector<16xf32>,
    %swap3A_607 = arith.constant 2512 : index
    %swap3A_608 = tpu.vector_load %arg21[%swap3A_607] {strides = array<i32>} : memref<4096xf32, #tpu.memory_space<vmem>>, vector<16xf32>,
    tpu.vector_store %arg21[%swap3A_607], %broadcast_in_dim3A_37 {strides = array<i32>} : memref<4096xf32, #tpu.memory_space<vmem>>, vector<16xf32>,
    %swap3A_609 = arith.constant 2528 : index
    %swap3A_610 = tpu.vector_load %arg21[%swap3A_609] {strides = array<i32>} : memref<4096xf32, #tpu.memory_space<vmem>>, vector<16xf32>,
    tpu.vector_store %arg21[%swap3A_609], %broadcast_in_dim3A_37 {strides = array<i32>} : memref<4096xf32, #tpu.memory_space<vmem>>, vector<16xf32>,
    %swap3A_611 = arith.constant 2544 : index
    %swap3A_612 = tpu.vector_load %arg21[%swap3A_611] {strides = array<i32>} : memref<4096xf32, #tpu.memory_space<vmem>>, vector<16xf32>,
    tpu.vector_store %arg21[%swap3A_611], %broadcast_in_dim3A_37 {strides = array<i32>} : memref<4096xf32, #tpu.memory_space<vmem>>, vector<16xf32>,
    %swap3A_613 = arith.constant 2560 : index
    %swap3A_614 = tpu.vector_load %arg21[%swap3A_613] {strides = array<i32>} : memref<4096xf32, #tpu.memory_space<vmem>>, vector<16xf32>,
    tpu.vector_store %arg21[%swap3A_613], %broadcast_in_dim3A_37 {strides = array<i32>} : memref<4096xf32, #tpu.memory_space<vmem>>, vector<16xf32>,
    %swap3A_615 = arith.constant 2576 : index
    %swap3A_616 = tpu.vector_load %arg21[%swap3A_615] {strides = array<i32>} : memref<4096xf32, #tpu.memory_space<vmem>>, vector<16xf32>,
    tpu.vector_store %arg21[%swap3A_615], %broadcast_in_dim3A_37 {strides = array<i32>} : memref<4096xf32, #tpu.memory_space<vmem>>, vector<16xf32>,
    %swap3A_617 = arith.constant 2592 : index
    %swap3A_618 = tpu.vector_load %arg21[%swap3A_617] {strides = array<i32>} : memref<4096xf32, #tpu.memory_space<vmem>>, vector<16xf32>,
    tpu.vector_store %arg21[%swap3A_617], %broadcast_in_dim3A_37 {strides = array<i32>} : memref<4096xf32, #tpu.memory_space<vmem>>, vector<16xf32>,
    %swap3A_619 = arith.constant 2608 : index
    %swap3A_620 = tpu.vector_load %arg21[%swap3A_619] {strides = array<i32>} : memref<4096xf32, #tpu.memory_space<vmem>>, vector<16xf32>,
    tpu.vector_store %arg21[%swap3A_619], %broadcast_in_dim3A_37 {strides = array<i32>} : memref<4096xf32, #tpu.memory_space<vmem>>, vector<16xf32>,
    %swap3A_621 = arith.constant 2624 : index
    %swap3A_622 = tpu.vector_load %arg21[%swap3A_621] {strides = array<i32>} : memref<4096xf32, #tpu.memory_space<vmem>>, vector<16xf32>,
    tpu.vector_store %arg21[%swap3A_621], %broadcast_in_dim3A_37 {strides = array<i32>} : memref<4096xf32, #tpu.memory_space<vmem>>, vector<16xf32>,
    %swap3A_623 = arith.constant 2640 : index
    %swap3A_624 = tpu.vector_load %arg21[%swap3A_623] {strides = array<i32>} : memref<4096xf32, #tpu.memory_space<vmem>>, vector<16xf32>,
    tpu.vector_store %arg21[%swap3A_623], %broadcast_in_dim3A_37 {strides = array<i32>} : memref<4096xf32, #tpu.memory_space<vmem>>, vector<16xf32>,
    %swap3A_625 = arith.constant 2656 : index
    %swap3A_626 = tpu.vector_load %arg21[%swap3A_625] {strides = array<i32>} : memref<4096xf32, #tpu.memory_space<vmem>>, vector<16xf32>,
    tpu.vector_store %arg21[%swap3A_625], %broadcast_in_dim3A_37 {strides = array<i32>} : memref<4096xf32, #tpu.memory_space<vmem>>, vector<16xf32>,
    %swap3A_627 = arith.constant 2672 : index
    %swap3A_628 = tpu.vector_load %arg21[%swap3A_627] {strides = array<i32>} : memref<4096xf32, #tpu.memory_space<vmem>>, vector<16xf32>,
    tpu.vector_store %arg21[%swap3A_627], %broadcast_in_dim3A_37 {strides = array<i32>} : memref<4096xf32, #tpu.memory_space<vmem>>, vector<16xf32>,
    %swap3A_629 = arith.constant 2688 : index
    %swap3A_630 = tpu.vector_load %arg21[%swap3A_629] {strides = array<i32>} : memref<4096xf32, #tpu.memory_space<vmem>>, vector<16xf32>,
    tpu.vector_store %arg21[%swap3A_629], %broadcast_in_dim3A_37 {strides = array<i32>} : memref<4096xf32, #tpu.memory_space<vmem>>, vector<16xf32>,
    %swap3A_631 = arith.constant 2704 : index
    %swap3A_632 = tpu.vector_load %arg21[%swap3A_631] {strides = array<i32>} : memref<4096xf32, #tpu.memory_space<vmem>>, vector<16xf32>,
    tpu.vector_store %arg21[%swap3A_631], %broadcast_in_dim3A_37 {strides = array<i32>} : memref<4096xf32, #tpu.memory_space<vmem>>, vector<16xf32>,
    %swap3A_633 = arith.constant 2720 : index
    %swap3A_634 = tpu.vector_load %arg21[%swap3A_633] {strides = array<i32>} : memref<4096xf32, #tpu.memory_space<vmem>>, vector<16xf32>,
    tpu.vector_store %arg21[%swap3A_633], %broadcast_in_dim3A_37 {strides = array<i32>} : memref<4096xf32, #tpu.memory_space<vmem>>, vector<16xf32>,
    %swap3A_635 = arith.constant 2736 : index
    %swap3A_636 = tpu.vector_load %arg21[%swap3A_635] {strides = array<i32>} : memref<4096xf32, #tpu.memory_space<vmem>>, vector<16xf32>,
    tpu.vector_store %arg21[%swap3A_635], %broadcast_in_dim3A_37 {strides = array<i32>} : memref<4096xf32, #tpu.memory_space<vmem>>, vector<16xf32>,
    %swap3A_637 = arith.constant 2752 : index
    %swap3A_638 = tpu.vector_load %arg21[%swap3A_637] {strides = array<i32>} : memref<4096xf32, #tpu.memory_space<vmem>>, vector<16xf32>,
    tpu.vector_store %arg21[%swap3A_637], %broadcast_in_dim3A_37 {strides = array<i32>} : memref<4096xf32, #tpu.memory_space<vmem>>, vector<16xf32>,
    %swap3A_639 = arith.constant 2768 : index
    %swap3A_640 = tpu.vector_load %arg21[%swap3A_639] {strides = array<i32>} : memref<4096xf32, #tpu.memory_space<vmem>>, vector<16xf32>,
    tpu.vector_store %arg21[%swap3A_639], %broadcast_in_dim3A_37 {strides = array<i32>} : memref<4096xf32, #tpu.memory_space<vmem>>, vector<16xf32>,
    %swap3A_641 = arith.constant 2784 : index
    %swap3A_642 = tpu.vector_load %arg21[%swap3A_641] {strides = array<i32>} : memref<4096xf32, #tpu.memory_space<vmem>>, vector<16xf32>,
    tpu.vector_store %arg21[%swap3A_641], %broadcast_in_dim3A_37 {strides = array<i32>} : memref<4096xf32, #tpu.memory_space<vmem>>, vector<16xf32>,
    %swap3A_643 = arith.constant 2800 : index
    %swap3A_644 = tpu.vector_load %arg21[%swap3A_643] {strides = array<i32>} : memref<4096xf32, #tpu.memory_space<vmem>>, vector<16xf32>,
    tpu.vector_store %arg21[%swap3A_643], %broadcast_in_dim3A_37 {strides = array<i32>} : memref<4096xf32, #tpu.memory_space<vmem>>, vector<16xf32>,
    %swap3A_645 = arith.constant 2816 : index
    %swap3A_646 = tpu.vector_load %arg21[%swap3A_645] {strides = array<i32>} : memref<4096xf32, #tpu.memory_space<vmem>>, vector<16xf32>,
    tpu.vector_store %arg21[%swap3A_645], %broadcast_in_dim3A_37 {strides = array<i32>} : memref<4096xf32, #tpu.memory_space<vmem>>, vector<16xf32>,
    %swap3A_647 = arith.constant 2832 : index
    %swap3A_648 = tpu.vector_load %arg21[%swap3A_647] {strides = array<i32>} : memref<4096xf32, #tpu.memory_space<vmem>>, vector<16xf32>,
    tpu.vector_store %arg21[%swap3A_647], %broadcast_in_dim3A_37 {strides = array<i32>} : memref<4096xf32, #tpu.memory_space<vmem>>, vector<16xf32>,
    %swap3A_649 = arith.constant 2848 : index
    %swap3A_650 = tpu.vector_load %arg21[%swap3A_649] {strides = array<i32>} : memref<4096xf32, #tpu.memory_space<vmem>>, vector<16xf32>,
    tpu.vector_store %arg21[%swap3A_649], %broadcast_in_dim3A_37 {strides = array<i32>} : memref<4096xf32, #tpu.memory_space<vmem>>, vector<16xf32>,
    %swap3A_651 = arith.constant 2864 : index
    %swap3A_652 = tpu.vector_load %arg21[%swap3A_651] {strides = array<i32>} : memref<4096xf32, #tpu.memory_space<vmem>>, vector<16xf32>,
    tpu.vector_store %arg21[%swap3A_651], %broadcast_in_dim3A_37 {strides = array<i32>} : memref<4096xf32, #tpu.memory_space<vmem>>, vector<16xf32>,
    %swap3A_653 = arith.constant 2880 : index
    %swap3A_654 = tpu.vector_load %arg21[%swap3A_653] {strides = array<i32>} : memref<4096xf32, #tpu.memory_space<vmem>>, vector<16xf32>,
    tpu.vector_store %arg21[%swap3A_653], %broadcast_in_dim3A_37 {strides = array<i32>} : memref<4096xf32, #tpu.memory_space<vmem>>, vector<16xf32>,
    %swap3A_655 = arith.constant 2896 : index
    %swap3A_656 = tpu.vector_load %arg21[%swap3A_655] {strides = array<i32>} : memref<4096xf32, #tpu.memory_space<vmem>>, vector<16xf32>,
    tpu.vector_store %arg21[%swap3A_655], %broadcast_in_dim3A_37 {strides = array<i32>} : memref<4096xf32, #tpu.memory_space<vmem>>, vector<16xf32>,
    %swap3A_657 = arith.constant 2912 : index
    %swap3A_658 = tpu.vector_load %arg21[%swap3A_657] {strides = array<i32>} : memref<4096xf32, #tpu.memory_space<vmem>>, vector<16xf32>,
    tpu.vector_store %arg21[%swap3A_657], %broadcast_in_dim3A_37 {strides = array<i32>} : memref<4096xf32, #tpu.memory_space<vmem>>, vector<16xf32>,
    %swap3A_659 = arith.constant 2928 : index
    %swap3A_660 = tpu.vector_load %arg21[%swap3A_659] {strides = array<i32>} : memref<4096xf32, #tpu.memory_space<vmem>>, vector<16xf32>,
    tpu.vector_store %arg21[%swap3A_659], %broadcast_in_dim3A_37 {strides = array<i32>} : memref<4096xf32, #tpu.memory_space<vmem>>, vector<16xf32>,
    %swap3A_661 = arith.constant 2944 : index
    %swap3A_662 = tpu.vector_load %arg21[%swap3A_661] {strides = array<i32>} : memref<4096xf32, #tpu.memory_space<vmem>>, vector<16xf32>,
    tpu.vector_store %arg21[%swap3A_661], %broadcast_in_dim3A_37 {strides = array<i32>} : memref<4096xf32, #tpu.memory_space<vmem>>, vector<16xf32>,
    %swap3A_663 = arith.constant 2960 : index
    %swap3A_664 = tpu.vector_load %arg21[%swap3A_663] {strides = array<i32>} : memref<4096xf32, #tpu.memory_space<vmem>>, vector<16xf32>,
    tpu.vector_store %arg21[%swap3A_663], %broadcast_in_dim3A_37 {strides = array<i32>} : memref<4096xf32, #tpu.memory_space<vmem>>, vector<16xf32>,
    %swap3A_665 = arith.constant 2976 : index
    %swap3A_666 = tpu.vector_load %arg21[%swap3A_665] {strides = array<i32>} : memref<4096xf32, #tpu.memory_space<vmem>>, vector<16xf32>,
    tpu.vector_store %arg21[%swap3A_665], %broadcast_in_dim3A_37 {strides = array<i32>} : memref<4096xf32, #tpu.memory_space<vmem>>, vector<16xf32>,
    %swap3A_667 = arith.constant 2992 : index
    %swap3A_668 = tpu.vector_load %arg21[%swap3A_667] {strides = array<i32>} : memref<4096xf32, #tpu.memory_space<vmem>>, vector<16xf32>,
    tpu.vector_store %arg21[%swap3A_667], %broadcast_in_dim3A_37 {strides = array<i32>} : memref<4096xf32, #tpu.memory_space<vmem>>, vector<16xf32>,
    %swap3A_669 = arith.constant 3008 : index
    %swap3A_670 = tpu.vector_load %arg21[%swap3A_669] {strides = array<i32>} : memref<4096xf32, #tpu.memory_space<vmem>>, vector<16xf32>,
    tpu.vector_store %arg21[%swap3A_669], %broadcast_in_dim3A_37 {strides = array<i32>} : memref<4096xf32, #tpu.memory_space<vmem>>, vector<16xf32>,
    %swap3A_671 = arith.constant 3024 : index
    %swap3A_672 = tpu.vector_load %arg21[%swap3A_671] {strides = array<i32>} : memref<4096xf32, #tpu.memory_space<vmem>>, vector<16xf32>,
    tpu.vector_store %arg21[%swap3A_671], %broadcast_in_dim3A_37 {strides = array<i32>} : memref<4096xf32, #tpu.memory_space<vmem>>, vector<16xf32>,
    %swap3A_673 = arith.constant 3040 : index
    %swap3A_674 = tpu.vector_load %arg21[%swap3A_673] {strides = array<i32>} : memref<4096xf32, #tpu.memory_space<vmem>>, vector<16xf32>,
    tpu.vector_store %arg21[%swap3A_673], %broadcast_in_dim3A_37 {strides = array<i32>} : memref<4096xf32, #tpu.memory_space<vmem>>, vector<16xf32>,
    %swap3A_675 = arith.constant 3056 : index
    %swap3A_676 = tpu.vector_load %arg21[%swap3A_675] {strides = array<i32>} : memref<4096xf32, #tpu.memory_space<vmem>>, vector<16xf32>,
    tpu.vector_store %arg21[%swap3A_675], %broadcast_in_dim3A_37 {strides = array<i32>} : memref<4096xf32, #tpu.memory_space<vmem>>, vector<16xf32>,
    %swap3A_677 = arith.constant 3072 : index
    %swap3A_678 = tpu.vector_load %arg21[%swap3A_677] {strides = array<i32>} : memref<4096xf32, #tpu.memory_space<vmem>>, vector<16xf32>,
    tpu.vector_store %arg21[%swap3A_677], %broadcast_in_dim3A_37 {strides = array<i32>} : memref<4096xf32, #tpu.memory_space<vmem>>, vector<16xf32>,
    %swap3A_679 = arith.constant 3088 : index
    %swap3A_680 = tpu.vector_load %arg21[%swap3A_679] {strides = array<i32>} : memref<4096xf32, #tpu.memory_space<vmem>>, vector<16xf32>,
    tpu.vector_store %arg21[%swap3A_679], %broadcast_in_dim3A_37 {strides = array<i32>} : memref<4096xf32, #tpu.memory_space<vmem>>, vector<16xf32>,
    %swap3A_681 = arith.constant 3104 : index
    %swap3A_682 = tpu.vector_load %arg21[%swap3A_681] {strides = array<i32>} : memref<4096xf32, #tpu.memory_space<vmem>>, vector<16xf32>,
    tpu.vector_store %arg21[%swap3A_681], %broadcast_in_dim3A_37 {strides = array<i32>} : memref<4096xf32, #tpu.memory_space<vmem>>, vector<16xf32>,
    %swap3A_683 = arith.constant 3120 : index
    %swap3A_684 = tpu.vector_load %arg21[%swap3A_683] {strides = array<i32>} : memref<4096xf32, #tpu.memory_space<vmem>>, vector<16xf32>,
    tpu.vector_store %arg21[%swap3A_683], %broadcast_in_dim3A_37 {strides = array<i32>} : memref<4096xf32, #tpu.memory_space<vmem>>, vector<16xf32>,
    %swap3A_685 = arith.constant 3136 : index
    %swap3A_686 = tpu.vector_load %arg21[%swap3A_685] {strides = array<i32>} : memref<4096xf32, #tpu.memory_space<vmem>>, vector<16xf32>,
    tpu.vector_store %arg21[%swap3A_685], %broadcast_in_dim3A_37 {strides = array<i32>} : memref<4096xf32, #tpu.memory_space<vmem>>, vector<16xf32>,
    %swap3A_687 = arith.constant 3152 : index
    %swap3A_688 = tpu.vector_load %arg21[%swap3A_687] {strides = array<i32>} : memref<4096xf32, #tpu.memory_space<vmem>>, vector<16xf32>,
    tpu.vector_store %arg21[%swap3A_687], %broadcast_in_dim3A_37 {strides = array<i32>} : memref<4096xf32, #tpu.memory_space<vmem>>, vector<16xf32>,
    %swap3A_689 = arith.constant 3168 : index
    %swap3A_690 = tpu.vector_load %arg21[%swap3A_689] {strides = array<i32>} : memref<4096xf32, #tpu.memory_space<vmem>>, vector<16xf32>,
    tpu.vector_store %arg21[%swap3A_689], %broadcast_in_dim3A_37 {strides = array<i32>} : memref<4096xf32, #tpu.memory_space<vmem>>, vector<16xf32>,
    %swap3A_691 = arith.constant 3184 : index
    %swap3A_692 = tpu.vector_load %arg21[%swap3A_691] {strides = array<i32>} : memref<4096xf32, #tpu.memory_space<vmem>>, vector<16xf32>,
    tpu.vector_store %arg21[%swap3A_691], %broadcast_in_dim3A_37 {strides = array<i32>} : memref<4096xf32, #tpu.memory_space<vmem>>, vector<16xf32>,
    %swap3A_693 = arith.constant 3200 : index
    %swap3A_694 = tpu.vector_load %arg21[%swap3A_693] {strides = array<i32>} : memref<4096xf32, #tpu.memory_space<vmem>>, vector<16xf32>,
    tpu.vector_store %arg21[%swap3A_693], %broadcast_in_dim3A_37 {strides = array<i32>} : memref<4096xf32, #tpu.memory_space<vmem>>, vector<16xf32>,
    %swap3A_695 = arith.constant 3216 : index
    %swap3A_696 = tpu.vector_load %arg21[%swap3A_695] {strides = array<i32>} : memref<4096xf32, #tpu.memory_space<vmem>>, vector<16xf32>,
    tpu.vector_store %arg21[%swap3A_695], %broadcast_in_dim3A_37 {strides = array<i32>} : memref<4096xf32, #tpu.memory_space<vmem>>, vector<16xf32>,
    %swap3A_697 = arith.constant 3232 : index
    %swap3A_698 = tpu.vector_load %arg21[%swap3A_697] {strides = array<i32>} : memref<4096xf32, #tpu.memory_space<vmem>>, vector<16xf32>,
    tpu.vector_store %arg21[%swap3A_697], %broadcast_in_dim3A_37 {strides = array<i32>} : memref<4096xf32, #tpu.memory_space<vmem>>, vector<16xf32>,
    %swap3A_699 = arith.constant 3248 : index
    %swap3A_700 = tpu.vector_load %arg21[%swap3A_699] {strides = array<i32>} : memref<4096xf32, #tpu.memory_space<vmem>>, vector<16xf32>,
    tpu.vector_store %arg21[%swap3A_699], %broadcast_in_dim3A_37 {strides = array<i32>} : memref<4096xf32, #tpu.memory_space<vmem>>, vector<16xf32>,
    %swap3A_701 = arith.constant 3264 : index
    %swap3A_702 = tpu.vector_load %arg21[%swap3A_701] {strides = array<i32>} : memref<4096xf32, #tpu.memory_space<vmem>>, vector<16xf32>,
    tpu.vector_store %arg21[%swap3A_701], %broadcast_in_dim3A_37 {strides = array<i32>} : memref<4096xf32, #tpu.memory_space<vmem>>, vector<16xf32>,
    %swap3A_703 = arith.constant 3280 : index
    %swap3A_704 = tpu.vector_load %arg21[%swap3A_703] {strides = array<i32>} : memref<4096xf32, #tpu.memory_space<vmem>>, vector<16xf32>,
    tpu.vector_store %arg21[%swap3A_703], %broadcast_in_dim3A_37 {strides = array<i32>} : memref<4096xf32, #tpu.memory_space<vmem>>, vector<16xf32>,
    %swap3A_705 = arith.constant 3296 : index
    %swap3A_706 = tpu.vector_load %arg21[%swap3A_705] {strides = array<i32>} : memref<4096xf32, #tpu.memory_space<vmem>>, vector<16xf32>,
    tpu.vector_store %arg21[%swap3A_705], %broadcast_in_dim3A_37 {strides = array<i32>} : memref<4096xf32, #tpu.memory_space<vmem>>, vector<16xf32>,
    %swap3A_707 = arith.constant 3312 : index
    %swap3A_708 = tpu.vector_load %arg21[%swap3A_707] {strides = array<i32>} : memref<4096xf32, #tpu.memory_space<vmem>>, vector<16xf32>,
    tpu.vector_store %arg21[%swap3A_707], %broadcast_in_dim3A_37 {strides = array<i32>} : memref<4096xf32, #tpu.memory_space<vmem>>, vector<16xf32>,
    %swap3A_709 = arith.constant 3328 : index
    %swap3A_710 = tpu.vector_load %arg21[%swap3A_709] {strides = array<i32>} : memref<4096xf32, #tpu.memory_space<vmem>>, vector<16xf32>,
    tpu.vector_store %arg21[%swap3A_709], %broadcast_in_dim3A_37 {strides = array<i32>} : memref<4096xf32, #tpu.memory_space<vmem>>, vector<16xf32>,
    %swap3A_711 = arith.constant 3344 : index
    %swap3A_712 = tpu.vector_load %arg21[%swap3A_711] {strides = array<i32>} : memref<4096xf32, #tpu.memory_space<vmem>>, vector<16xf32>,
    tpu.vector_store %arg21[%swap3A_711], %broadcast_in_dim3A_37 {strides = array<i32>} : memref<4096xf32, #tpu.memory_space<vmem>>, vector<16xf32>,
    %swap3A_713 = arith.constant 3360 : index
    %swap3A_714 = tpu.vector_load %arg21[%swap3A_713] {strides = array<i32>} : memref<4096xf32, #tpu.memory_space<vmem>>, vector<16xf32>,
    tpu.vector_store %arg21[%swap3A_713], %broadcast_in_dim3A_37 {strides = array<i32>} : memref<4096xf32, #tpu.memory_space<vmem>>, vector<16xf32>,
    %swap3A_715 = arith.constant 3376 : index
    %swap3A_716 = tpu.vector_load %arg21[%swap3A_715] {strides = array<i32>} : memref<4096xf32, #tpu.memory_space<vmem>>, vector<16xf32>,
    tpu.vector_store %arg21[%swap3A_715], %broadcast_in_dim3A_37 {strides = array<i32>} : memref<4096xf32, #tpu.memory_space<vmem>>, vector<16xf32>,
    %swap3A_717 = arith.constant 3392 : index
    %swap3A_718 = tpu.vector_load %arg21[%swap3A_717] {strides = array<i32>} : memref<4096xf32, #tpu.memory_space<vmem>>, vector<16xf32>,
    tpu.vector_store %arg21[%swap3A_717], %broadcast_in_dim3A_37 {strides = array<i32>} : memref<4096xf32, #tpu.memory_space<vmem>>, vector<16xf32>,
    %swap3A_719 = arith.constant 3408 : index
    %swap3A_720 = tpu.vector_load %arg21[%swap3A_719] {strides = array<i32>} : memref<4096xf32, #tpu.memory_space<vmem>>, vector<16xf32>,
    tpu.vector_store %arg21[%swap3A_719], %broadcast_in_dim3A_37 {strides = array<i32>} : memref<4096xf32, #tpu.memory_space<vmem>>, vector<16xf32>,
    %swap3A_721 = arith.constant 3424 : index
    %swap3A_722 = tpu.vector_load %arg21[%swap3A_721] {strides = array<i32>} : memref<4096xf32, #tpu.memory_space<vmem>>, vector<16xf32>,
    tpu.vector_store %arg21[%swap3A_721], %broadcast_in_dim3A_37 {strides = array<i32>} : memref<4096xf32, #tpu.memory_space<vmem>>, vector<16xf32>,
    %swap3A_723 = arith.constant 3440 : index
    %swap3A_724 = tpu.vector_load %arg21[%swap3A_723] {strides = array<i32>} : memref<4096xf32, #tpu.memory_space<vmem>>, vector<16xf32>,
    tpu.vector_store %arg21[%swap3A_723], %broadcast_in_dim3A_37 {strides = array<i32>} : memref<4096xf32, #tpu.memory_space<vmem>>, vector<16xf32>,
    %swap3A_725 = arith.constant 3456 : index
    %swap3A_726 = tpu.vector_load %arg21[%swap3A_725] {strides = array<i32>} : memref<4096xf32, #tpu.memory_space<vmem>>, vector<16xf32>,
    tpu.vector_store %arg21[%swap3A_725], %broadcast_in_dim3A_37 {strides = array<i32>} : memref<4096xf32, #tpu.memory_space<vmem>>, vector<16xf32>,
    %swap3A_727 = arith.constant 3472 : index
    %swap3A_728 = tpu.vector_load %arg21[%swap3A_727] {strides = array<i32>} : memref<4096xf32, #tpu.memory_space<vmem>>, vector<16xf32>,
    tpu.vector_store %arg21[%swap3A_727], %broadcast_in_dim3A_37 {strides = array<i32>} : memref<4096xf32, #tpu.memory_space<vmem>>, vector<16xf32>,
    %swap3A_729 = arith.constant 3488 : index
    %swap3A_730 = tpu.vector_load %arg21[%swap3A_729] {strides = array<i32>} : memref<4096xf32, #tpu.memory_space<vmem>>, vector<16xf32>,
    tpu.vector_store %arg21[%swap3A_729], %broadcast_in_dim3A_37 {strides = array<i32>} : memref<4096xf32, #tpu.memory_space<vmem>>, vector<16xf32>,
    %swap3A_731 = arith.constant 3504 : index
    %swap3A_732 = tpu.vector_load %arg21[%swap3A_731] {strides = array<i32>} : memref<4096xf32, #tpu.memory_space<vmem>>, vector<16xf32>,
    tpu.vector_store %arg21[%swap3A_731], %broadcast_in_dim3A_37 {strides = array<i32>} : memref<4096xf32, #tpu.memory_space<vmem>>, vector<16xf32>,
    %swap3A_733 = arith.constant 3520 : index
    %swap3A_734 = tpu.vector_load %arg21[%swap3A_733] {strides = array<i32>} : memref<4096xf32, #tpu.memory_space<vmem>>, vector<16xf32>,
    tpu.vector_store %arg21[%swap3A_733], %broadcast_in_dim3A_37 {strides = array<i32>} : memref<4096xf32, #tpu.memory_space<vmem>>, vector<16xf32>,
    %swap3A_735 = arith.constant 3536 : index
    %swap3A_736 = tpu.vector_load %arg21[%swap3A_735] {strides = array<i32>} : memref<4096xf32, #tpu.memory_space<vmem>>, vector<16xf32>,
    tpu.vector_store %arg21[%swap3A_735], %broadcast_in_dim3A_37 {strides = array<i32>} : memref<4096xf32, #tpu.memory_space<vmem>>, vector<16xf32>,
    %swap3A_737 = arith.constant 3552 : index
    %swap3A_738 = tpu.vector_load %arg21[%swap3A_737] {strides = array<i32>} : memref<4096xf32, #tpu.memory_space<vmem>>, vector<16xf32>,
    tpu.vector_store %arg21[%swap3A_737], %broadcast_in_dim3A_37 {strides = array<i32>} : memref<4096xf32, #tpu.memory_space<vmem>>, vector<16xf32>,
    %swap3A_739 = arith.constant 3568 : index
    %swap3A_740 = tpu.vector_load %arg21[%swap3A_739] {strides = array<i32>} : memref<4096xf32, #tpu.memory_space<vmem>>, vector<16xf32>,
    tpu.vector_store %arg21[%swap3A_739], %broadcast_in_dim3A_37 {strides = array<i32>} : memref<4096xf32, #tpu.memory_space<vmem>>, vector<16xf32>,
    %swap3A_741 = arith.constant 3584 : index
    %swap3A_742 = tpu.vector_load %arg21[%swap3A_741] {strides = array<i32>} : memref<4096xf32, #tpu.memory_space<vmem>>, vector<16xf32>,
    tpu.vector_store %arg21[%swap3A_741], %broadcast_in_dim3A_37 {strides = array<i32>} : memref<4096xf32, #tpu.memory_space<vmem>>, vector<16xf32>,
    %swap3A_743 = arith.constant 3600 : index
    %swap3A_744 = tpu.vector_load %arg21[%swap3A_743] {strides = array<i32>} : memref<4096xf32, #tpu.memory_space<vmem>>, vector<16xf32>,
    tpu.vector_store %arg21[%swap3A_743], %broadcast_in_dim3A_37 {strides = array<i32>} : memref<4096xf32, #tpu.memory_space<vmem>>, vector<16xf32>,
    %swap3A_745 = arith.constant 3616 : index
    %swap3A_746 = tpu.vector_load %arg21[%swap3A_745] {strides = array<i32>} : memref<4096xf32, #tpu.memory_space<vmem>>, vector<16xf32>,
    tpu.vector_store %arg21[%swap3A_745], %broadcast_in_dim3A_37 {strides = array<i32>} : memref<4096xf32, #tpu.memory_space<vmem>>, vector<16xf32>,
    %swap3A_747 = arith.constant 3632 : index
    %swap3A_748 = tpu.vector_load %arg21[%swap3A_747] {strides = array<i32>} : memref<4096xf32, #tpu.memory_space<vmem>>, vector<16xf32>,
    tpu.vector_store %arg21[%swap3A_747], %broadcast_in_dim3A_37 {strides = array<i32>} : memref<4096xf32, #tpu.memory_space<vmem>>, vector<16xf32>,
    %swap3A_749 = arith.constant 3648 : index
    %swap3A_750 = tpu.vector_load %arg21[%swap3A_749] {strides = array<i32>} : memref<4096xf32, #tpu.memory_space<vmem>>, vector<16xf32>,
    tpu.vector_store %arg21[%swap3A_749], %broadcast_in_dim3A_37 {strides = array<i32>} : memref<4096xf32, #tpu.memory_space<vmem>>, vector<16xf32>,
    %swap3A_751 = arith.constant 3664 : index
    %swap3A_752 = tpu.vector_load %arg21[%swap3A_751] {strides = array<i32>} : memref<4096xf32, #tpu.memory_space<vmem>>, vector<16xf32>,
    tpu.vector_store %arg21[%swap3A_751], %broadcast_in_dim3A_37 {strides = array<i32>} : memref<4096xf32, #tpu.memory_space<vmem>>, vector<16xf32>,
    %swap3A_753 = arith.constant 3680 : index
    %swap3A_754 = tpu.vector_load %arg21[%swap3A_753] {strides = array<i32>} : memref<4096xf32, #tpu.memory_space<vmem>>, vector<16xf32>,
    tpu.vector_store %arg21[%swap3A_753], %broadcast_in_dim3A_37 {strides = array<i32>} : memref<4096xf32, #tpu.memory_space<vmem>>, vector<16xf32>,
    %swap3A_755 = arith.constant 3696 : index
    %swap3A_756 = tpu.vector_load %arg21[%swap3A_755] {strides = array<i32>} : memref<4096xf32, #tpu.memory_space<vmem>>, vector<16xf32>,
    tpu.vector_store %arg21[%swap3A_755], %broadcast_in_dim3A_37 {strides = array<i32>} : memref<4096xf32, #tpu.memory_space<vmem>>, vector<16xf32>,
    %swap3A_757 = arith.constant 3712 : index
    %swap3A_758 = tpu.vector_load %arg21[%swap3A_757] {strides = array<i32>} : memref<4096xf32, #tpu.memory_space<vmem>>, vector<16xf32>,
    tpu.vector_store %arg21[%swap3A_757], %broadcast_in_dim3A_37 {strides = array<i32>} : memref<4096xf32, #tpu.memory_space<vmem>>, vector<16xf32>,
    %swap3A_759 = arith.constant 3728 : index
    %swap3A_760 = tpu.vector_load %arg21[%swap3A_759] {strides = array<i32>} : memref<4096xf32, #tpu.memory_space<vmem>>, vector<16xf32>,
    tpu.vector_store %arg21[%swap3A_759], %broadcast_in_dim3A_37 {strides = array<i32>} : memref<4096xf32, #tpu.memory_space<vmem>>, vector<16xf32>,
    %swap3A_761 = arith.constant 3744 : index
    %swap3A_762 = tpu.vector_load %arg21[%swap3A_761] {strides = array<i32>} : memref<4096xf32, #tpu.memory_space<vmem>>, vector<16xf32>,
    tpu.vector_store %arg21[%swap3A_761], %broadcast_in_dim3A_37 {strides = array<i32>} : memref<4096xf32, #tpu.memory_space<vmem>>, vector<16xf32>,
    %swap3A_763 = arith.constant 3760 : index
    %swap3A_764 = tpu.vector_load %arg21[%swap3A_763] {strides = array<i32>} : memref<4096xf32, #tpu.memory_space<vmem>>, vector<16xf32>,
    tpu.vector_store %arg21[%swap3A_763], %broadcast_in_dim3A_37 {strides = array<i32>} : memref<4096xf32, #tpu.memory_space<vmem>>, vector<16xf32>,
    %swap3A_765 = arith.constant 3776 : index
    %swap3A_766 = tpu.vector_load %arg21[%swap3A_765] {strides = array<i32>} : memref<4096xf32, #tpu.memory_space<vmem>>, vector<16xf32>,
    tpu.vector_store %arg21[%swap3A_765], %broadcast_in_dim3A_37 {strides = array<i32>} : memref<4096xf32, #tpu.memory_space<vmem>>, vector<16xf32>,
    %swap3A_767 = arith.constant 3792 : index
    %swap3A_768 = tpu.vector_load %arg21[%swap3A_767] {strides = array<i32>} : memref<4096xf32, #tpu.memory_space<vmem>>, vector<16xf32>,
    tpu.vector_store %arg21[%swap3A_767], %broadcast_in_dim3A_37 {strides = array<i32>} : memref<4096xf32, #tpu.memory_space<vmem>>, vector<16xf32>,
    %swap3A_769 = arith.constant 3808 : index
    %swap3A_770 = tpu.vector_load %arg21[%swap3A_769] {strides = array<i32>} : memref<4096xf32, #tpu.memory_space<vmem>>, vector<16xf32>,
    tpu.vector_store %arg21[%swap3A_769], %broadcast_in_dim3A_37 {strides = array<i32>} : memref<4096xf32, #tpu.memory_space<vmem>>, vector<16xf32>,
    %swap3A_771 = arith.constant 3824 : index
    %swap3A_772 = tpu.vector_load %arg21[%swap3A_771] {strides = array<i32>} : memref<4096xf32, #tpu.memory_space<vmem>>, vector<16xf32>,
    tpu.vector_store %arg21[%swap3A_771], %broadcast_in_dim3A_37 {strides = array<i32>} : memref<4096xf32, #tpu.memory_space<vmem>>, vector<16xf32>,
    %swap3A_773 = arith.constant 3840 : index
    %swap3A_774 = tpu.vector_load %arg21[%swap3A_773] {strides = array<i32>} : memref<4096xf32, #tpu.memory_space<vmem>>, vector<16xf32>,
    tpu.vector_store %arg21[%swap3A_773], %broadcast_in_dim3A_37 {strides = array<i32>} : memref<4096xf32, #tpu.memory_space<vmem>>, vector<16xf32>,
    %swap3A_775 = arith.constant 3856 : index
    %swap3A_776 = tpu.vector_load %arg21[%swap3A_775] {strides = array<i32>} : memref<4096xf32, #tpu.memory_space<vmem>>, vector<16xf32>,
    tpu.vector_store %arg21[%swap3A_775], %broadcast_in_dim3A_37 {strides = array<i32>} : memref<4096xf32, #tpu.memory_space<vmem>>, vector<16xf32>,
    %swap3A_777 = arith.constant 3872 : index
    %swap3A_778 = tpu.vector_load %arg21[%swap3A_777] {strides = array<i32>} : memref<4096xf32, #tpu.memory_space<vmem>>, vector<16xf32>,
    tpu.vector_store %arg21[%swap3A_777], %broadcast_in_dim3A_37 {strides = array<i32>} : memref<4096xf32, #tpu.memory_space<vmem>>, vector<16xf32>,
    %swap3A_779 = arith.constant 3888 : index
    %swap3A_780 = tpu.vector_load %arg21[%swap3A_779] {strides = array<i32>} : memref<4096xf32, #tpu.memory_space<vmem>>, vector<16xf32>,
    tpu.vector_store %arg21[%swap3A_779], %broadcast_in_dim3A_37 {strides = array<i32>} : memref<4096xf32, #tpu.memory_space<vmem>>, vector<16xf32>,
    %swap3A_781 = arith.constant 3904 : index
    %swap3A_782 = tpu.vector_load %arg21[%swap3A_781] {strides = array<i32>} : memref<4096xf32, #tpu.memory_space<vmem>>, vector<16xf32>,
    tpu.vector_store %arg21[%swap3A_781], %broadcast_in_dim3A_37 {strides = array<i32>} : memref<4096xf32, #tpu.memory_space<vmem>>, vector<16xf32>,
    %swap3A_783 = arith.constant 3920 : index
    %swap3A_784 = tpu.vector_load %arg21[%swap3A_783] {strides = array<i32>} : memref<4096xf32, #tpu.memory_space<vmem>>, vector<16xf32>,
    tpu.vector_store %arg21[%swap3A_783], %broadcast_in_dim3A_37 {strides = array<i32>} : memref<4096xf32, #tpu.memory_space<vmem>>, vector<16xf32>,
    %swap3A_785 = arith.constant 3936 : index
    %swap3A_786 = tpu.vector_load %arg21[%swap3A_785] {strides = array<i32>} : memref<4096xf32, #tpu.memory_space<vmem>>, vector<16xf32>,
    tpu.vector_store %arg21[%swap3A_785], %broadcast_in_dim3A_37 {strides = array<i32>} : memref<4096xf32, #tpu.memory_space<vmem>>, vector<16xf32>,
    %swap3A_787 = arith.constant 3952 : index
    %swap3A_788 = tpu.vector_load %arg21[%swap3A_787] {strides = array<i32>} : memref<4096xf32, #tpu.memory_space<vmem>>, vector<16xf32>,
    tpu.vector_store %arg21[%swap3A_787], %broadcast_in_dim3A_37 {strides = array<i32>} : memref<4096xf32, #tpu.memory_space<vmem>>, vector<16xf32>,
    %swap3A_789 = arith.constant 3968 : index
    %swap3A_790 = tpu.vector_load %arg21[%swap3A_789] {strides = array<i32>} : memref<4096xf32, #tpu.memory_space<vmem>>, vector<16xf32>,
    tpu.vector_store %arg21[%swap3A_789], %broadcast_in_dim3A_37 {strides = array<i32>} : memref<4096xf32, #tpu.memory_space<vmem>>, vector<16xf32>,
    %swap3A_791 = arith.constant 3984 : index
    %swap3A_792 = tpu.vector_load %arg21[%swap3A_791] {strides = array<i32>} : memref<4096xf32, #tpu.memory_space<vmem>>, vector<16xf32>,
    tpu.vector_store %arg21[%swap3A_791], %broadcast_in_dim3A_37 {strides = array<i32>} : memref<4096xf32, #tpu.memory_space<vmem>>, vector<16xf32>,
    %swap3A_793 = arith.constant 4000 : index
    %swap3A_794 = tpu.vector_load %arg21[%swap3A_793] {strides = array<i32>} : memref<4096xf32, #tpu.memory_space<vmem>>, vector<16xf32>,
    tpu.vector_store %arg21[%swap3A_793], %broadcast_in_dim3A_37 {strides = array<i32>} : memref<4096xf32, #tpu.memory_space<vmem>>, vector<16xf32>,
    %swap3A_795 = arith.constant 4016 : index
    %swap3A_796 = tpu.vector_load %arg21[%swap3A_795] {strides = array<i32>} : memref<4096xf32, #tpu.memory_space<vmem>>, vector<16xf32>,
    tpu.vector_store %arg21[%swap3A_795], %broadcast_in_dim3A_37 {strides = array<i32>} : memref<4096xf32, #tpu.memory_space<vmem>>, vector<16xf32>,
    %swap3A_797 = arith.constant 4032 : index
    %swap3A_798 = tpu.vector_load %arg21[%swap3A_797] {strides = array<i32>} : memref<4096xf32, #tpu.memory_space<vmem>>, vector<16xf32>,
    tpu.vector_store %arg21[%swap3A_797], %broadcast_in_dim3A_37 {strides = array<i32>} : memref<4096xf32, #tpu.memory_space<vmem>>, vector<16xf32>,
    %swap3A_799 = arith.constant 4048 : index
    %swap3A_800 = tpu.vector_load %arg21[%swap3A_799] {strides = array<i32>} : memref<4096xf32, #tpu.memory_space<vmem>>, vector<16xf32>,
    tpu.vector_store %arg21[%swap3A_799], %broadcast_in_dim3A_37 {strides = array<i32>} : memref<4096xf32, #tpu.memory_space<vmem>>, vector<16xf32>,
    %swap3A_801 = arith.constant 4064 : index
    %swap3A_802 = tpu.vector_load %arg21[%swap3A_801] {strides = array<i32>} : memref<4096xf32, #tpu.memory_space<vmem>>, vector<16xf32>,
    tpu.vector_store %arg21[%swap3A_801], %broadcast_in_dim3A_37 {strides = array<i32>} : memref<4096xf32, #tpu.memory_space<vmem>>, vector<16xf32>,
    %swap3A_803 = arith.constant 4080 : index
    %swap3A_804 = tpu.vector_load %arg21[%swap3A_803] {strides = array<i32>} : memref<4096xf32, #tpu.memory_space<vmem>>, vector<16xf32>,
    tpu.vector_store %arg21[%swap3A_803], %broadcast_in_dim3A_37 {strides = array<i32>} : memref<4096xf32, #tpu.memory_space<vmem>>, vector<16xf32>,
    %scan3A = arith.constant 0 : i32
    %scan3A_805 = arith.constant 0 : i32
    %scan3A_806 = arith.constant 8 : i32
    %scan3A_807 = arith.addi %scan3A_805, %scan3A_806 : i32
    %scan3A_808 = arith.constant 1 : i32
    %scan3A_809 = scf.for %scan3A_811 = %scan3A_805 to %scan3A_807 step %scan3A_808 iter_args(%scan3A_812 = %scan3A) -> (i32)  : i32 {
      %scan3A_813 = arith.constant 0 : i32
      %scan3A_814 = arith.constant 0 : i32
      %scan3A_815 = arith.constant 16 : i32
      %scan3A_816 = arith.addi %scan3A_814, %scan3A_815 : i32
      %scan3A_817 = arith.constant 1 : i32
      %scan3A_818 = scf.for %scan3A_835 = %scan3A_814 to %scan3A_816 step %scan3A_817 iter_args(%scan3A_836 = %scan3A_813) -> (i32)  : i32 {
        %mul3A_837 = arith.constant 16 : i32
        %mul3A_838 = arith.muli %scan3A_811, %mul3A_837 : i32
        %add3A_839 = arith.addi %mul3A_838, %scan3A_835 : i32
        %mul3A_840 = arith.constant 12 : i32
        %mul3A_841 = arith.muli %add3A_839, %mul3A_840 : i32
        %add3A_842 = arith.addi %mul3A_841, %select_n3A : i32
        %add3A_843 = vector.broadcast %add3A_842 : i32 to vector<16xi32>
        %add3A_844 = arith.addi %broadcast_in_dim3A_35, %add3A_843 : vector<16xi32>
        %gather3A = tpu.vector_load_idx %arg17[%add3A_844] : memref<1536xf32, #tpu.memory_space<vmem>>[vector<16xi32>], vector<16xf32>,
        %add3A_845 = arith.constant 4 : i32
        %add3A_846 = arith.addi %add3A_842, %add3A_845 : i32
        %add3A_847 = vector.broadcast %add3A_846 : i32 to vector<16xi32>
        %add3A_848 = arith.addi %broadcast_in_dim3A_35, %add3A_847 : vector<16xi32>
        %gather3A_849 = tpu.vector_load_idx %arg17[%add3A_848] : memref<1536xf32, #tpu.memory_space<vmem>>[vector<16xi32>], vector<16xf32>,
        %add3A_850 = arith.constant 8 : i32
        %add3A_851 = arith.addi %add3A_842, %add3A_850 : i32
        %add3A_852 = vector.broadcast %add3A_851 : i32 to vector<16xi32>
        %add3A_853 = arith.addi %broadcast_in_dim3A_35, %add3A_852 : vector<16xi32>
        %gather3A_854 = tpu.vector_load_idx %arg17[%add3A_853] : memref<1536xf32, #tpu.memory_space<vmem>>[vector<16xi32>], vector<16xf32>,
        %while3A = arith.constant 0 : i32
        %while3A_855 = arith.constant 0 : i32
        %while3A_856 = arith.constant 0 : i32
        %while3A_857:3 = scf.while (%while3A_1007 = %while3A, %while3A_1008 = %while3A_855, %while3A_1009 = %while3A_856) : (i32, i32, i32) -> (i32, i32, i32) {
          %lt3A_1010 = arith.constant 128 : i32
          %lt3A_1011 = arith.cmpi slt, %while3A_1007, %lt3A_1010 : i32
          %lt3A_1012 = arith.constant 16 : i32
          %lt3A_1013 = arith.cmpi slt, %while3A_1008, %lt3A_1012 : i32
          %lt3A_1014 = arith.constant 32 : i32
          %lt3A_1015 = arith.cmpi slt, %while3A_1009, %lt3A_1014 : i32
          %or3A = arith.ori %lt3A_1013, %lt3A_1015 : i1
          %and3A_1016 = arith.andi %lt3A_1011, %or3A : i1
          scf.condition(%and3A_1016) %while3A_1007, %while3A_1008, %while3A_1009 : i32, i32, i32
        } do {
        ^bb0(%while3A_1007: i32, %while3A_1008: i32, %while3A_1009: i32):
          %mul3A_1010 = arith.constant 128 : i32
          %mul3A_1011 = arith.muli %while3A_1007, %mul3A_1010 : i32
          %add3A_1012 = arith.constant 0 : i32
          %add3A_1013 = arith.addi %mul3A_1011, %add3A_1012 : i32
          %get3A_1014 = arith.index_cast %add3A_1013 : i32 to index
          %get3A_1015 = tpu.vector_load %arg11[%get3A_1014] {strides = array<i32>} : memref<16384xf32, #tpu.memory_space<vmem>>, vector<16xf32>,
          %sub3A_1016 = arith.subf %get3A_1015, %gather3A : vector<16xf32>
          %get3A_1017 = arith.index_cast %add3A_1013 : i32 to index
          %get3A_1018 = tpu.vector_load %arg12[%get3A_1017] {strides = array<i32>} : memref<16384xf32, #tpu.memory_space<vmem>>, vector<16xf32>,
          %sub3A_1019 = arith.subf %get3A_1018, %gather3A_849 : vector<16xf32>
          %get3A_1020 = arith.index_cast %add3A_1013 : i32 to index
          %get3A_1021 = tpu.vector_load %arg13[%get3A_1020] {strides = array<i32>} : memref<16384xf32, #tpu.memory_space<vmem>>, vector<16xf32>,
          %sub3A_1022 = arith.subf %get3A_1021, %gather3A_854 : vector<16xf32>
          %mul3A_1023 = arith.mulf %sub3A_1016, %sub3A_1016 : vector<16xf32>
          %mul3A_1024 = arith.mulf %sub3A_1019, %sub3A_1019 : vector<16xf32>
          %add3A_1025 = arith.addf %mul3A_1023, %mul3A_1024 : vector<16xf32>
          %mul3A_1026 = arith.mulf %sub3A_1022, %sub3A_1022 : vector<16xf32>
          %add3A_1027 = arith.addf %add3A_1025, %mul3A_1026 : vector<16xf32>
          %le3A = arith.constant 1.000000e+00 : f32
          %le3A_1028 = vector.broadcast %le3A : f32 to vector<16xf32>
          %le3A_1029 = arith.cmpf ole, %add3A_1027, %le3A_1028 : vector<16xf32>
          %add3A_1030 = arith.constant 16 : i32
          %add3A_1031 = arith.addi %mul3A_1011, %add3A_1030 : i32
          %get3A_1032 = arith.index_cast %add3A_1031 : i32 to index
          %get3A_1033 = tpu.vector_load %arg11[%get3A_1032] {strides = array<i32>} : memref<16384xf32, #tpu.memory_space<vmem>>, vector<16xf32>,
          %sub3A_1034 = arith.subf %get3A_1033, %gather3A : vector<16xf32>
          %get3A_1035 = arith.index_cast %add3A_1031 : i32 to index
          %get3A_1036 = tpu.vector_load %arg12[%get3A_1035] {strides = array<i32>} : memref<16384xf32, #tpu.memory_space<vmem>>, vector<16xf32>,
          %sub3A_1037 = arith.subf %get3A_1036, %gather3A_849 : vector<16xf32>
          %get3A_1038 = arith.index_cast %add3A_1031 : i32 to index
          %get3A_1039 = tpu.vector_load %arg13[%get3A_1038] {strides = array<i32>} : memref<16384xf32, #tpu.memory_space<vmem>>, vector<16xf32>,
          %sub3A_1040 = arith.subf %get3A_1039, %gather3A_854 : vector<16xf32>
          %mul3A_1041 = arith.mulf %sub3A_1034, %sub3A_1034 : vector<16xf32>
          %mul3A_1042 = arith.mulf %sub3A_1037, %sub3A_1037 : vector<16xf32>
          %add3A_1043 = arith.addf %mul3A_1041, %mul3A_1042 : vector<16xf32>
          %mul3A_1044 = arith.mulf %sub3A_1040, %sub3A_1040 : vector<16xf32>
          %add3A_1045 = arith.addf %add3A_1043, %mul3A_1044 : vector<16xf32>
          %le3A_1046 = arith.constant 1.000000e+00 : f32
          %le3A_1047 = vector.broadcast %le3A_1046 : f32 to vector<16xf32>
          %le3A_1048 = arith.cmpf ole, %add3A_1045, %le3A_1047 : vector<16xf32>
          %add3A_1049 = arith.constant 32 : i32
          %add3A_1050 = arith.addi %mul3A_1011, %add3A_1049 : i32
          %get3A_1051 = arith.index_cast %add3A_1050 : i32 to index
          %get3A_1052 = tpu.vector_load %arg11[%get3A_1051] {strides = array<i32>} : memref<16384xf32, #tpu.memory_space<vmem>>, vector<16xf32>,
          %sub3A_1053 = arith.subf %get3A_1052, %gather3A : vector<16xf32>
          %get3A_1054 = arith.index_cast %add3A_1050 : i32 to index
          %get3A_1055 = tpu.vector_load %arg12[%get3A_1054] {strides = array<i32>} : memref<16384xf32, #tpu.memory_space<vmem>>, vector<16xf32>,
          %sub3A_1056 = arith.subf %get3A_1055, %gather3A_849 : vector<16xf32>
          %get3A_1057 = arith.index_cast %add3A_1050 : i32 to index
          %get3A_1058 = tpu.vector_load %arg13[%get3A_1057] {strides = array<i32>} : memref<16384xf32, #tpu.memory_space<vmem>>, vector<16xf32>,
          %sub3A_1059 = arith.subf %get3A_1058, %gather3A_854 : vector<16xf32>
          %mul3A_1060 = arith.mulf %sub3A_1053, %sub3A_1053 : vector<16xf32>
          %mul3A_1061 = arith.mulf %sub3A_1056, %sub3A_1056 : vector<16xf32>
          %add3A_1062 = arith.addf %mul3A_1060, %mul3A_1061 : vector<16xf32>
          %mul3A_1063 = arith.mulf %sub3A_1059, %sub3A_1059 : vector<16xf32>
          %add3A_1064 = arith.addf %add3A_1062, %mul3A_1063 : vector<16xf32>
          %le3A_1065 = arith.constant 1.000000e+00 : f32
          %le3A_1066 = vector.broadcast %le3A_1065 : f32 to vector<16xf32>
          %le3A_1067 = arith.cmpf ole, %add3A_1064, %le3A_1066 : vector<16xf32>
          %add3A_1068 = arith.constant 48 : i32
          %add3A_1069 = arith.addi %mul3A_1011, %add3A_1068 : i32
          %get3A_1070 = arith.index_cast %add3A_1069 : i32 to index
          %get3A_1071 = tpu.vector_load %arg11[%get3A_1070] {strides = array<i32>} : memref<16384xf32, #tpu.memory_space<vmem>>, vector<16xf32>,
          %sub3A_1072 = arith.subf %get3A_1071, %gather3A : vector<16xf32>
          %get3A_1073 = arith.index_cast %add3A_1069 : i32 to index
          %get3A_1074 = tpu.vector_load %arg12[%get3A_1073] {strides = array<i32>} : memref<16384xf32, #tpu.memory_space<vmem>>, vector<16xf32>,
          %sub3A_1075 = arith.subf %get3A_1074, %gather3A_849 : vector<16xf32>
          %get3A_1076 = arith.index_cast %add3A_1069 : i32 to index
          %get3A_1077 = tpu.vector_load %arg13[%get3A_1076] {strides = array<i32>} : memref<16384xf32, #tpu.memory_space<vmem>>, vector<16xf32>,
          %sub3A_1078 = arith.subf %get3A_1077, %gather3A_854 : vector<16xf32>
          %mul3A_1079 = arith.mulf %sub3A_1072, %sub3A_1072 : vector<16xf32>
          %mul3A_1080 = arith.mulf %sub3A_1075, %sub3A_1075 : vector<16xf32>
          %add3A_1081 = arith.addf %mul3A_1079, %mul3A_1080 : vector<16xf32>
          %mul3A_1082 = arith.mulf %sub3A_1078, %sub3A_1078 : vector<16xf32>
          %add3A_1083 = arith.addf %add3A_1081, %mul3A_1082 : vector<16xf32>
          %le3A_1084 = arith.constant 1.000000e+00 : f32
          %le3A_1085 = vector.broadcast %le3A_1084 : f32 to vector<16xf32>
          %le3A_1086 = arith.cmpf ole, %add3A_1083, %le3A_1085 : vector<16xf32>
          %add3A_1087 = arith.constant 64 : i32
          %add3A_1088 = arith.addi %mul3A_1011, %add3A_1087 : i32
          %get3A_1089 = arith.index_cast %add3A_1088 : i32 to index
          %get3A_1090 = tpu.vector_load %arg11[%get3A_1089] {strides = array<i32>} : memref<16384xf32, #tpu.memory_space<vmem>>, vector<16xf32>,
          %sub3A_1091 = arith.subf %get3A_1090, %gather3A : vector<16xf32>
          %get3A_1092 = arith.index_cast %add3A_1088 : i32 to index
          %get3A_1093 = tpu.vector_load %arg12[%get3A_1092] {strides = array<i32>} : memref<16384xf32, #tpu.memory_space<vmem>>, vector<16xf32>,
          %sub3A_1094 = arith.subf %get3A_1093, %gather3A_849 : vector<16xf32>
          %get3A_1095 = arith.index_cast %add3A_1088 : i32 to index
          %get3A_1096 = tpu.vector_load %arg13[%get3A_1095] {strides = array<i32>} : memref<16384xf32, #tpu.memory_space<vmem>>, vector<16xf32>,
          %sub3A_1097 = arith.subf %get3A_1096, %gather3A_854 : vector<16xf32>
          %mul3A_1098 = arith.mulf %sub3A_1091, %sub3A_1091 : vector<16xf32>
          %mul3A_1099 = arith.mulf %sub3A_1094, %sub3A_1094 : vector<16xf32>
          %add3A_1100 = arith.addf %mul3A_1098, %mul3A_1099 : vector<16xf32>
          %mul3A_1101 = arith.mulf %sub3A_1097, %sub3A_1097 : vector<16xf32>
          %add3A_1102 = arith.addf %add3A_1100, %mul3A_1101 : vector<16xf32>
          %le3A_1103 = arith.constant 1.000000e+00 : f32
          %le3A_1104 = vector.broadcast %le3A_1103 : f32 to vector<16xf32>
          %le3A_1105 = arith.cmpf ole, %add3A_1102, %le3A_1104 : vector<16xf32>
          %add3A_1106 = arith.constant 80 : i32
          %add3A_1107 = arith.addi %mul3A_1011, %add3A_1106 : i32
          %get3A_1108 = arith.index_cast %add3A_1107 : i32 to index
          %get3A_1109 = tpu.vector_load %arg11[%get3A_1108] {strides = array<i32>} : memref<16384xf32, #tpu.memory_space<vmem>>, vector<16xf32>,
          %sub3A_1110 = arith.subf %get3A_1109, %gather3A : vector<16xf32>
          %get3A_1111 = arith.index_cast %add3A_1107 : i32 to index
          %get3A_1112 = tpu.vector_load %arg12[%get3A_1111] {strides = array<i32>} : memref<16384xf32, #tpu.memory_space<vmem>>, vector<16xf32>,
          %sub3A_1113 = arith.subf %get3A_1112, %gather3A_849 : vector<16xf32>
          %get3A_1114 = arith.index_cast %add3A_1107 : i32 to index
          %get3A_1115 = tpu.vector_load %arg13[%get3A_1114] {strides = array<i32>} : memref<16384xf32, #tpu.memory_space<vmem>>, vector<16xf32>,
          %sub3A_1116 = arith.subf %get3A_1115, %gather3A_854 : vector<16xf32>
          %mul3A_1117 = arith.mulf %sub3A_1110, %sub3A_1110 : vector<16xf32>
          %mul3A_1118 = arith.mulf %sub3A_1113, %sub3A_1113 : vector<16xf32>
          %add3A_1119 = arith.addf %mul3A_1117, %mul3A_1118 : vector<16xf32>
          %mul3A_1120 = arith.mulf %sub3A_1116, %sub3A_1116 : vector<16xf32>
          %add3A_1121 = arith.addf %add3A_1119, %mul3A_1120 : vector<16xf32>
          %le3A_1122 = arith.constant 1.000000e+00 : f32
          %le3A_1123 = vector.broadcast %le3A_1122 : f32 to vector<16xf32>
          %le3A_1124 = arith.cmpf ole, %add3A_1121, %le3A_1123 : vector<16xf32>
          %add3A_1125 = arith.constant 96 : i32
          %add3A_1126 = arith.addi %mul3A_1011, %add3A_1125 : i32
          %get3A_1127 = arith.index_cast %add3A_1126 : i32 to index
          %get3A_1128 = tpu.vector_load %arg11[%get3A_1127] {strides = array<i32>} : memref<16384xf32, #tpu.memory_space<vmem>>, vector<16xf32>,
          %sub3A_1129 = arith.subf %get3A_1128, %gather3A : vector<16xf32>
          %get3A_1130 = arith.index_cast %add3A_1126 : i32 to index
          %get3A_1131 = tpu.vector_load %arg12[%get3A_1130] {strides = array<i32>} : memref<16384xf32, #tpu.memory_space<vmem>>, vector<16xf32>,
          %sub3A_1132 = arith.subf %get3A_1131, %gather3A_849 : vector<16xf32>
          %get3A_1133 = arith.index_cast %add3A_1126 : i32 to index
          %get3A_1134 = tpu.vector_load %arg13[%get3A_1133] {strides = array<i32>} : memref<16384xf32, #tpu.memory_space<vmem>>, vector<16xf32>,
          %sub3A_1135 = arith.subf %get3A_1134, %gather3A_854 : vector<16xf32>
          %mul3A_1136 = arith.mulf %sub3A_1129, %sub3A_1129 : vector<16xf32>
          %mul3A_1137 = arith.mulf %sub3A_1132, %sub3A_1132 : vector<16xf32>
          %add3A_1138 = arith.addf %mul3A_1136, %mul3A_1137 : vector<16xf32>
          %mul3A_1139 = arith.mulf %sub3A_1135, %sub3A_1135 : vector<16xf32>
          %add3A_1140 = arith.addf %add3A_1138, %mul3A_1139 : vector<16xf32>
          %le3A_1141 = arith.constant 1.000000e+00 : f32
          %le3A_1142 = vector.broadcast %le3A_1141 : f32 to vector<16xf32>
          %le3A_1143 = arith.cmpf ole, %add3A_1140, %le3A_1142 : vector<16xf32>
          %add3A_1144 = arith.constant 112 : i32
          %add3A_1145 = arith.addi %mul3A_1011, %add3A_1144 : i32
          %get3A_1146 = arith.index_cast %add3A_1145 : i32 to index
          %get3A_1147 = tpu.vector_load %arg11[%get3A_1146] {strides = array<i32>} : memref<16384xf32, #tpu.memory_space<vmem>>, vector<16xf32>,
          %sub3A_1148 = arith.subf %get3A_1147, %gather3A : vector<16xf32>
          %get3A_1149 = arith.index_cast %add3A_1145 : i32 to index
          %get3A_1150 = tpu.vector_load %arg12[%get3A_1149] {strides = array<i32>} : memref<16384xf32, #tpu.memory_space<vmem>>, vector<16xf32>,
          %sub3A_1151 = arith.subf %get3A_1150, %gather3A_849 : vector<16xf32>
          %get3A_1152 = arith.index_cast %add3A_1145 : i32 to index
          %get3A_1153 = tpu.vector_load %arg13[%get3A_1152] {strides = array<i32>} : memref<16384xf32, #tpu.memory_space<vmem>>, vector<16xf32>,
          %sub3A_1154 = arith.subf %get3A_1153, %gather3A_854 : vector<16xf32>
          %mul3A_1155 = arith.mulf %sub3A_1148, %sub3A_1148 : vector<16xf32>
          %mul3A_1156 = arith.mulf %sub3A_1151, %sub3A_1151 : vector<16xf32>
          %add3A_1157 = arith.addf %mul3A_1155, %mul3A_1156 : vector<16xf32>
          %mul3A_1158 = arith.mulf %sub3A_1154, %sub3A_1154 : vector<16xf32>
          %add3A_1159 = arith.addf %add3A_1157, %mul3A_1158 : vector<16xf32>
          %le3A_1160 = arith.constant 1.000000e+00 : f32
          %le3A_1161 = vector.broadcast %le3A_1160 : f32 to vector<16xf32>
          %le3A_1162 = arith.cmpf ole, %add3A_1159, %le3A_1161 : vector<16xf32>
          %or3A = arith.ori %le3A_1029, %le3A_1048 : vector<16xi1>
          %or3A_1163 = arith.ori %or3A, %le3A_1067 : vector<16xi1>
          %or3A_1164 = arith.ori %or3A_1163, %le3A_1086 : vector<16xi1>
          %or3A_1165 = arith.ori %or3A_1164, %le3A_1105 : vector<16xi1>
          %or3A_1166 = arith.ori %or3A_1165, %le3A_1124 : vector<16xi1>
          %or3A_1167 = arith.ori %or3A_1166, %le3A_1143 : vector<16xi1>
          %or3A_1168 = arith.ori %or3A_1167, %le3A_1162 : vector<16xi1>
          %reduce_or3A = arith.constant 1.000000e+00 : f32
          %reduce_or3A_1169 = arith.constant 0.000000e+00 : f32
          %reduce_or3A_1170 = vector.broadcast %reduce_or3A : f32 to vector<16xf32>
          %reduce_or3A_1171 = vector.broadcast %reduce_or3A_1169 : f32 to vector<16xf32>
          %reduce_or3A_1172 = arith.select %or3A_1168, %reduce_or3A_1170, %reduce_or3A_1171 : vector<16xi1>, vector<16xf32>
          %reduce_or3A_1173 = arith.constant true
          %reduce_or3A_1174 = vector.broadcast %reduce_or3A_1173 : i1 to vector<16xi1>
          %reduce_or3A_1175 = tpu.scan <max>, %reduce_or3A_1172 masked %reduce_or3A_1174 : vector<16xf32>, vector<16xi1> -> vector<16xf32>
          %reduce_or3A_1176 = vector.extract %reduce_or3A_1175[15] : f32 from vector<16xf32>
          %reduce_or3A_1177 = arith.constant 0.000000e+00 : f32
          %reduce_or3A_1178 = arith.cmpf ogt, %reduce_or3A_1176, %reduce_or3A_1177 : f32
          %convert_element_type3A = arith.extui %reduce_or3A_1178 : i1 to i32
          %cond3A = arith.constant 0 : i32
          %cond3A_1179 = arith.cmpi ne, %convert_element_type3A, %cond3A : i32
          %cond3A_1180:2 = scf.if %cond3A_1179 -> (i32, i32) {
            %add3A_1183 = arith.constant 0 : i32
            %add3A_1184 = arith.addi %mul3A_1011, %add3A_1183 : i32
            %add3A_1185 = vector.broadcast %add3A_1184 : i32 to vector<16xi32>
            %add3A_1186 = arith.addi %iota3A, %add3A_1185 : vector<16xi32>
            %le3A_1187 = arith.constant 2.500000e-01 : f32
            %le3A_1188 = vector.broadcast %le3A_1187 : f32 to vector<16xf32>
            %le3A_1189 = arith.cmpf ole, %add3A_1027, %le3A_1188 : vector<16xf32>
            %convert_element_type3A_1190 = arith.extui %le3A_1189 : vector<16xi1> to vector<16xi32>
            %broadcast_in_dim3A_1191 = arith.constant true
            %broadcast_in_dim3A_1192 = vector.broadcast %broadcast_in_dim3A_1191 : i1 to vector<16xi1>
            %masked_cumsum3A = tpu.scan <sum>, %convert_element_type3A_1190 masked %broadcast_in_dim3A_1192 : vector<16xi32>, vector<16xi1> -> vector<16xi32>
            %add3A_1193 = vector.broadcast %while3A_1008 : i32 to vector<16xi32>
            %add3A_1194 = arith.addi %add3A_1193, %masked_cumsum3A : vector<16xi32>
            %sub3A_1195 = arith.constant 1 : i32
            %sub3A_1196 = vector.broadcast %sub3A_1195 : i32 to vector<16xi32>
            %sub3A_1197 = arith.subi %add3A_1194, %sub3A_1196 : vector<16xi32>
            %lt3A_1198 = arith.constant 16 : i32
            %lt3A_1199 = vector.broadcast %lt3A_1198 : i32 to vector<16xi32>
            %lt3A_1200 = arith.cmpi slt, %sub3A_1197, %lt3A_1199 : vector<16xi32>
            %and3A_1201 = arith.andi %le3A_1189, %lt3A_1200 : vector<16xi1>
            tpu.vector_store_idx %arg18[%sub3A_1197], %add3A_1186 masked %and3A_1201 : memref<16xi32, #tpu.memory_space<vmem>>[vector<16xi32>], vector<16xi32>, vector<16xi1>
            %convert_element_type3A_1202 = arith.extui %le3A_1029 : vector<16xi1> to vector<16xi32>
            %broadcast_in_dim3A_1203 = arith.constant true
            %broadcast_in_dim3A_1204 = vector.broadcast %broadcast_in_dim3A_1203 : i1 to vector<16xi1>
            %masked_cumsum3A_1205 = tpu.scan <sum>, %convert_element_type3A_1202 masked %broadcast_in_dim3A_1204 : vector<16xi32>, vector<16xi1> -> vector<16xi32>
            %add3A_1206 = vector.broadcast %while3A_1009 : i32 to vector<16xi32>
            %add3A_1207 = arith.addi %add3A_1206, %masked_cumsum3A_1205 : vector<16xi32>
            %sub3A_1208 = arith.constant 1 : i32
            %sub3A_1209 = vector.broadcast %sub3A_1208 : i32 to vector<16xi32>
            %sub3A_1210 = arith.subi %add3A_1207, %sub3A_1209 : vector<16xi32>
            %lt3A_1211 = arith.constant 32 : i32
            %lt3A_1212 = vector.broadcast %lt3A_1211 : i32 to vector<16xi32>
            %lt3A_1213 = arith.cmpi slt, %sub3A_1210, %lt3A_1212 : vector<16xi32>
            %and3A_1214 = arith.andi %le3A_1029, %lt3A_1213 : vector<16xi1>
            tpu.vector_store_idx %arg19[%sub3A_1210], %add3A_1186 masked %and3A_1214 : memref<32xi32, #tpu.memory_space<vmem>>[vector<16xi32>], vector<16xi32>, vector<16xi1>
            %slice3A_1215 = vector.extract_strided_slice %masked_cumsum3A {offsets = [15], sizes = [1], strides = [1]} : vector<16xi32> to vector<1xi32>
            %squeeze3A_1216 = vector.extract %slice3A_1215[0] : i32 from vector<1xi32>
            %add3A_1217 = arith.addi %while3A_1008, %squeeze3A_1216 : i32
            %slice3A_1218 = vector.extract_strided_slice %masked_cumsum3A_1205 {offsets = [15], sizes = [1], strides = [1]} : vector<16xi32> to vector<1xi32>
            %squeeze3A_1219 = vector.extract %slice3A_1218[0] : i32 from vector<1xi32>
            %add3A_1220 = arith.addi %while3A_1009, %squeeze3A_1219 : i32
            %add3A_1221 = arith.constant 16 : i32
            %add3A_1222 = arith.addi %mul3A_1011, %add3A_1221 : i32
            %add3A_1223 = vector.broadcast %add3A_1222 : i32 to vector<16xi32>
            %add3A_1224 = arith.addi %iota3A, %add3A_1223 : vector<16xi32>
            %le3A_1225 = arith.constant 2.500000e-01 : f32
            %le3A_1226 = vector.broadcast %le3A_1225 : f32 to vector<16xf32>
            %le3A_1227 = arith.cmpf ole, %add3A_1045, %le3A_1226 : vector<16xf32>
            %convert_element_type3A_1228 = arith.extui %le3A_1227 : vector<16xi1> to vector<16xi32>
            %broadcast_in_dim3A_1229 = arith.constant true
            %broadcast_in_dim3A_1230 = vector.broadcast %broadcast_in_dim3A_1229 : i1 to vector<16xi1>
            %masked_cumsum3A_1231 = tpu.scan <sum>, %convert_element_type3A_1228 masked %broadcast_in_dim3A_1230 : vector<16xi32>, vector<16xi1> -> vector<16xi32>
            %add3A_1232 = vector.broadcast %add3A_1217 : i32 to vector<16xi32>
            %add3A_1233 = arith.addi %add3A_1232, %masked_cumsum3A_1231 : vector<16xi32>
            %sub3A_1234 = arith.constant 1 : i32
            %sub3A_1235 = vector.broadcast %sub3A_1234 : i32 to vector<16xi32>
            %sub3A_1236 = arith.subi %add3A_1233, %sub3A_1235 : vector<16xi32>
            %lt3A_1237 = arith.constant 16 : i32
            %lt3A_1238 = vector.broadcast %lt3A_1237 : i32 to vector<16xi32>
            %lt3A_1239 = arith.cmpi slt, %sub3A_1236, %lt3A_1238 : vector<16xi32>
            %and3A_1240 = arith.andi %le3A_1227, %lt3A_1239 : vector<16xi1>
            tpu.vector_store_idx %arg18[%sub3A_1236], %add3A_1224 masked %and3A_1240 : memref<16xi32, #tpu.memory_space<vmem>>[vector<16xi32>], vector<16xi32>, vector<16xi1>
            %convert_element_type3A_1241 = arith.extui %le3A_1048 : vector<16xi1> to vector<16xi32>
            %broadcast_in_dim3A_1242 = arith.constant true
            %broadcast_in_dim3A_1243 = vector.broadcast %broadcast_in_dim3A_1242 : i1 to vector<16xi1>
            %masked_cumsum3A_1244 = tpu.scan <sum>, %convert_element_type3A_1241 masked %broadcast_in_dim3A_1243 : vector<16xi32>, vector<16xi1> -> vector<16xi32>
            %add3A_1245 = vector.broadcast %add3A_1220 : i32 to vector<16xi32>
            %add3A_1246 = arith.addi %add3A_1245, %masked_cumsum3A_1244 : vector<16xi32>
            %sub3A_1247 = arith.constant 1 : i32
            %sub3A_1248 = vector.broadcast %sub3A_1247 : i32 to vector<16xi32>
            %sub3A_1249 = arith.subi %add3A_1246, %sub3A_1248 : vector<16xi32>
            %lt3A_1250 = arith.constant 32 : i32
            %lt3A_1251 = vector.broadcast %lt3A_1250 : i32 to vector<16xi32>
            %lt3A_1252 = arith.cmpi slt, %sub3A_1249, %lt3A_1251 : vector<16xi32>
            %and3A_1253 = arith.andi %le3A_1048, %lt3A_1252 : vector<16xi1>
            tpu.vector_store_idx %arg19[%sub3A_1249], %add3A_1224 masked %and3A_1253 : memref<32xi32, #tpu.memory_space<vmem>>[vector<16xi32>], vector<16xi32>, vector<16xi1>
            %slice3A_1254 = vector.extract_strided_slice %masked_cumsum3A_1231 {offsets = [15], sizes = [1], strides = [1]} : vector<16xi32> to vector<1xi32>
            %squeeze3A_1255 = vector.extract %slice3A_1254[0] : i32 from vector<1xi32>
            %add3A_1256 = arith.addi %add3A_1217, %squeeze3A_1255 : i32
            %slice3A_1257 = vector.extract_strided_slice %masked_cumsum3A_1244 {offsets = [15], sizes = [1], strides = [1]} : vector<16xi32> to vector<1xi32>
            %squeeze3A_1258 = vector.extract %slice3A_1257[0] : i32 from vector<1xi32>
            %add3A_1259 = arith.addi %add3A_1220, %squeeze3A_1258 : i32
            %add3A_1260 = arith.constant 32 : i32
            %add3A_1261 = arith.addi %mul3A_1011, %add3A_1260 : i32
            %add3A_1262 = vector.broadcast %add3A_1261 : i32 to vector<16xi32>
            %add3A_1263 = arith.addi %iota3A, %add3A_1262 : vector<16xi32>
            %le3A_1264 = arith.constant 2.500000e-01 : f32
            %le3A_1265 = vector.broadcast %le3A_1264 : f32 to vector<16xf32>
            %le3A_1266 = arith.cmpf ole, %add3A_1064, %le3A_1265 : vector<16xf32>
            %convert_element_type3A_1267 = arith.extui %le3A_1266 : vector<16xi1> to vector<16xi32>
            %broadcast_in_dim3A_1268 = arith.constant true
            %broadcast_in_dim3A_1269 = vector.broadcast %broadcast_in_dim3A_1268 : i1 to vector<16xi1>
            %masked_cumsum3A_1270 = tpu.scan <sum>, %convert_element_type3A_1267 masked %broadcast_in_dim3A_1269 : vector<16xi32>, vector<16xi1> -> vector<16xi32>
            %add3A_1271 = vector.broadcast %add3A_1256 : i32 to vector<16xi32>
            %add3A_1272 = arith.addi %add3A_1271, %masked_cumsum3A_1270 : vector<16xi32>
            %sub3A_1273 = arith.constant 1 : i32
            %sub3A_1274 = vector.broadcast %sub3A_1273 : i32 to vector<16xi32>
            %sub3A_1275 = arith.subi %add3A_1272, %sub3A_1274 : vector<16xi32>
            %lt3A_1276 = arith.constant 16 : i32
            %lt3A_1277 = vector.broadcast %lt3A_1276 : i32 to vector<16xi32>
            %lt3A_1278 = arith.cmpi slt, %sub3A_1275, %lt3A_1277 : vector<16xi32>
            %and3A_1279 = arith.andi %le3A_1266, %lt3A_1278 : vector<16xi1>
            tpu.vector_store_idx %arg18[%sub3A_1275], %add3A_1263 masked %and3A_1279 : memref<16xi32, #tpu.memory_space<vmem>>[vector<16xi32>], vector<16xi32>, vector<16xi1>
            %convert_element_type3A_1280 = arith.extui %le3A_1067 : vector<16xi1> to vector<16xi32>
            %broadcast_in_dim3A_1281 = arith.constant true
            %broadcast_in_dim3A_1282 = vector.broadcast %broadcast_in_dim3A_1281 : i1 to vector<16xi1>
            %masked_cumsum3A_1283 = tpu.scan <sum>, %convert_element_type3A_1280 masked %broadcast_in_dim3A_1282 : vector<16xi32>, vector<16xi1> -> vector<16xi32>
            %add3A_1284 = vector.broadcast %add3A_1259 : i32 to vector<16xi32>
            %add3A_1285 = arith.addi %add3A_1284, %masked_cumsum3A_1283 : vector<16xi32>
            %sub3A_1286 = arith.constant 1 : i32
            %sub3A_1287 = vector.broadcast %sub3A_1286 : i32 to vector<16xi32>
            %sub3A_1288 = arith.subi %add3A_1285, %sub3A_1287 : vector<16xi32>
            %lt3A_1289 = arith.constant 32 : i32
            %lt3A_1290 = vector.broadcast %lt3A_1289 : i32 to vector<16xi32>
            %lt3A_1291 = arith.cmpi slt, %sub3A_1288, %lt3A_1290 : vector<16xi32>
            %and3A_1292 = arith.andi %le3A_1067, %lt3A_1291 : vector<16xi1>
            tpu.vector_store_idx %arg19[%sub3A_1288], %add3A_1263 masked %and3A_1292 : memref<32xi32, #tpu.memory_space<vmem>>[vector<16xi32>], vector<16xi32>, vector<16xi1>
            %slice3A_1293 = vector.extract_strided_slice %masked_cumsum3A_1270 {offsets = [15], sizes = [1], strides = [1]} : vector<16xi32> to vector<1xi32>
            %squeeze3A_1294 = vector.extract %slice3A_1293[0] : i32 from vector<1xi32>
            %add3A_1295 = arith.addi %add3A_1256, %squeeze3A_1294 : i32
            %slice3A_1296 = vector.extract_strided_slice %masked_cumsum3A_1283 {offsets = [15], sizes = [1], strides = [1]} : vector<16xi32> to vector<1xi32>
            %squeeze3A_1297 = vector.extract %slice3A_1296[0] : i32 from vector<1xi32>
            %add3A_1298 = arith.addi %add3A_1259, %squeeze3A_1297 : i32
            %add3A_1299 = arith.constant 48 : i32
            %add3A_1300 = arith.addi %mul3A_1011, %add3A_1299 : i32
            %add3A_1301 = vector.broadcast %add3A_1300 : i32 to vector<16xi32>
            %add3A_1302 = arith.addi %iota3A, %add3A_1301 : vector<16xi32>
            %le3A_1303 = arith.constant 2.500000e-01 : f32
            %le3A_1304 = vector.broadcast %le3A_1303 : f32 to vector<16xf32>
            %le3A_1305 = arith.cmpf ole, %add3A_1083, %le3A_1304 : vector<16xf32>
            %convert_element_type3A_1306 = arith.extui %le3A_1305 : vector<16xi1> to vector<16xi32>
            %broadcast_in_dim3A_1307 = arith.constant true
            %broadcast_in_dim3A_1308 = vector.broadcast %broadcast_in_dim3A_1307 : i1 to vector<16xi1>
            %masked_cumsum3A_1309 = tpu.scan <sum>, %convert_element_type3A_1306 masked %broadcast_in_dim3A_1308 : vector<16xi32>, vector<16xi1> -> vector<16xi32>
            %add3A_1310 = vector.broadcast %add3A_1295 : i32 to vector<16xi32>
            %add3A_1311 = arith.addi %add3A_1310, %masked_cumsum3A_1309 : vector<16xi32>
            %sub3A_1312 = arith.constant 1 : i32
            %sub3A_1313 = vector.broadcast %sub3A_1312 : i32 to vector<16xi32>
            %sub3A_1314 = arith.subi %add3A_1311, %sub3A_1313 : vector<16xi32>
            %lt3A_1315 = arith.constant 16 : i32
            %lt3A_1316 = vector.broadcast %lt3A_1315 : i32 to vector<16xi32>
            %lt3A_1317 = arith.cmpi slt, %sub3A_1314, %lt3A_1316 : vector<16xi32>
            %and3A_1318 = arith.andi %le3A_1305, %lt3A_1317 : vector<16xi1>
            tpu.vector_store_idx %arg18[%sub3A_1314], %add3A_1302 masked %and3A_1318 : memref<16xi32, #tpu.memory_space<vmem>>[vector<16xi32>], vector<16xi32>, vector<16xi1>
            %convert_element_type3A_1319 = arith.extui %le3A_1086 : vector<16xi1> to vector<16xi32>
            %broadcast_in_dim3A_1320 = arith.constant true
            %broadcast_in_dim3A_1321 = vector.broadcast %broadcast_in_dim3A_1320 : i1 to vector<16xi1>
            %masked_cumsum3A_1322 = tpu.scan <sum>, %convert_element_type3A_1319 masked %broadcast_in_dim3A_1321 : vector<16xi32>, vector<16xi1> -> vector<16xi32>
            %add3A_1323 = vector.broadcast %add3A_1298 : i32 to vector<16xi32>
            %add3A_1324 = arith.addi %add3A_1323, %masked_cumsum3A_1322 : vector<16xi32>
            %sub3A_1325 = arith.constant 1 : i32
            %sub3A_1326 = vector.broadcast %sub3A_1325 : i32 to vector<16xi32>
            %sub3A_1327 = arith.subi %add3A_1324, %sub3A_1326 : vector<16xi32>
            %lt3A_1328 = arith.constant 32 : i32
            %lt3A_1329 = vector.broadcast %lt3A_1328 : i32 to vector<16xi32>
            %lt3A_1330 = arith.cmpi slt, %sub3A_1327, %lt3A_1329 : vector<16xi32>
            %and3A_1331 = arith.andi %le3A_1086, %lt3A_1330 : vector<16xi1>
            tpu.vector_store_idx %arg19[%sub3A_1327], %add3A_1302 masked %and3A_1331 : memref<32xi32, #tpu.memory_space<vmem>>[vector<16xi32>], vector<16xi32>, vector<16xi1>
            %slice3A_1332 = vector.extract_strided_slice %masked_cumsum3A_1309 {offsets = [15], sizes = [1], strides = [1]} : vector<16xi32> to vector<1xi32>
            %squeeze3A_1333 = vector.extract %slice3A_1332[0] : i32 from vector<1xi32>
            %add3A_1334 = arith.addi %add3A_1295, %squeeze3A_1333 : i32
            %slice3A_1335 = vector.extract_strided_slice %masked_cumsum3A_1322 {offsets = [15], sizes = [1], strides = [1]} : vector<16xi32> to vector<1xi32>
            %squeeze3A_1336 = vector.extract %slice3A_1335[0] : i32 from vector<1xi32>
            %add3A_1337 = arith.addi %add3A_1298, %squeeze3A_1336 : i32
            %add3A_1338 = arith.constant 64 : i32
            %add3A_1339 = arith.addi %mul3A_1011, %add3A_1338 : i32
            %add3A_1340 = vector.broadcast %add3A_1339 : i32 to vector<16xi32>
            %add3A_1341 = arith.addi %iota3A, %add3A_1340 : vector<16xi32>
            %le3A_1342 = arith.constant 2.500000e-01 : f32
            %le3A_1343 = vector.broadcast %le3A_1342 : f32 to vector<16xf32>
            %le3A_1344 = arith.cmpf ole, %add3A_1102, %le3A_1343 : vector<16xf32>
            %convert_element_type3A_1345 = arith.extui %le3A_1344 : vector<16xi1> to vector<16xi32>
            %broadcast_in_dim3A_1346 = arith.constant true
            %broadcast_in_dim3A_1347 = vector.broadcast %broadcast_in_dim3A_1346 : i1 to vector<16xi1>
            %masked_cumsum3A_1348 = tpu.scan <sum>, %convert_element_type3A_1345 masked %broadcast_in_dim3A_1347 : vector<16xi32>, vector<16xi1> -> vector<16xi32>
            %add3A_1349 = vector.broadcast %add3A_1334 : i32 to vector<16xi32>
            %add3A_1350 = arith.addi %add3A_1349, %masked_cumsum3A_1348 : vector<16xi32>
            %sub3A_1351 = arith.constant 1 : i32
            %sub3A_1352 = vector.broadcast %sub3A_1351 : i32 to vector<16xi32>
            %sub3A_1353 = arith.subi %add3A_1350, %sub3A_1352 : vector<16xi32>
            %lt3A_1354 = arith.constant 16 : i32
            %lt3A_1355 = vector.broadcast %lt3A_1354 : i32 to vector<16xi32>
            %lt3A_1356 = arith.cmpi slt, %sub3A_1353, %lt3A_1355 : vector<16xi32>
            %and3A_1357 = arith.andi %le3A_1344, %lt3A_1356 : vector<16xi1>
            tpu.vector_store_idx %arg18[%sub3A_1353], %add3A_1341 masked %and3A_1357 : memref<16xi32, #tpu.memory_space<vmem>>[vector<16xi32>], vector<16xi32>, vector<16xi1>
            %convert_element_type3A_1358 = arith.extui %le3A_1105 : vector<16xi1> to vector<16xi32>
            %broadcast_in_dim3A_1359 = arith.constant true
            %broadcast_in_dim3A_1360 = vector.broadcast %broadcast_in_dim3A_1359 : i1 to vector<16xi1>
            %masked_cumsum3A_1361 = tpu.scan <sum>, %convert_element_type3A_1358 masked %broadcast_in_dim3A_1360 : vector<16xi32>, vector<16xi1> -> vector<16xi32>
            %add3A_1362 = vector.broadcast %add3A_1337 : i32 to vector<16xi32>
            %add3A_1363 = arith.addi %add3A_1362, %masked_cumsum3A_1361 : vector<16xi32>
            %sub3A_1364 = arith.constant 1 : i32
            %sub3A_1365 = vector.broadcast %sub3A_1364 : i32 to vector<16xi32>
            %sub3A_1366 = arith.subi %add3A_1363, %sub3A_1365 : vector<16xi32>
            %lt3A_1367 = arith.constant 32 : i32
            %lt3A_1368 = vector.broadcast %lt3A_1367 : i32 to vector<16xi32>
            %lt3A_1369 = arith.cmpi slt, %sub3A_1366, %lt3A_1368 : vector<16xi32>
            %and3A_1370 = arith.andi %le3A_1105, %lt3A_1369 : vector<16xi1>
            tpu.vector_store_idx %arg19[%sub3A_1366], %add3A_1341 masked %and3A_1370 : memref<32xi32, #tpu.memory_space<vmem>>[vector<16xi32>], vector<16xi32>, vector<16xi1>
            %slice3A_1371 = vector.extract_strided_slice %masked_cumsum3A_1348 {offsets = [15], sizes = [1], strides = [1]} : vector<16xi32> to vector<1xi32>
            %squeeze3A_1372 = vector.extract %slice3A_1371[0] : i32 from vector<1xi32>
            %add3A_1373 = arith.addi %add3A_1334, %squeeze3A_1372 : i32
            %slice3A_1374 = vector.extract_strided_slice %masked_cumsum3A_1361 {offsets = [15], sizes = [1], strides = [1]} : vector<16xi32> to vector<1xi32>
            %squeeze3A_1375 = vector.extract %slice3A_1374[0] : i32 from vector<1xi32>
            %add3A_1376 = arith.addi %add3A_1337, %squeeze3A_1375 : i32
            %add3A_1377 = arith.constant 80 : i32
            %add3A_1378 = arith.addi %mul3A_1011, %add3A_1377 : i32
            %add3A_1379 = vector.broadcast %add3A_1378 : i32 to vector<16xi32>
            %add3A_1380 = arith.addi %iota3A, %add3A_1379 : vector<16xi32>
            %le3A_1381 = arith.constant 2.500000e-01 : f32
            %le3A_1382 = vector.broadcast %le3A_1381 : f32 to vector<16xf32>
            %le3A_1383 = arith.cmpf ole, %add3A_1121, %le3A_1382 : vector<16xf32>
            %convert_element_type3A_1384 = arith.extui %le3A_1383 : vector<16xi1> to vector<16xi32>
            %broadcast_in_dim3A_1385 = arith.constant true
            %broadcast_in_dim3A_1386 = vector.broadcast %broadcast_in_dim3A_1385 : i1 to vector<16xi1>
            %masked_cumsum3A_1387 = tpu.scan <sum>, %convert_element_type3A_1384 masked %broadcast_in_dim3A_1386 : vector<16xi32>, vector<16xi1> -> vector<16xi32>
            %add3A_1388 = vector.broadcast %add3A_1373 : i32 to vector<16xi32>
            %add3A_1389 = arith.addi %add3A_1388, %masked_cumsum3A_1387 : vector<16xi32>
            %sub3A_1390 = arith.constant 1 : i32
            %sub3A_1391 = vector.broadcast %sub3A_1390 : i32 to vector<16xi32>
            %sub3A_1392 = arith.subi %add3A_1389, %sub3A_1391 : vector<16xi32>
            %lt3A_1393 = arith.constant 16 : i32
            %lt3A_1394 = vector.broadcast %lt3A_1393 : i32 to vector<16xi32>
            %lt3A_1395 = arith.cmpi slt, %sub3A_1392, %lt3A_1394 : vector<16xi32>
            %and3A_1396 = arith.andi %le3A_1383, %lt3A_1395 : vector<16xi1>
            tpu.vector_store_idx %arg18[%sub3A_1392], %add3A_1380 masked %and3A_1396 : memref<16xi32, #tpu.memory_space<vmem>>[vector<16xi32>], vector<16xi32>, vector<16xi1>
            %convert_element_type3A_1397 = arith.extui %le3A_1124 : vector<16xi1> to vector<16xi32>
            %broadcast_in_dim3A_1398 = arith.constant true
            %broadcast_in_dim3A_1399 = vector.broadcast %broadcast_in_dim3A_1398 : i1 to vector<16xi1>
            %masked_cumsum3A_1400 = tpu.scan <sum>, %convert_element_type3A_1397 masked %broadcast_in_dim3A_1399 : vector<16xi32>, vector<16xi1> -> vector<16xi32>
            %add3A_1401 = vector.broadcast %add3A_1376 : i32 to vector<16xi32>
            %add3A_1402 = arith.addi %add3A_1401, %masked_cumsum3A_1400 : vector<16xi32>
            %sub3A_1403 = arith.constant 1 : i32
            %sub3A_1404 = vector.broadcast %sub3A_1403 : i32 to vector<16xi32>
            %sub3A_1405 = arith.subi %add3A_1402, %sub3A_1404 : vector<16xi32>
            %lt3A_1406 = arith.constant 32 : i32
            %lt3A_1407 = vector.broadcast %lt3A_1406 : i32 to vector<16xi32>
            %lt3A_1408 = arith.cmpi slt, %sub3A_1405, %lt3A_1407 : vector<16xi32>
            %and3A_1409 = arith.andi %le3A_1124, %lt3A_1408 : vector<16xi1>
            tpu.vector_store_idx %arg19[%sub3A_1405], %add3A_1380 masked %and3A_1409 : memref<32xi32, #tpu.memory_space<vmem>>[vector<16xi32>], vector<16xi32>, vector<16xi1>
            %slice3A_1410 = vector.extract_strided_slice %masked_cumsum3A_1387 {offsets = [15], sizes = [1], strides = [1]} : vector<16xi32> to vector<1xi32>
            %squeeze3A_1411 = vector.extract %slice3A_1410[0] : i32 from vector<1xi32>
            %add3A_1412 = arith.addi %add3A_1373, %squeeze3A_1411 : i32
            %slice3A_1413 = vector.extract_strided_slice %masked_cumsum3A_1400 {offsets = [15], sizes = [1], strides = [1]} : vector<16xi32> to vector<1xi32>
            %squeeze3A_1414 = vector.extract %slice3A_1413[0] : i32 from vector<1xi32>
            %add3A_1415 = arith.addi %add3A_1376, %squeeze3A_1414 : i32
            %add3A_1416 = arith.constant 96 : i32
            %add3A_1417 = arith.addi %mul3A_1011, %add3A_1416 : i32
            %add3A_1418 = vector.broadcast %add3A_1417 : i32 to vector<16xi32>
            %add3A_1419 = arith.addi %iota3A, %add3A_1418 : vector<16xi32>
            %le3A_1420 = arith.constant 2.500000e-01 : f32
            %le3A_1421 = vector.broadcast %le3A_1420 : f32 to vector<16xf32>
            %le3A_1422 = arith.cmpf ole, %add3A_1140, %le3A_1421 : vector<16xf32>
            %convert_element_type3A_1423 = arith.extui %le3A_1422 : vector<16xi1> to vector<16xi32>
            %broadcast_in_dim3A_1424 = arith.constant true
            %broadcast_in_dim3A_1425 = vector.broadcast %broadcast_in_dim3A_1424 : i1 to vector<16xi1>
            %masked_cumsum3A_1426 = tpu.scan <sum>, %convert_element_type3A_1423 masked %broadcast_in_dim3A_1425 : vector<16xi32>, vector<16xi1> -> vector<16xi32>
            %add3A_1427 = vector.broadcast %add3A_1412 : i32 to vector<16xi32>
            %add3A_1428 = arith.addi %add3A_1427, %masked_cumsum3A_1426 : vector<16xi32>
            %sub3A_1429 = arith.constant 1 : i32
            %sub3A_1430 = vector.broadcast %sub3A_1429 : i32 to vector<16xi32>
            %sub3A_1431 = arith.subi %add3A_1428, %sub3A_1430 : vector<16xi32>
            %lt3A_1432 = arith.constant 16 : i32
            %lt3A_1433 = vector.broadcast %lt3A_1432 : i32 to vector<16xi32>
            %lt3A_1434 = arith.cmpi slt, %sub3A_1431, %lt3A_1433 : vector<16xi32>
            %and3A_1435 = arith.andi %le3A_1422, %lt3A_1434 : vector<16xi1>
            tpu.vector_store_idx %arg18[%sub3A_1431], %add3A_1419 masked %and3A_1435 : memref<16xi32, #tpu.memory_space<vmem>>[vector<16xi32>], vector<16xi32>, vector<16xi1>
            %convert_element_type3A_1436 = arith.extui %le3A_1143 : vector<16xi1> to vector<16xi32>
            %broadcast_in_dim3A_1437 = arith.constant true
            %broadcast_in_dim3A_1438 = vector.broadcast %broadcast_in_dim3A_1437 : i1 to vector<16xi1>
            %masked_cumsum3A_1439 = tpu.scan <sum>, %convert_element_type3A_1436 masked %broadcast_in_dim3A_1438 : vector<16xi32>, vector<16xi1> -> vector<16xi32>
            %add3A_1440 = vector.broadcast %add3A_1415 : i32 to vector<16xi32>
            %add3A_1441 = arith.addi %add3A_1440, %masked_cumsum3A_1439 : vector<16xi32>
            %sub3A_1442 = arith.constant 1 : i32
            %sub3A_1443 = vector.broadcast %sub3A_1442 : i32 to vector<16xi32>
            %sub3A_1444 = arith.subi %add3A_1441, %sub3A_1443 : vector<16xi32>
            %lt3A_1445 = arith.constant 32 : i32
            %lt3A_1446 = vector.broadcast %lt3A_1445 : i32 to vector<16xi32>
            %lt3A_1447 = arith.cmpi slt, %sub3A_1444, %lt3A_1446 : vector<16xi32>
            %and3A_1448 = arith.andi %le3A_1143, %lt3A_1447 : vector<16xi1>
            tpu.vector_store_idx %arg19[%sub3A_1444], %add3A_1419 masked %and3A_1448 : memref<32xi32, #tpu.memory_space<vmem>>[vector<16xi32>], vector<16xi32>, vector<16xi1>
            %slice3A_1449 = vector.extract_strided_slice %masked_cumsum3A_1426 {offsets = [15], sizes = [1], strides = [1]} : vector<16xi32> to vector<1xi32>
            %squeeze3A_1450 = vector.extract %slice3A_1449[0] : i32 from vector<1xi32>
            %add3A_1451 = arith.addi %add3A_1412, %squeeze3A_1450 : i32
            %slice3A_1452 = vector.extract_strided_slice %masked_cumsum3A_1439 {offsets = [15], sizes = [1], strides = [1]} : vector<16xi32> to vector<1xi32>
            %squeeze3A_1453 = vector.extract %slice3A_1452[0] : i32 from vector<1xi32>
            %add3A_1454 = arith.addi %add3A_1415, %squeeze3A_1453 : i32
            %add3A_1455 = arith.constant 112 : i32
            %add3A_1456 = arith.addi %mul3A_1011, %add3A_1455 : i32
            %add3A_1457 = vector.broadcast %add3A_1456 : i32 to vector<16xi32>
            %add3A_1458 = arith.addi %iota3A, %add3A_1457 : vector<16xi32>
            %le3A_1459 = arith.constant 2.500000e-01 : f32
            %le3A_1460 = vector.broadcast %le3A_1459 : f32 to vector<16xf32>
            %le3A_1461 = arith.cmpf ole, %add3A_1159, %le3A_1460 : vector<16xf32>
            %convert_element_type3A_1462 = arith.extui %le3A_1461 : vector<16xi1> to vector<16xi32>
            %broadcast_in_dim3A_1463 = arith.constant true
            %broadcast_in_dim3A_1464 = vector.broadcast %broadcast_in_dim3A_1463 : i1 to vector<16xi1>
            %masked_cumsum3A_1465 = tpu.scan <sum>, %convert_element_type3A_1462 masked %broadcast_in_dim3A_1464 : vector<16xi32>, vector<16xi1> -> vector<16xi32>
            %add3A_1466 = vector.broadcast %add3A_1451 : i32 to vector<16xi32>
            %add3A_1467 = arith.addi %add3A_1466, %masked_cumsum3A_1465 : vector<16xi32>
            %sub3A_1468 = arith.constant 1 : i32
            %sub3A_1469 = vector.broadcast %sub3A_1468 : i32 to vector<16xi32>
            %sub3A_1470 = arith.subi %add3A_1467, %sub3A_1469 : vector<16xi32>
            %lt3A_1471 = arith.constant 16 : i32
            %lt3A_1472 = vector.broadcast %lt3A_1471 : i32 to vector<16xi32>
            %lt3A_1473 = arith.cmpi slt, %sub3A_1470, %lt3A_1472 : vector<16xi32>
            %and3A_1474 = arith.andi %le3A_1461, %lt3A_1473 : vector<16xi1>
            tpu.vector_store_idx %arg18[%sub3A_1470], %add3A_1458 masked %and3A_1474 : memref<16xi32, #tpu.memory_space<vmem>>[vector<16xi32>], vector<16xi32>, vector<16xi1>
            %convert_element_type3A_1475 = arith.extui %le3A_1162 : vector<16xi1> to vector<16xi32>
            %broadcast_in_dim3A_1476 = arith.constant true
            %broadcast_in_dim3A_1477 = vector.broadcast %broadcast_in_dim3A_1476 : i1 to vector<16xi1>
            %masked_cumsum3A_1478 = tpu.scan <sum>, %convert_element_type3A_1475 masked %broadcast_in_dim3A_1477 : vector<16xi32>, vector<16xi1> -> vector<16xi32>
            %add3A_1479 = vector.broadcast %add3A_1454 : i32 to vector<16xi32>
            %add3A_1480 = arith.addi %add3A_1479, %masked_cumsum3A_1478 : vector<16xi32>
            %sub3A_1481 = arith.constant 1 : i32
            %sub3A_1482 = vector.broadcast %sub3A_1481 : i32 to vector<16xi32>
            %sub3A_1483 = arith.subi %add3A_1480, %sub3A_1482 : vector<16xi32>
            %lt3A_1484 = arith.constant 32 : i32
            %lt3A_1485 = vector.broadcast %lt3A_1484 : i32 to vector<16xi32>
            %lt3A_1486 = arith.cmpi slt, %sub3A_1483, %lt3A_1485 : vector<16xi32>
            %and3A_1487 = arith.andi %le3A_1162, %lt3A_1486 : vector<16xi1>
            tpu.vector_store_idx %arg19[%sub3A_1483], %add3A_1458 masked %and3A_1487 : memref<32xi32, #tpu.memory_space<vmem>>[vector<16xi32>], vector<16xi32>, vector<16xi1>
            %slice3A_1488 = vector.extract_strided_slice %masked_cumsum3A_1465 {offsets = [15], sizes = [1], strides = [1]} : vector<16xi32> to vector<1xi32>
            %squeeze3A_1489 = vector.extract %slice3A_1488[0] : i32 from vector<1xi32>
            %add3A_1490 = arith.addi %add3A_1451, %squeeze3A_1489 : i32
            %slice3A_1491 = vector.extract_strided_slice %masked_cumsum3A_1478 {offsets = [15], sizes = [1], strides = [1]} : vector<16xi32> to vector<1xi32>
            %squeeze3A_1492 = vector.extract %slice3A_1491[0] : i32 from vector<1xi32>
            %add3A_1493 = arith.addi %add3A_1454, %squeeze3A_1492 : i32
            scf.yield %add3A_1490, %add3A_1493 : i32, i32
          } else {
            scf.yield %while3A_1008, %while3A_1009 : i32, i32
          }
          %add3A_1181 = arith.constant 1 : i32
          %add3A_1182 = arith.addi %while3A_1007, %add3A_1181 : i32
          scf.yield %add3A_1182, %cond3A_1180#0, %cond3A_1180#1 : i32, i32, i32
        }
        %gt3A = arith.constant 0 : i32
        %gt3A_858 = arith.cmpi sgt, %while3A_857#1, %gt3A : i32
        %get3A = arith.constant 0 : index
        %get3A_859 = tpu.vector_load %arg18[%get3A] {strides = array<i32>} : memref<16xi32, #tpu.memory_space<vmem>>, vector<16xi32>,
        %slice3A = vector.extract_strided_slice %get3A_859 {offsets = [0], sizes = [1], strides = [1]} : vector<16xi32> to vector<1xi32>
        %squeeze3A = vector.extract %slice3A[0] : i32 from vector<1xi32>
        %jit3A_860 = arith.constant 0 : i32
        %select_n3A_861 = arith.select %gt3A_858, %squeeze3A, %jit3A_860 : i32
        %gt3A_862 = arith.constant 0 : i32
        %gt3A_863 = arith.cmpi sgt, %while3A_857#2, %gt3A_862 : i32
        %get3A_864 = arith.constant 0 : index
        %get3A_865 = tpu.vector_load %arg19[%get3A_864] {strides = array<i32>} : memref<32xi32, #tpu.memory_space<vmem>>, vector<16xi32>,
        %slice3A_866 = vector.extract_strided_slice %get3A_865 {offsets = [0], sizes = [1], strides = [1]} : vector<16xi32> to vector<1xi32>
        %squeeze3A_867 = vector.extract %slice3A_866[0] : i32 from vector<1xi32>
        %jit3A_868 = arith.constant 0 : i32
        %select_n3A_869 = arith.select %gt3A_863, %squeeze3A_867, %jit3A_868 : i32
        %add3A_870 = vector.broadcast %select_n3A_861 : i32 to vector<16xi32>
        %add3A_871 = arith.addi %broadcast_in_dim3A_35, %add3A_870 : vector<16xi32>
        %ge3A = vector.broadcast %while3A_857#1 : i32 to vector<16xi32>
        %ge3A_872 = arith.cmpi sge, %iota3A, %ge3A : vector<16xi32>
        tpu.vector_store_idx %arg18[%iota3A], %add3A_871 masked %ge3A_872 : memref<16xi32, #tpu.memory_space<vmem>>[vector<16xi32>], vector<16xi32>, vector<16xi1>
        %add3A_873 = vector.broadcast %select_n3A_869 : i32 to vector<16xi32>
        %add3A_874 = arith.addi %broadcast_in_dim3A_35, %add3A_873 : vector<16xi32>
        %ge3A_875 = vector.broadcast %while3A_857#2 : i32 to vector<16xi32>
        %ge3A_876 = arith.cmpi sge, %iota3A, %ge3A_875 : vector<16xi32>
        tpu.vector_store_idx %arg19[%iota3A], %add3A_874 masked %ge3A_876 : memref<32xi32, #tpu.memory_space<vmem>>[vector<16xi32>], vector<16xi32>, vector<16xi1>
        %add3A_877 = arith.constant 16 : i32
        %add3A_878 = vector.broadcast %add3A_877 : i32 to vector<16xi32>
        %add3A_879 = arith.addi %iota3A, %add3A_878 : vector<16xi32>
        %add3A_880 = vector.broadcast %select_n3A_869 : i32 to vector<16xi32>
        %add3A_881 = arith.addi %broadcast_in_dim3A_35, %add3A_880 : vector<16xi32>
        %add3A_882 = arith.constant 16 : i32
        %add3A_883 = vector.broadcast %add3A_882 : i32 to vector<16xi32>
        %add3A_884 = arith.addi %iota3A, %add3A_883 : vector<16xi32>
        %ge3A_885 = vector.broadcast %while3A_857#2 : i32 to vector<16xi32>
        %ge3A_886 = arith.cmpi sge, %add3A_884, %ge3A_885 : vector<16xi32>
        tpu.vector_store_idx %arg19[%add3A_879], %add3A_881 masked %ge3A_886 : memref<32xi32, #tpu.memory_space<vmem>>[vector<16xi32>], vector<16xi32>, vector<16xi1>
        %mul3A_887 = arith.constant 16 : i32
        %mul3A_888 = arith.muli %scan3A_835, %mul3A_887 : i32
        %mul3A_889 = arith.constant 8 : i32
        %mul3A_890 = arith.muli %mul3A_888, %mul3A_889 : i32
        %get3A_891 = arith.constant 0 : index
        %get3A_892 = tpu.vector_load %arg18[%get3A_891] {strides = array<i32>} : memref<16xi32, #tpu.memory_space<vmem>>, vector<16xi32>,
        %add3A_893 = arith.constant 0 : i32
        %add3A_894 = vector.broadcast %add3A_893 : i32 to vector<16xi32>
        %add3A_895 = arith.addi %iota3A, %add3A_894 : vector<16xi32>
        %mul3A_896 = arith.constant 8 : i32
        %mul3A_897 = vector.broadcast %mul3A_896 : i32 to vector<16xi32>
        %mul3A_898 = arith.muli %add3A_895, %mul3A_897 : vector<16xi32>
        %add3A_899 = vector.broadcast %mul3A_890 : i32 to vector<16xi32>
        %add3A_900 = arith.addi %add3A_899, %mul3A_898 : vector<16xi32>
        %gather3A_901 = tpu.vector_load_idx %arg11[%get3A_892] : memref<16384xf32, #tpu.memory_space<vmem>>[vector<16xi32>], vector<16xf32>,
        %sub3A_902 = arith.subf %gather3A_901, %gather3A : vector<16xf32>
        %add3A_903 = arith.constant 0 : i32
        %add3A_904 = vector.broadcast %add3A_903 : i32 to vector<16xi32>
        %add3A_905 = arith.addi %add3A_900, %add3A_904 : vector<16xi32>
        tpu.vector_store_idx %arg20[%add3A_905], %sub3A_902 : memref<2048xf32, #tpu.memory_space<vmem>>[vector<16xi32>], vector<16xf32>,
        %gather3A_906 = tpu.vector_load_idx %arg12[%get3A_892] : memref<16384xf32, #tpu.memory_space<vmem>>[vector<16xi32>], vector<16xf32>,
        %sub3A_907 = arith.subf %gather3A_906, %gather3A_849 : vector<16xf32>
        %add3A_908 = arith.constant 1 : i32
        %add3A_909 = vector.broadcast %add3A_908 : i32 to vector<16xi32>
        %add3A_910 = arith.addi %add3A_900, %add3A_909 : vector<16xi32>
        tpu.vector_store_idx %arg20[%add3A_910], %sub3A_907 : memref<2048xf32, #tpu.memory_space<vmem>>[vector<16xi32>], vector<16xf32>,
        %gather3A_911 = tpu.vector_load_idx %arg13[%get3A_892] : memref<16384xf32, #tpu.memory_space<vmem>>[vector<16xi32>], vector<16xf32>,
        %sub3A_912 = arith.subf %gather3A_911, %gather3A_854 : vector<16xf32>
        %add3A_913 = arith.constant 2 : i32
        %add3A_914 = vector.broadcast %add3A_913 : i32 to vector<16xi32>
        %add3A_915 = arith.addi %add3A_900, %add3A_914 : vector<16xi32>
        tpu.vector_store_idx %arg20[%add3A_915], %sub3A_912 : memref<2048xf32, #tpu.memory_space<vmem>>[vector<16xi32>], vector<16xf32>,
        %gather3A_916 = tpu.vector_load_idx %arg14[%get3A_892] : memref<16384xf32, #tpu.memory_space<vmem>>[vector<16xi32>], vector<16xf32>,
        %add3A_917 = arith.constant 3 : i32
        %add3A_918 = vector.broadcast %add3A_917 : i32 to vector<16xi32>
        %add3A_919 = arith.addi %add3A_900, %add3A_918 : vector<16xi32>
        tpu.vector_store_idx %arg20[%add3A_919], %gather3A_916 : memref<2048xf32, #tpu.memory_space<vmem>>[vector<16xi32>], vector<16xf32>,
        %gather3A_920 = tpu.vector_load_idx %arg15[%get3A_892] : memref<16384xf32, #tpu.memory_space<vmem>>[vector<16xi32>], vector<16xf32>,
        %add3A_921 = arith.constant 4 : i32
        %add3A_922 = vector.broadcast %add3A_921 : i32 to vector<16xi32>
        %add3A_923 = arith.addi %add3A_900, %add3A_922 : vector<16xi32>
        tpu.vector_store_idx %arg20[%add3A_923], %gather3A_920 : memref<2048xf32, #tpu.memory_space<vmem>>[vector<16xi32>], vector<16xf32>,
        %gather3A_924 = tpu.vector_load_idx %arg16[%get3A_892] : memref<16384xf32, #tpu.memory_space<vmem>>[vector<16xi32>], vector<16xf32>,
        %add3A_925 = arith.constant 5 : i32
        %add3A_926 = vector.broadcast %add3A_925 : i32 to vector<16xi32>
        %add3A_927 = arith.addi %add3A_900, %add3A_926 : vector<16xi32>
        tpu.vector_store_idx %arg20[%add3A_927], %gather3A_924 : memref<2048xf32, #tpu.memory_space<vmem>>[vector<16xi32>], vector<16xf32>,
        %mul3A_928 = arith.constant 32 : i32
        %mul3A_929 = arith.muli %scan3A_835, %mul3A_928 : i32
        %mul3A_930 = arith.constant 8 : i32
        %mul3A_931 = arith.muli %mul3A_929, %mul3A_930 : i32
        %get3A_932 = arith.constant 0 : index
        %get3A_933 = tpu.vector_load %arg19[%get3A_932] {strides = array<i32>} : memref<32xi32, #tpu.memory_space<vmem>>, vector<16xi32>,
        %add3A_934 = arith.constant 0 : i32
        %add3A_935 = vector.broadcast %add3A_934 : i32 to vector<16xi32>
        %add3A_936 = arith.addi %iota3A, %add3A_935 : vector<16xi32>
        %mul3A_937 = arith.constant 8 : i32
        %mul3A_938 = vector.broadcast %mul3A_937 : i32 to vector<16xi32>
        %mul3A_939 = arith.muli %add3A_936, %mul3A_938 : vector<16xi32>
        %add3A_940 = vector.broadcast %mul3A_931 : i32 to vector<16xi32>
        %add3A_941 = arith.addi %add3A_940, %mul3A_939 : vector<16xi32>
        %gather3A_942 = tpu.vector_load_idx %arg11[%get3A_933] : memref<16384xf32, #tpu.memory_space<vmem>>[vector<16xi32>], vector<16xf32>,
        %sub3A_943 = arith.subf %gather3A_942, %gather3A : vector<16xf32>
        %add3A_944 = arith.constant 0 : i32
        %add3A_945 = vector.broadcast %add3A_944 : i32 to vector<16xi32>
        %add3A_946 = arith.addi %add3A_941, %add3A_945 : vector<16xi32>
        tpu.vector_store_idx %arg21[%add3A_946], %sub3A_943 : memref<4096xf32, #tpu.memory_space<vmem>>[vector<16xi32>], vector<16xf32>,
        %gather3A_947 = tpu.vector_load_idx %arg12[%get3A_933] : memref<16384xf32, #tpu.memory_space<vmem>>[vector<16xi32>], vector<16xf32>,
        %sub3A_948 = arith.subf %gather3A_947, %gather3A_849 : vector<16xf32>
        %add3A_949 = arith.constant 1 : i32
        %add3A_950 = vector.broadcast %add3A_949 : i32 to vector<16xi32>
        %add3A_951 = arith.addi %add3A_941, %add3A_950 : vector<16xi32>
        tpu.vector_store_idx %arg21[%add3A_951], %sub3A_948 : memref<4096xf32, #tpu.memory_space<vmem>>[vector<16xi32>], vector<16xf32>,
        %gather3A_952 = tpu.vector_load_idx %arg13[%get3A_933] : memref<16384xf32, #tpu.memory_space<vmem>>[vector<16xi32>], vector<16xf32>,
        %sub3A_953 = arith.subf %gather3A_952, %gather3A_854 : vector<16xf32>
        %add3A_954 = arith.constant 2 : i32
        %add3A_955 = vector.broadcast %add3A_954 : i32 to vector<16xi32>
        %add3A_956 = arith.addi %add3A_941, %add3A_955 : vector<16xi32>
        tpu.vector_store_idx %arg21[%add3A_956], %sub3A_953 : memref<4096xf32, #tpu.memory_space<vmem>>[vector<16xi32>], vector<16xf32>,
        %gather3A_957 = tpu.vector_load_idx %arg14[%get3A_933] : memref<16384xf32, #tpu.memory_space<vmem>>[vector<16xi32>], vector<16xf32>,
        %add3A_958 = arith.constant 3 : i32
        %add3A_959 = vector.broadcast %add3A_958 : i32 to vector<16xi32>
        %add3A_960 = arith.addi %add3A_941, %add3A_959 : vector<16xi32>
        tpu.vector_store_idx %arg21[%add3A_960], %gather3A_957 : memref<4096xf32, #tpu.memory_space<vmem>>[vector<16xi32>], vector<16xf32>,
        %gather3A_961 = tpu.vector_load_idx %arg15[%get3A_933] : memref<16384xf32, #tpu.memory_space<vmem>>[vector<16xi32>], vector<16xf32>,
        %add3A_962 = arith.constant 4 : i32
        %add3A_963 = vector.broadcast %add3A_962 : i32 to vector<16xi32>
        %add3A_964 = arith.addi %add3A_941, %add3A_963 : vector<16xi32>
        tpu.vector_store_idx %arg21[%add3A_964], %gather3A_961 : memref<4096xf32, #tpu.memory_space<vmem>>[vector<16xi32>], vector<16xf32>,
        %gather3A_965 = tpu.vector_load_idx %arg16[%get3A_933] : memref<16384xf32, #tpu.memory_space<vmem>>[vector<16xi32>], vector<16xf32>,
        %add3A_966 = arith.constant 5 : i32
        %add3A_967 = vector.broadcast %add3A_966 : i32 to vector<16xi32>
        %add3A_968 = arith.addi %add3A_941, %add3A_967 : vector<16xi32>
        tpu.vector_store_idx %arg21[%add3A_968], %gather3A_965 : memref<4096xf32, #tpu.memory_space<vmem>>[vector<16xi32>], vector<16xf32>,
        %get3A_969 = arith.constant 16 : index
        %get3A_970 = tpu.vector_load %arg19[%get3A_969] {strides = array<i32>} : memref<32xi32, #tpu.memory_space<vmem>>, vector<16xi32>,
        %add3A_971 = arith.constant 16 : i32
        %add3A_972 = vector.broadcast %add3A_971 : i32 to vector<16xi32>
        %add3A_973 = arith.addi %iota3A, %add3A_972 : vector<16xi32>
        %mul3A_974 = arith.constant 8 : i32
        %mul3A_975 = vector.broadcast %mul3A_974 : i32 to vector<16xi32>
        %mul3A_976 = arith.muli %add3A_973, %mul3A_975 : vector<16xi32>
        %add3A_977 = vector.broadcast %mul3A_931 : i32 to vector<16xi32>
        %add3A_978 = arith.addi %add3A_977, %mul3A_976 : vector<16xi32>
        %gather3A_979 = tpu.vector_load_idx %arg11[%get3A_970] : memref<16384xf32, #tpu.memory_space<vmem>>[vector<16xi32>], vector<16xf32>,
        %sub3A_980 = arith.subf %gather3A_979, %gather3A : vector<16xf32>
        %add3A_981 = arith.constant 0 : i32
        %add3A_982 = vector.broadcast %add3A_981 : i32 to vector<16xi32>
        %add3A_983 = arith.addi %add3A_978, %add3A_982 : vector<16xi32>
        tpu.vector_store_idx %arg21[%add3A_983], %sub3A_980 : memref<4096xf32, #tpu.memory_space<vmem>>[vector<16xi32>], vector<16xf32>,
        %gather3A_984 = tpu.vector_load_idx %arg12[%get3A_970] : memref<16384xf32, #tpu.memory_space<vmem>>[vector<16xi32>], vector<16xf32>,
        %sub3A_985 = arith.subf %gather3A_984, %gather3A_849 : vector<16xf32>
        %add3A_986 = arith.constant 1 : i32
        %add3A_987 = vector.broadcast %add3A_986 : i32 to vector<16xi32>
        %add3A_988 = arith.addi %add3A_978, %add3A_987 : vector<16xi32>
        tpu.vector_store_idx %arg21[%add3A_988], %sub3A_985 : memref<4096xf32, #tpu.memory_space<vmem>>[vector<16xi32>], vector<16xf32>,
        %gather3A_989 = tpu.vector_load_idx %arg13[%get3A_970] : memref<16384xf32, #tpu.memory_space<vmem>>[vector<16xi32>], vector<16xf32>,
        %sub3A_990 = arith.subf %gather3A_989, %gather3A_854 : vector<16xf32>
        %add3A_991 = arith.constant 2 : i32
        %add3A_992 = vector.broadcast %add3A_991 : i32 to vector<16xi32>
        %add3A_993 = arith.addi %add3A_978, %add3A_992 : vector<16xi32>
        tpu.vector_store_idx %arg21[%add3A_993], %sub3A_990 : memref<4096xf32, #tpu.memory_space<vmem>>[vector<16xi32>], vector<16xf32>,
        %gather3A_994 = tpu.vector_load_idx %arg14[%get3A_970] : memref<16384xf32, #tpu.memory_space<vmem>>[vector<16xi32>], vector<16xf32>,
        %add3A_995 = arith.constant 3 : i32
        %add3A_996 = vector.broadcast %add3A_995 : i32 to vector<16xi32>
        %add3A_997 = arith.addi %add3A_978, %add3A_996 : vector<16xi32>
        tpu.vector_store_idx %arg21[%add3A_997], %gather3A_994 : memref<4096xf32, #tpu.memory_space<vmem>>[vector<16xi32>], vector<16xf32>,
        %gather3A_998 = tpu.vector_load_idx %arg15[%get3A_970] : memref<16384xf32, #tpu.memory_space<vmem>>[vector<16xi32>], vector<16xf32>,
        %add3A_999 = arith.constant 4 : i32
        %add3A_1000 = vector.broadcast %add3A_999 : i32 to vector<16xi32>
        %add3A_1001 = arith.addi %add3A_978, %add3A_1000 : vector<16xi32>
        tpu.vector_store_idx %arg21[%add3A_1001], %gather3A_998 : memref<4096xf32, #tpu.memory_space<vmem>>[vector<16xi32>], vector<16xf32>,
        %gather3A_1002 = tpu.vector_load_idx %arg16[%get3A_970] : memref<16384xf32, #tpu.memory_space<vmem>>[vector<16xi32>], vector<16xf32>,
        %add3A_1003 = arith.constant 5 : i32
        %add3A_1004 = vector.broadcast %add3A_1003 : i32 to vector<16xi32>
        %add3A_1005 = arith.addi %add3A_978, %add3A_1004 : vector<16xi32>
        tpu.vector_store_idx %arg21[%add3A_1005], %gather3A_1002 : memref<4096xf32, #tpu.memory_space<vmem>>[vector<16xi32>], vector<16xf32>,
        %scan3A_1006 = arith.constant 0 : i32
        scf.yield %scan3A_1006 : i32
      }
      %scan3A_819 = arith.constant 16 : i32
      %mul3A_820 = arith.constant 1024 : i32
      %mul3A_821 = arith.muli %select_n3A, %mul3A_820 : i32
      %add3A_822 = arith.addi %mul3A_821, %mul3A_32 : i32
      %mul3A_823 = arith.constant 16 : i32
      %mul3A_824 = arith.muli %scan3A_811, %mul3A_823 : i32
      %add3A_825 = arith.addi %add3A_822, %mul3A_824 : i32
      %mul3A_826 = arith.constant 16 : i32
      %mul3A_827 = arith.muli %add3A_825, %mul3A_826 : i32
      %mul3A_828 = arith.constant 8 : i32
      %mul3A_829 = arith.muli %mul3A_827, %mul3A_828 : i32
      "tpu.region"() ({
        %run_scoped3A = tpu.sem_alloc : memref<!tpu.dma_semaphore, #tpu.memory_space<semaphore_mem>>
        %dma_start3A = tpu.memref_slice %arg9[%mul3A_829] : memref<524288xf32, #tpu.memory_space<hbm>> -> memref<2048xf32, #tpu.memory_space<hbm>>
        %dma_start3A_835 = tpu.memref_slice %arg9[%mul3A_829] : memref<524288xf32, #tpu.memory_space<hbm>> -> memref<2048xf32, #tpu.memory_space<hbm>>
        tpu.enqueue_dma source(%arg20 : memref<2048xf32, #tpu.memory_space<vmem>>) target(%dma_start3A_835 : memref<2048xf32, #tpu.memory_space<hbm>>) target_semaphore(%run_scoped3A : memref<!tpu.dma_semaphore, #tpu.memory_space<semaphore_mem>>)
        %dma_wait3A = tpu.memref_slice %arg9[%mul3A_829] : memref<524288xf32, #tpu.memory_space<hbm>> -> memref<2048xf32, #tpu.memory_space<hbm>>
        %dma_wait3A_836 = tpu.memref_slice %arg9[%mul3A_829] : memref<524288xf32, #tpu.memory_space<hbm>> -> memref<2048xf32, #tpu.memory_space<hbm>>
        tpu.wait_dma2 semaphore(%run_scoped3A : memref<!tpu.dma_semaphore, #tpu.memory_space<semaphore_mem>>) src(%arg20 : memref<2048xf32, #tpu.memory_space<vmem>>) dst(%dma_wait3A_836 : memref<2048xf32, #tpu.memory_space<hbm>>)
        tpu.yield
      }) : () -> ()
      %mul3A_830 = arith.constant 32 : i32
      %mul3A_831 = arith.muli %add3A_825, %mul3A_830 : i32
      %mul3A_832 = arith.constant 8 : i32
      %mul3A_833 = arith.muli %mul3A_831, %mul3A_832 : i32
      "tpu.region"() ({
        %run_scoped3A = tpu.sem_alloc : memref<!tpu.dma_semaphore, #tpu.memory_space<semaphore_mem>>
        %dma_start3A = tpu.memref_slice %arg10[%mul3A_833] : memref<1048576xf32, #tpu.memory_space<hbm>> -> memref<4096xf32, #tpu.memory_space<hbm>>
        %dma_start3A_835 = tpu.memref_slice %arg10[%mul3A_833] : memref<1048576xf32, #tpu.memory_space<hbm>> -> memref<4096xf32, #tpu.memory_space<hbm>>
        tpu.enqueue_dma source(%arg21 : memref<4096xf32, #tpu.memory_space<vmem>>) target(%dma_start3A_835 : memref<4096xf32, #tpu.memory_space<hbm>>) target_semaphore(%run_scoped3A : memref<!tpu.dma_semaphore, #tpu.memory_space<semaphore_mem>>)
        %dma_wait3A = tpu.memref_slice %arg10[%mul3A_833] : memref<1048576xf32, #tpu.memory_space<hbm>> -> memref<4096xf32, #tpu.memory_space<hbm>>
        %dma_wait3A_836 = tpu.memref_slice %arg10[%mul3A_833] : memref<1048576xf32, #tpu.memory_space<hbm>> -> memref<4096xf32, #tpu.memory_space<hbm>>
        tpu.wait_dma2 semaphore(%run_scoped3A : memref<!tpu.dma_semaphore, #tpu.memory_space<semaphore_mem>>) src(%arg21 : memref<4096xf32, #tpu.memory_space<vmem>>) dst(%dma_wait3A_836 : memref<4096xf32, #tpu.memory_space<hbm>>)
        tpu.yield
      }) : () -> ()
      %scan3A_834 = arith.constant 0 : i32
      scf.yield %scan3A_834 : i32
    }
    %scan3A_810 = arith.constant 8 : i32
    return
  }
}

module attributes {stable_mosaic.version = 14 : i64} {
  func.func @_fps_body(%arg0: memref<4x128x128xf32, #tpu.memory_space<vmem>>, %arg1: memref<4x128x128xf32, #tpu.memory_space<vmem>>, %arg2: memref<4x128x128xf32, #tpu.memory_space<vmem>>, %arg3: memref<1024x12xf32, #tpu.memory_space<vmem>>, %arg4: memref<4x128x128xf32, #tpu.memory_space<vmem>>) attributes {dimension_semantics = [], scalar_prefetch = 0 : i64, scratch_operands = 1 : i64, tpu.core_type = #tpu.core_type<tc>} {
    %get3A = arith.constant 0 : index
    %get3A_0 = arith.constant 0 : index
    %get3A_1 = arith.constant 0 : index
    %get3A_2 = vector.load %arg0[%get3A, %get3A_0, %get3A_1] : memref<4x128x128xf32, #tpu.memory_space<vmem>>, vector<4x128x128xf32>
    %get3A_3 = arith.constant 0 : index
    %get3A_4 = arith.constant 0 : index
    %get3A_5 = arith.constant 0 : index
    %get3A_6 = vector.load %arg1[%get3A_3, %get3A_4, %get3A_5] : memref<4x128x128xf32, #tpu.memory_space<vmem>>, vector<4x128x128xf32>
    %get3A_7 = arith.constant 0 : index
    %get3A_8 = arith.constant 0 : index
    %get3A_9 = arith.constant 0 : index
    %get3A_10 = vector.load %arg2[%get3A_7, %get3A_8, %get3A_9] : memref<4x128x128xf32, #tpu.memory_space<vmem>>, vector<4x128x128xf32>
    %iota3A = tpu.iota {dimensions = array<i32: 1>} : vector<4x128x128xi32>
    %mul3A = arith.constant 128 : i32
    %mul3A_11 = vector.broadcast %mul3A : i32 to vector<4x128x128xi32>
    %mul3A_12 = arith.muli %iota3A, %mul3A_11 : vector<4x128x128xi32>
    %iota3A_13 = tpu.iota {dimensions = array<i32: 2>} : vector<4x128x128xi32>
    %add3A = arith.addi %mul3A_12, %iota3A_13 : vector<4x128x128xi32>
    %broadcast_in_dim3A = arith.constant 1.000000e+10 : f32
    %broadcast_in_dim3A_14 = vector.broadcast %broadcast_in_dim3A : f32 to vector<4x128x128xf32>
    %swap3A = arith.constant 0 : index
    %swap3A_15 = arith.constant 0 : index
    %swap3A_16 = arith.constant 0 : index
    %swap3A_17 = vector.load %arg4[%swap3A, %swap3A_15, %swap3A_16] : memref<4x128x128xf32, #tpu.memory_space<vmem>>, vector<4x128x128xf32>
    tpu.vector_store %arg4[%swap3A, %swap3A_15, %swap3A_16], %broadcast_in_dim3A_14 {strides = array<i32>} : memref<4x128x128xf32, #tpu.memory_space<vmem>>, vector<4x128x128xf32>,
    %broadcast_in_dim3A_18 = arith.constant 1.000000e+00 : f32
    %broadcast_in_dim3A_19 = vector.broadcast %broadcast_in_dim3A_18 : f32 to vector<1x1xf32>
    %broadcast_in_dim3A_20 = arith.constant 0 : i32
    %broadcast_in_dim3A_21 = vector.broadcast %broadcast_in_dim3A_20 : i32 to vector<4x1x1xi32>
    %scan3A = arith.constant 0 : i32
    %scan3A_22 = arith.constant 1024 : i32
    %scan3A_23 = arith.addi %scan3A, %scan3A_22 : i32
    %scan3A_24 = arith.constant 1 : i32
    %scan3A_25 = scf.for %scan3A_27 = %scan3A to %scan3A_23 step %scan3A_24 iter_args(%scan3A_28 = %broadcast_in_dim3A_21) -> (vector<4x1x1xi32>)  : i32 {
      %eq3A = vector.broadcast %scan3A_28 : vector<4x1x1xi32> to vector<4x128x128xi32>
      %eq3A_29 = arith.cmpi eq, %add3A, %eq3A : vector<4x128x128xi32>
      %jit3A = arith.constant 0.000000e+00 : f32
      %broadcast_in_dim3A_30 = vector.broadcast %jit3A : f32 to vector<4x128x128xf32>
      %select_n3A = arith.select %eq3A_29, %get3A_2, %broadcast_in_dim3A_30 : vector<4x128x128xi1>, vector<4x128x128xf32>
      %reduce_sum3A = arith.constant dense<0.000000e+00> : vector<4xf32>
      %reduce_sum3A_31 = vector.multi_reduction <add>, %select_n3A, %reduce_sum3A [1, 2] : vector<4x128x128xf32> to vector<4xf32>
      %broadcast_in_dim3A_32 = vector.shape_cast %reduce_sum3A_31 : vector<4xf32> to vector<4x1x1xf32>
      %jit3A_33 = arith.constant 0.000000e+00 : f32
      %broadcast_in_dim3A_34 = vector.broadcast %jit3A_33 : f32 to vector<4x128x128xf32>
      %select_n3A_35 = arith.select %eq3A_29, %get3A_6, %broadcast_in_dim3A_34 : vector<4x128x128xi1>, vector<4x128x128xf32>
      %reduce_sum3A_36 = arith.constant dense<0.000000e+00> : vector<4xf32>
      %reduce_sum3A_37 = vector.multi_reduction <add>, %select_n3A_35, %reduce_sum3A_36 [1, 2] : vector<4x128x128xf32> to vector<4xf32>
      %broadcast_in_dim3A_38 = vector.shape_cast %reduce_sum3A_37 : vector<4xf32> to vector<4x1x1xf32>
      %jit3A_39 = arith.constant 0.000000e+00 : f32
      %broadcast_in_dim3A_40 = vector.broadcast %jit3A_39 : f32 to vector<4x128x128xf32>
      %select_n3A_41 = arith.select %eq3A_29, %get3A_10, %broadcast_in_dim3A_40 : vector<4x128x128xi1>, vector<4x128x128xf32>
      %reduce_sum3A_42 = arith.constant dense<0.000000e+00> : vector<4xf32>
      %reduce_sum3A_43 = vector.multi_reduction <add>, %select_n3A_41, %reduce_sum3A_42 [1, 2] : vector<4x128x128xf32> to vector<4xf32>
      %broadcast_in_dim3A_44 = vector.shape_cast %reduce_sum3A_43 : vector<4xf32> to vector<4x1x1xf32>
      %reshape3A = vector.shape_cast %broadcast_in_dim3A_32 : vector<4x1x1xf32> to vector<4x1xf32>
      %reshape3A_45 = vector.shape_cast %broadcast_in_dim3A_38 : vector<4x1x1xf32> to vector<4x1xf32>
      %reshape3A_46 = vector.shape_cast %broadcast_in_dim3A_44 : vector<4x1x1xf32> to vector<4x1xf32>
      %concatenate3A = tpu.concatenate %reshape3A, %reshape3A_45, %reshape3A_46 in 0 : vector<4x1xf32>, vector<4x1xf32>, vector<4x1xf32> -> vector<12x1xf32>
      %dot_general3A = arith.constant dense<0.000000e+00> : vector<1x12xf32>
      %dot_general3A_47 = tpu.matmul %broadcast_in_dim3A_19, %concatenate3A, %dot_general3A {dimension_numbers = #tpu.dot_dimension_numbers<[1], [1], [0], [0], [0, 0, 1, 0], [], []>, precision = #tpu.contract_precision<fp32>, transpose_lhs_hint = false} : vector<1x1xf32>, vector<12x1xf32>, vector<1x12xf32> -> vector<1x12xf32>
      %swap3A_48 = arith.index_cast %scan3A_27 : i32 to index
      %swap3A_49 = arith.constant 0 : index
      %swap3A_50 = vector.load %arg3[%swap3A_48, %swap3A_49] : memref<1024x12xf32, #tpu.memory_space<vmem>>, vector<1x12xf32>
      tpu.vector_store %arg3[%swap3A_48, %swap3A_49], %dot_general3A_47 {strides = array<i32>} : memref<1024x12xf32, #tpu.memory_space<vmem>>, vector<1x12xf32>,
      %sub3A = vector.broadcast %broadcast_in_dim3A_32 : vector<4x1x1xf32> to vector<4x128x128xf32>
      %sub3A_51 = arith.subf %get3A_2, %sub3A : vector<4x128x128xf32>
      %sub3A_52 = vector.broadcast %broadcast_in_dim3A_38 : vector<4x1x1xf32> to vector<4x128x128xf32>
      %sub3A_53 = arith.subf %get3A_6, %sub3A_52 : vector<4x128x128xf32>
      %sub3A_54 = vector.broadcast %broadcast_in_dim3A_44 : vector<4x1x1xf32> to vector<4x128x128xf32>
      %sub3A_55 = arith.subf %get3A_10, %sub3A_54 : vector<4x128x128xf32>
      %mul3A_56 = arith.mulf %sub3A_51, %sub3A_51 : vector<4x128x128xf32>
      %mul3A_57 = arith.mulf %sub3A_53, %sub3A_53 : vector<4x128x128xf32>
      %add3A_58 = arith.addf %mul3A_56, %mul3A_57 : vector<4x128x128xf32>
      %mul3A_59 = arith.mulf %sub3A_55, %sub3A_55 : vector<4x128x128xf32>
      %add3A_60 = arith.addf %add3A_58, %mul3A_59 : vector<4x128x128xf32>
      %get3A_61 = arith.constant 0 : index
      %get3A_62 = arith.constant 0 : index
      %get3A_63 = arith.constant 0 : index
      %get3A_64 = vector.load %arg4[%get3A_61, %get3A_62, %get3A_63] : memref<4x128x128xf32, #tpu.memory_space<vmem>>, vector<4x128x128xf32>
      %min3A = arith.minimumf %get3A_64, %add3A_60 : vector<4x128x128xf32>
      %swap3A_65 = arith.constant 0 : index
      %swap3A_66 = arith.constant 0 : index
      %swap3A_67 = arith.constant 0 : index
      %swap3A_68 = vector.load %arg4[%swap3A_65, %swap3A_66, %swap3A_67] : memref<4x128x128xf32, #tpu.memory_space<vmem>>, vector<4x128x128xf32>
      tpu.vector_store %arg4[%swap3A_65, %swap3A_66, %swap3A_67], %min3A {strides = array<i32>} : memref<4x128x128xf32, #tpu.memory_space<vmem>>, vector<4x128x128xf32>,
      %argmax3A = tpu.reduce_index %min3A {axis = 2 : i32, kind = #tpu.reduction_kind<arg_max>} : vector<4x128x128xf32> -> vector<4x128xi32>
      %reduce_max3A = arith.constant dense<0xFF800000> : vector<4x128xf32>
      %reduce_max3A_69 = vector.multi_reduction <maximumf>, %min3A, %reduce_max3A [2] : vector<4x128x128xf32> to vector<4x128xf32>
      %argmax3A_70 = tpu.reduce_index %reduce_max3A_69 {axis = 1 : i32, kind = #tpu.reduction_kind<arg_max>} : vector<4x128xf32> -> vector<4xi32>
      %reshape3A_71 = vector.shape_cast %argmax3A_70 : vector<4xi32> to vector<4x1xi32>
      %iota3A_72 = tpu.iota {dimensions = array<i32: 1>} : vector<4x128xi32>
      %eq3A_73 = vector.broadcast %reshape3A_71 : vector<4x1xi32> to vector<4x128xi32>
      %eq3A_74 = arith.cmpi eq, %iota3A_72, %eq3A_73 : vector<4x128xi32>
      %jit3A_75 = arith.constant 0 : i32
      %broadcast_in_dim3A_76 = vector.broadcast %jit3A_75 : i32 to vector<4x128xi32>
      %select_n3A_77 = arith.select %eq3A_74, %argmax3A, %broadcast_in_dim3A_76 : vector<4x128xi1>, vector<4x128xi32>
      %reduce_sum3A_78 = arith.constant dense<0> : vector<4xi32>
      %reduce_sum3A_79 = vector.multi_reduction <add>, %select_n3A_77, %reduce_sum3A_78 [1] : vector<4x128xi32> to vector<4xi32>
      %broadcast_in_dim3A_80 = vector.shape_cast %reduce_sum3A_79 : vector<4xi32> to vector<4x1xi32>
      %mul3A_81 = arith.constant 128 : i32
      %mul3A_82 = vector.broadcast %mul3A_81 : i32 to vector<4x1xi32>
      %mul3A_83 = arith.muli %reshape3A_71, %mul3A_82 : vector<4x1xi32>
      %add3A_84 = arith.addi %mul3A_83, %broadcast_in_dim3A_80 : vector<4x1xi32>
      %reshape3A_85 = vector.shape_cast %add3A_84 : vector<4x1xi32> to vector<4x1x1xi32>
      scf.yield %reshape3A_85 : vector<4x1x1xi32>
    }
    %scan3A_26 = arith.constant 1024 : i32
    return
  }
}

module attributes {stable_mosaic.version = 14 : i64} {
  func.func @_mlp_body(%arg0: i32, %arg1: memref<2048x8xf32, #tpu.memory_space<vmem>>, %arg2: memref<4096x8xf32, #tpu.memory_space<vmem>>, %arg3: memref<8x64xf32, #tpu.memory_space<vmem>>, %arg4: memref<1x64xf32, #tpu.memory_space<vmem>>, %arg5: memref<64x64xf32, #tpu.memory_space<vmem>>, %arg6: memref<1x64xf32, #tpu.memory_space<vmem>>, %arg7: memref<64x128xf32, #tpu.memory_space<vmem>>, %arg8: memref<1x128xf32, #tpu.memory_space<vmem>>, %arg9: memref<8x64xf32, #tpu.memory_space<vmem>>, %arg10: memref<1x64xf32, #tpu.memory_space<vmem>>, %arg11: memref<64x96xf32, #tpu.memory_space<vmem>>, %arg12: memref<1x96xf32, #tpu.memory_space<vmem>>, %arg13: memref<96x128xf32, #tpu.memory_space<vmem>>, %arg14: memref<1x128xf32, #tpu.memory_space<vmem>>, %arg15: memref<128x256xf32, #tpu.memory_space<vmem>>) attributes {dimension_semantics = [#tpu.dimension_semantics<arbitrary>], iteration_bounds = array<i64: 32>, scalar_prefetch = 0 : i64, scratch_operands = 0 : i64, tpu.core_type = #tpu.core_type<tc>, window_params = [{transform_indices = @transform_0, window_bounds = array<i64: 2048, 8>}, {transform_indices = @transform_1, window_bounds = array<i64: 4096, 8>}, {pipeline_mode = #tpu.pipeline_mode<synchronous>, transform_indices = @transform_2, window_bounds = array<i64: 8, 64>}, {pipeline_mode = #tpu.pipeline_mode<synchronous>, transform_indices = @transform_3, window_bounds = array<i64: 1, 64>}, {pipeline_mode = #tpu.pipeline_mode<synchronous>, transform_indices = @transform_4, window_bounds = array<i64: 64, 64>}, {pipeline_mode = #tpu.pipeline_mode<synchronous>, transform_indices = @transform_5, window_bounds = array<i64: 1, 64>}, {pipeline_mode = #tpu.pipeline_mode<synchronous>, transform_indices = @transform_6, window_bounds = array<i64: 64, 128>}, {pipeline_mode = #tpu.pipeline_mode<synchronous>, transform_indices = @transform_7, window_bounds = array<i64: 1, 128>}, {pipeline_mode = #tpu.pipeline_mode<synchronous>, transform_indices = @transform_8, window_bounds = array<i64: 8, 64>}, {pipeline_mode = #tpu.pipeline_mode<synchronous>, transform_indices = @transform_9, window_bounds = array<i64: 1, 64>}, {pipeline_mode = #tpu.pipeline_mode<synchronous>, transform_indices = @transform_10, window_bounds = array<i64: 64, 96>}, {pipeline_mode = #tpu.pipeline_mode<synchronous>, transform_indices = @transform_11, window_bounds = array<i64: 1, 96>}, {pipeline_mode = #tpu.pipeline_mode<synchronous>, transform_indices = @transform_12, window_bounds = array<i64: 96, 128>}, {pipeline_mode = #tpu.pipeline_mode<synchronous>, transform_indices = @transform_13, window_bounds = array<i64: 1, 128>}, {transform_indices = @transform_14, window_bounds = array<i64: 128, 256>}]} {
    %get3A = arith.constant 0 : index
    %get3A_0 = arith.constant 0 : index
    %get3A_1 = vector.load %arg1[%get3A, %get3A_0] : memref<2048x8xf32, #tpu.memory_space<vmem>>, vector<2048x8xf32>
    %get3A_2 = arith.constant 0 : index
    %get3A_3 = arith.constant 0 : index
    %get3A_4 = vector.load %arg3[%get3A_2, %get3A_3] : memref<8x64xf32, #tpu.memory_space<vmem>>, vector<8x64xf32>
    %dot_general3A = arith.constant dense<0.000000e+00> : vector<2048x64xf32>
    %dot_general3A_5 = tpu.matmul %get3A_1, %get3A_4, %dot_general3A {dimension_numbers = #tpu.dot_dimension_numbers<[1], [0], [0], [1], [0, 0, 1, 1], [], []>, transpose_lhs_hint = false} : vector<2048x8xf32>, vector<8x64xf32>, vector<2048x64xf32> -> vector<2048x64xf32>
    %get3A_6 = arith.constant 0 : index
    %get3A_7 = arith.constant 0 : index
    %get3A_8 = vector.load %arg4[%get3A_6, %get3A_7] : memref<1x64xf32, #tpu.memory_space<vmem>>, vector<1x64xf32>
    %add3A = vector.broadcast %get3A_8 : vector<1x64xf32> to vector<2048x64xf32>
    %add3A_9 = arith.addf %dot_general3A_5, %add3A : vector<2048x64xf32>
    %max3A = arith.constant 0.000000e+00 : f32
    %max3A_10 = vector.broadcast %max3A : f32 to vector<2048x64xf32>
    %max3A_11 = arith.maximumf %add3A_9, %max3A_10 : vector<2048x64xf32>
    %get3A_12 = arith.constant 0 : index
    %get3A_13 = arith.constant 0 : index
    %get3A_14 = vector.load %arg5[%get3A_12, %get3A_13] : memref<64x64xf32, #tpu.memory_space<vmem>>, vector<64x64xf32>
    %dot_general3A_15 = arith.constant dense<0.000000e+00> : vector<2048x64xf32>
    %dot_general3A_16 = tpu.matmul %max3A_11, %get3A_14, %dot_general3A_15 {dimension_numbers = #tpu.dot_dimension_numbers<[1], [0], [0], [1], [0, 0, 1, 1], [], []>, transpose_lhs_hint = false} : vector<2048x64xf32>, vector<64x64xf32>, vector<2048x64xf32> -> vector<2048x64xf32>
    %get3A_17 = arith.constant 0 : index
    %get3A_18 = arith.constant 0 : index
    %get3A_19 = vector.load %arg6[%get3A_17, %get3A_18] : memref<1x64xf32, #tpu.memory_space<vmem>>, vector<1x64xf32>
    %add3A_20 = vector.broadcast %get3A_19 : vector<1x64xf32> to vector<2048x64xf32>
    %add3A_21 = arith.addf %dot_general3A_16, %add3A_20 : vector<2048x64xf32>
    %max3A_22 = arith.constant 0.000000e+00 : f32
    %max3A_23 = vector.broadcast %max3A_22 : f32 to vector<2048x64xf32>
    %max3A_24 = arith.maximumf %add3A_21, %max3A_23 : vector<2048x64xf32>
    %get3A_25 = arith.constant 0 : index
    %get3A_26 = arith.constant 0 : index
    %get3A_27 = vector.load %arg7[%get3A_25, %get3A_26] : memref<64x128xf32, #tpu.memory_space<vmem>>, vector<64x128xf32>
    %dot_general3A_28 = arith.constant dense<0.000000e+00> : vector<2048x128xf32>
    %dot_general3A_29 = tpu.matmul %max3A_24, %get3A_27, %dot_general3A_28 {dimension_numbers = #tpu.dot_dimension_numbers<[1], [0], [0], [1], [0, 0, 1, 1], [], []>, transpose_lhs_hint = false} : vector<2048x64xf32>, vector<64x128xf32>, vector<2048x128xf32> -> vector<2048x128xf32>
    %get3A_30 = arith.constant 0 : index
    %get3A_31 = arith.constant 0 : index
    %get3A_32 = vector.load %arg8[%get3A_30, %get3A_31] : memref<1x128xf32, #tpu.memory_space<vmem>>, vector<1x128xf32>
    %add3A_33 = vector.broadcast %get3A_32 : vector<1x128xf32> to vector<2048x128xf32>
    %add3A_34 = arith.addf %dot_general3A_29, %add3A_33 : vector<2048x128xf32>
    %max3A_35 = arith.constant 0.000000e+00 : f32
    %max3A_36 = vector.broadcast %max3A_35 : f32 to vector<2048x128xf32>
    %max3A_37 = arith.maximumf %add3A_34, %max3A_36 : vector<2048x128xf32>
    %reshape3A = vector.shape_cast %max3A_37 : vector<2048x128xf32> to vector<128x16x128xf32>
    %reduce_max3A = arith.constant dense<0xFF800000> : vector<128x128xf32>
    %reduce_max3A_38 = vector.multi_reduction <maximumf>, %reshape3A, %reduce_max3A [1] : vector<128x16x128xf32> to vector<128x128xf32>
    %get3A_39 = arith.constant 0 : index
    %get3A_40 = arith.constant 0 : index
    %get3A_41 = vector.load %arg2[%get3A_39, %get3A_40] : memref<4096x8xf32, #tpu.memory_space<vmem>>, vector<4096x8xf32>
    %get3A_42 = arith.constant 0 : index
    %get3A_43 = arith.constant 0 : index
    %get3A_44 = vector.load %arg9[%get3A_42, %get3A_43] : memref<8x64xf32, #tpu.memory_space<vmem>>, vector<8x64xf32>
    %dot_general3A_45 = arith.constant dense<0.000000e+00> : vector<4096x64xf32>
    %dot_general3A_46 = tpu.matmul %get3A_41, %get3A_44, %dot_general3A_45 {dimension_numbers = #tpu.dot_dimension_numbers<[1], [0], [0], [1], [0, 0, 1, 1], [], []>, transpose_lhs_hint = false} : vector<4096x8xf32>, vector<8x64xf32>, vector<4096x64xf32> -> vector<4096x64xf32>
    %get3A_47 = arith.constant 0 : index
    %get3A_48 = arith.constant 0 : index
    %get3A_49 = vector.load %arg10[%get3A_47, %get3A_48] : memref<1x64xf32, #tpu.memory_space<vmem>>, vector<1x64xf32>
    %add3A_50 = vector.broadcast %get3A_49 : vector<1x64xf32> to vector<4096x64xf32>
    %add3A_51 = arith.addf %dot_general3A_46, %add3A_50 : vector<4096x64xf32>
    %max3A_52 = arith.constant 0.000000e+00 : f32
    %max3A_53 = vector.broadcast %max3A_52 : f32 to vector<4096x64xf32>
    %max3A_54 = arith.maximumf %add3A_51, %max3A_53 : vector<4096x64xf32>
    %get3A_55 = arith.constant 0 : index
    %get3A_56 = arith.constant 0 : index
    %get3A_57 = vector.load %arg11[%get3A_55, %get3A_56] : memref<64x96xf32, #tpu.memory_space<vmem>>, vector<64x96xf32>
    %dot_general3A_58 = arith.constant dense<0.000000e+00> : vector<4096x96xf32>
    %dot_general3A_59 = tpu.matmul %max3A_54, %get3A_57, %dot_general3A_58 {dimension_numbers = #tpu.dot_dimension_numbers<[1], [0], [0], [1], [0, 0, 1, 1], [], []>, transpose_lhs_hint = false} : vector<4096x64xf32>, vector<64x96xf32>, vector<4096x96xf32> -> vector<4096x96xf32>
    %get3A_60 = arith.constant 0 : index
    %get3A_61 = arith.constant 0 : index
    %get3A_62 = vector.load %arg12[%get3A_60, %get3A_61] : memref<1x96xf32, #tpu.memory_space<vmem>>, vector<1x96xf32>
    %add3A_63 = vector.broadcast %get3A_62 : vector<1x96xf32> to vector<4096x96xf32>
    %add3A_64 = arith.addf %dot_general3A_59, %add3A_63 : vector<4096x96xf32>
    %max3A_65 = arith.constant 0.000000e+00 : f32
    %max3A_66 = vector.broadcast %max3A_65 : f32 to vector<4096x96xf32>
    %max3A_67 = arith.maximumf %add3A_64, %max3A_66 : vector<4096x96xf32>
    %get3A_68 = arith.constant 0 : index
    %get3A_69 = arith.constant 0 : index
    %get3A_70 = vector.load %arg13[%get3A_68, %get3A_69] : memref<96x128xf32, #tpu.memory_space<vmem>>, vector<96x128xf32>
    %dot_general3A_71 = arith.constant dense<0.000000e+00> : vector<4096x128xf32>
    %dot_general3A_72 = tpu.matmul %max3A_67, %get3A_70, %dot_general3A_71 {dimension_numbers = #tpu.dot_dimension_numbers<[1], [0], [0], [1], [0, 0, 1, 1], [], []>, transpose_lhs_hint = false} : vector<4096x96xf32>, vector<96x128xf32>, vector<4096x128xf32> -> vector<4096x128xf32>
    %get3A_73 = arith.constant 0 : index
    %get3A_74 = arith.constant 0 : index
    %get3A_75 = vector.load %arg14[%get3A_73, %get3A_74] : memref<1x128xf32, #tpu.memory_space<vmem>>, vector<1x128xf32>
    %add3A_76 = vector.broadcast %get3A_75 : vector<1x128xf32> to vector<4096x128xf32>
    %add3A_77 = arith.addf %dot_general3A_72, %add3A_76 : vector<4096x128xf32>
    %max3A_78 = arith.constant 0.000000e+00 : f32
    %max3A_79 = vector.broadcast %max3A_78 : f32 to vector<4096x128xf32>
    %max3A_80 = arith.maximumf %add3A_77, %max3A_79 : vector<4096x128xf32>
    %reshape3A_81 = vector.shape_cast %max3A_80 : vector<4096x128xf32> to vector<128x32x128xf32>
    %reduce_max3A_82 = arith.constant dense<0xFF800000> : vector<128x128xf32>
    %reduce_max3A_83 = vector.multi_reduction <maximumf>, %reshape3A_81, %reduce_max3A_82 [1] : vector<128x32x128xf32> to vector<128x128xf32>
    %concatenate3A = tpu.concatenate %reduce_max3A_38, %reduce_max3A_83 in 1 : vector<128x128xf32>, vector<128x128xf32> -> vector<128x256xf32>
    %swap3A = arith.constant 0 : index
    %swap3A_84 = arith.constant 0 : index
    %swap3A_85 = vector.load %arg15[%swap3A, %swap3A_84] : memref<128x256xf32, #tpu.memory_space<vmem>>, vector<128x256xf32>
    tpu.vector_store %arg15[%swap3A, %swap3A_84], %concatenate3A {strides = array<i32>} : memref<128x256xf32, #tpu.memory_space<vmem>>, vector<128x256xf32>,
    return
  }
  func.func @transform_0(%arg0: i32) -> (i32, i32) {
    %c0_i32 = arith.constant 0 : i32
    %c0_i32_0 = arith.constant 0 : i32
    return %arg0, %c0_i32 : i32, i32
  }
  func.func @transform_1(%arg0: i32) -> (i32, i32) {
    %c0_i32 = arith.constant 0 : i32
    %c0_i32_0 = arith.constant 0 : i32
    return %arg0, %c0_i32 : i32, i32
  }
  func.func @transform_2(%arg0: i32) -> (i32, i32) {
    %c0_i32 = arith.constant 0 : i32
    %c0_i32_0 = arith.constant 0 : i32
    %c0_i32_1 = arith.constant 0 : i32
    return %c0_i32, %c0_i32_0 : i32, i32
  }
  func.func @transform_3(%arg0: i32) -> (i32, i32) {
    %c0_i32 = arith.constant 0 : i32
    %c0_i32_0 = arith.constant 0 : i32
    %c0_i32_1 = arith.constant 0 : i32
    return %c0_i32, %c0_i32_0 : i32, i32
  }
  func.func @transform_4(%arg0: i32) -> (i32, i32) {
    %c0_i32 = arith.constant 0 : i32
    %c0_i32_0 = arith.constant 0 : i32
    %c0_i32_1 = arith.constant 0 : i32
    return %c0_i32, %c0_i32_0 : i32, i32
  }
  func.func @transform_5(%arg0: i32) -> (i32, i32) {
    %c0_i32 = arith.constant 0 : i32
    %c0_i32_0 = arith.constant 0 : i32
    %c0_i32_1 = arith.constant 0 : i32
    return %c0_i32, %c0_i32_0 : i32, i32
  }
  func.func @transform_6(%arg0: i32) -> (i32, i32) {
    %c0_i32 = arith.constant 0 : i32
    %c0_i32_0 = arith.constant 0 : i32
    %c0_i32_1 = arith.constant 0 : i32
    return %c0_i32, %c0_i32_0 : i32, i32
  }
  func.func @transform_7(%arg0: i32) -> (i32, i32) {
    %c0_i32 = arith.constant 0 : i32
    %c0_i32_0 = arith.constant 0 : i32
    %c0_i32_1 = arith.constant 0 : i32
    return %c0_i32, %c0_i32_0 : i32, i32
  }
  func.func @transform_8(%arg0: i32) -> (i32, i32) {
    %c0_i32 = arith.constant 0 : i32
    %c0_i32_0 = arith.constant 0 : i32
    %c0_i32_1 = arith.constant 0 : i32
    return %c0_i32, %c0_i32_0 : i32, i32
  }
  func.func @transform_9(%arg0: i32) -> (i32, i32) {
    %c0_i32 = arith.constant 0 : i32
    %c0_i32_0 = arith.constant 0 : i32
    %c0_i32_1 = arith.constant 0 : i32
    return %c0_i32, %c0_i32_0 : i32, i32
  }
  func.func @transform_10(%arg0: i32) -> (i32, i32) {
    %c0_i32 = arith.constant 0 : i32
    %c0_i32_0 = arith.constant 0 : i32
    %c0_i32_1 = arith.constant 0 : i32
    return %c0_i32, %c0_i32_0 : i32, i32
  }
  func.func @transform_11(%arg0: i32) -> (i32, i32) {
    %c0_i32 = arith.constant 0 : i32
    %c0_i32_0 = arith.constant 0 : i32
    %c0_i32_1 = arith.constant 0 : i32
    return %c0_i32, %c0_i32_0 : i32, i32
  }
  func.func @transform_12(%arg0: i32) -> (i32, i32) {
    %c0_i32 = arith.constant 0 : i32
    %c0_i32_0 = arith.constant 0 : i32
    %c0_i32_1 = arith.constant 0 : i32
    return %c0_i32, %c0_i32_0 : i32, i32
  }
  func.func @transform_13(%arg0: i32) -> (i32, i32) {
    %c0_i32 = arith.constant 0 : i32
    %c0_i32_0 = arith.constant 0 : i32
    %c0_i32_1 = arith.constant 0 : i32
    return %c0_i32, %c0_i32_0 : i32, i32
  }
  func.func @transform_14(%arg0: i32) -> (i32, i32) {
    %c0_i32 = arith.constant 0 : i32
    %c0_i32_0 = arith.constant 0 : i32
    return %arg0, %c0_i32 : i32, i32
  }
}

</mosaic_0001>

<sc_bundles>
// kernel: kernel.5.cloned.1.call-start
scs
__scs_entry_jumppad:
0x0: {  	(pc) =	sbr.rel $0x88, $3  }
0x1: {  	(tag) =	ssettag $0x0;
	lr =	simm.s32 $0x1  }
0x2: {  	[smem:$0x3F94] =	sst lr;
	_ =	strace $0xD0000000  }
0x3: {  	_ = 	snop  }
0x4: {  	_ = 	snop  }
0x5: {  	_ = 	snop  }
0x6: {  	_ = 	snop  }
0x7: {  	_ = 	snop  }
__scs_overlays_trampoline_lowered:
0x8: {  	[smem:$0x3FA3] =	sst s0  }
0x9: {  	[smem:$0x3FA4] =	sst s1  }
0xa: {  	[smem:$0x3FA5] =	sst s2  }
0xb: {  	[smem:$0x3FA6] =	sst s3  }
0xc: {  	[smem:$0x3FA7] =	sst s4  }
0xd: {  	[smem:$0x3FA8] =	sst s5  }
0xe: {  	[smem:$0x3FA9] =	sst s6  }
0xf: {  	[smem:$0x3FAA] =	sst s7  }
0x10: {  	[smem:$0x3FAB] =	sst s8  }
0x11: {  	[smem:$0x3FAC] =	sst s9;
	s0 =	simm.s32 @!p0 $0x0  }
0x12: {  	s1 =	sld [smem:$0x3F92];
	s0 =	simm.s32 @p0 $0x1  }
0x13: {  	[smem:$0x3FAD] =	sst s0;
	s0 =	simm.s32 @!p1 $0x0  }
0x14: {  	s2 =	sld [smem:$0x3F91];
	s0 =	simm.s32 @p1 $0x1  }
0x15: {  	[smem:$0x3FAE] =	sst s0;
	s0 =	simm.s32 @!p2 $0x0  }
0x16: {  	s3 =	sld [smem:$0x3FDB];
	s0 =	simm.s32 @p2 $0x1  }
0x17: {  	s4 =	simm.s32 $0x1BF5;
	[smem:$0x3FB0] =	sst s0  }
0x18: {  	s0 =	sld [smem:$0x3F93];
	_ =	swait.ge [sflag:s4], $0x0  }
0x19: {  	s7 =	sld [smem:$0x3F94]  }
0x1a: {  	s8 =	sadd.s32 $0xFFFFE003, lr  }
0x1b: {  	s9 =	sadd.s32 $0xFFFFFEF7, lr;
	s5 =	simm.s32 $0xFFFFFFFF;
	p2 =	slt.u32 s8, $0xFFFFF086  }
0x1c: {  	p1 =	slt.u32 s9, $0xF7A;
	s5 =	simm.s32 @!p2 $0x0  }
0x1d: {  	s5 =	simm.s32 @p1 $0x1;
	p0 =	seq.s32 s7, s2  }
0x1e: {  	s7 =	smul.u32 @!p0 $0xF7A, s2;
	p2 =	seq.s32 @!p0 s5, $0x0  }
0x1f: {  	s9 =	smul.u32 $0xF7A, s1;
	s8 =	simm.s32 @!p0 $0x1BF5;
	p2 =	por !p2, p0  }
0x20: {  	[sflag:s8] =	ssyncset.s32 @!p0 $0xFFFFF086;
	s6 =	sadd.s32 @!p0 s3, s7;
	s7 =	simm.s32 @!p0 $0x108  }
0x21: {  	s3 =	sadd.s32 s3, s9;
	s6 =	sadd.s32 @!p0 $0x88, s6;
	s7 =	simm.s32 @p2 $0x1082  }
0x22: {  	[simem:s7], [sflag:s8] =	dma.local @!p0 [hbm:s6], $0xF7A  }
0x23: {  	s9 =	sor.u32 $0xD0000000, s2;
	s6 =	simm.s32 $0x108;
	_ =	swait.ge @!p0 [sflag:s8], $0x0  }
0x24: {  	s3 =	sadd.s32 $0x88, s3;
	s6 =	simm.s32 @!p1 $0x1082;
	[sflag:s4] =	ssyncset.s32 $0xFFFFF086  }
0x25: {  	[simem:s6], [sflag:s4] =	dma.local [hbm:s3], $0xF7A  }
0x26: {  	[smem:$0x3F94] =	sst s1;
	(tag) =	ssettag s2;
	_ =	strace s9  }
0x27: {  	s1 =	sld [smem:$0x3FA4]  }
0x28: {  	s2 =	sld [smem:$0x3FA5]  }
0x29: {  	s4 =	sld [smem:$0x3FA7]  }
0x2a: {  	p0 =	seq.s32 s5, $0x0;
	s5 =	sld [smem:$0x3FA8]  }
0x2b: {  	s6 =	sld [smem:$0x3FA9]  }
0x2c: {  	s7 =	sld [smem:$0x3FAA]  }
0x2d: {  	s3 =	simm.s32 $0x108;
	s8 =	sld [smem:$0x3FAB]  }
0x2e: {  	s3 =	simm.s32 @!p0 $0x1082;
	s9 =	sld [smem:$0x3FAC]  }
0x2f: {  	lr =	sadd.s32 s0, s3;
	s0 =	sld [smem:$0x3FA3]  }
0x30: {  	s3 =	sld [smem:$0x3FA6]  }
0x31: {  	[smem:$0x3FAF] =	sst s10  }
0x32: {  	s10 =	sld [smem:$0x3FAD];
	_ =	sdelay $0x3  }
0x33: {  	p0 =	seq.s32 s10, $0x1;
	s10 =	sld [smem:$0x3FAF];
	_ =	sdelay $0x3  }
0x34: {  	[smem:$0x3FAF] =	sst s10  }
0x35: {  	s10 =	sld [smem:$0x3FAE];
	_ =	sdelay $0x3  }
0x36: {  	p1 =	seq.s32 s10, $0x1;
	s10 =	sld [smem:$0x3FAF];
	_ =	sdelay $0x3  }
0x37: {  	[smem:$0x3FAF] =	sst s10  }
0x38: {  	s10 =	sld [smem:$0x3FB0]  }
0x39: {  	_ = 	snop;
	(pc) =	sbr.ind lr, $3  }
0x3a: {  	_ = 	snop  }
0x3b: {  	_ = 	snop  }
0x3c: {  	p2 =	seq.s32 s10, $0x1;
	s10 =	sld [smem:$0x3FAF]  }
0x3d: {  	_ =	shalt  }
0x3e: {  	_ =	shalt  }
0x3f: {  	_ =	shalt  }
0x40: {  	_ =	shalt  }
0x41: {  	_ =	shalt  }
0x42: {  	_ =	shalt  }
0x43: {  	_ =	shalt  }
0x44: {  	_ =	shalt  }
0x45: {  	_ =	shalt  }
0x46: {  	_ =	shalt  }
0x47: {  	_ =	shalt  }
0x48: {  	_ =	shalt  }
0x49: {  	_ =	shalt  }
0x4a: {  	_ =	shalt  }
0x4b: {  	_ =	shalt  }
0x4c: {  	_ =	shalt  }
0x4d: {  	_ =	shalt  }
0x4e: {  	_ =	shalt  }
0x4f: {  	_ =	shalt  }
0x50: {  	_ =	shalt  }
0x51: {  	_ =	shalt  }
0x52: {  	_ =	shalt  }
0x53: {  	_ =	shalt  }
0x54: {  	_ =	shalt  }
0x55: {  	_ =	shalt  }
0x56: {  	_ =	shalt  }
0x57: {  	_ =	shalt  }
0x58: {  	_ =	shalt  }
0x59: {  	_ =	shalt  }
0x5a: {  	_ =	shalt  }
0x5b: {  	_ =	shalt  }
0x5c: {  	_ =	shalt  }
0x5d: {  	_ =	shalt  }
0x5e: {  	_ =	shalt  }
0x5f: {  	_ =	shalt  }
0x60: {  	_ =	shalt  }
0x61: {  	_ =	shalt  }
0x62: {  	_ =	shalt  }
0x63: {  	_ =	shalt  }
0x64: {  	_ =	shalt  }
0x65: {  	_ =	shalt  }
0x66: {  	_ =	shalt  }
0x67: {  	_ =	shalt  }
0x68: {  	_ =	shalt  }
0x69: {  	_ =	shalt  }
0x6a: {  	_ =	shalt  }
0x6b: {  	_ =	shalt  }
0x6c: {  	_ =	shalt  }
0x6d: {  	_ =	shalt  }
0x6e: {  	_ =	shalt  }
0x6f: {  	_ =	shalt  }
0x70: {  	_ =	shalt  }
0x71: {  	_ =	shalt  }
0x72: {  	_ =	shalt  }
0x73: {  	_ =	shalt  }
0x74: {  	_ =	shalt  }
0x75: {  	_ =	shalt  }
0x76: {  	_ =	shalt  }
0x77: {  	_ =	shalt  }
0x78: {  	_ =	shalt  }
0x79: {  	_ =	shalt  }
0x7a: {  	_ =	shalt  }
0x7b: {  	_ =	shalt  }
0x7c: {  	_ =	shalt  }
0x7d: {  	_ =	shalt  }
0x7e: {  	_ =	shalt  }
0x7f: {  	_ =	shalt  }
0x80: {  	_ =	shalt  }
0x81: {  	_ =	shalt  }
0x82: {  	_ =	shalt  }
0x83: {  	_ =	shalt  }
0x84: {  	_ =	shalt  }
0x85: {  	_ =	shalt  }
0x86: {  	_ =	shalt  }
0x87: {  	_ =	shalt  }
.Lfunc_end0:
.L_simem_size_0:
called_computation_lowered:
.L_overlay_start_0:
0x88: {  	s2 =	sld [smem:$0x3FD9]  }
0x89: {  	s3 =	sld [smem:$0x3FFE];
	_ =	sdelay $0x1  }
0x8a: {  	s1 =	srdreg.scid  }
0x8b: {  	s0 =	sand.u32 $0x1, s1  }
0x8c: {  	s17 =	sshll.u32 s0, $0xA;
	s2 =	sadd.s32 s3, s2  }
0x8d: {  	s2 =	sadd.s32 s2, s17  }
0x8e: {  	[smem:$0x3FBB] =	sst s2  }
0x8f: {  	_ = 	snop  }
0x90: {  	s2 =	sld [smem:$0x3FD0];
	(tm) =	ssettm $0x1  }
0x91: {  	s18 =	sld [smem:$0x3FFB];
	_ =	sdelay $0x3  }
0x92: {  	_ =	strace s18  }
0x93: {  	s3 =	sld [smem:$0x3FFC];
	_ =	sdelay $0x3  }
0x94: {  	_ =	strace s3  }
0x95: {  	s3 =	sld [smem:$0x3FFD];
	_ =	sdelay $0x3  }
0x96: {  	_ =	strace s3  }
0x97: {  	_ =	strace $0x8FFFFFFF  }
0x98: {  	s19 =	sld [smem:$0x3FDB];
	_ =	sdelay $0x1  }
0x99: {  	s4 =	simm.s32 $_scs_section_size  }
0x9a: {  	s5 =	simm.s32 $_size__tile_overlayer_lowered;
	s6 =	simm.s32 $_tile_overlayer_lowered  }
0x9b: {  	s22 =	simm.s32 $0x1BFF;
	s21 =	sshll.u32 s6, $0x1;
	s3 =	sadd.s32 s4, s19  }
0x9c: {  	s7 =	simm.s32 $0x0;
	s20 =	sshll.u32 s5, $0x1;
	s5 =	sadd.s32 s21, s3  }
0x9d: {  	[timem:s7], [sflag:s22] =	dma.local [hbm:s5], s20  }
0x9e: {  	_ =	swait.ge [sflag:s22], s20  }
0x9f: {  	s4 =	ssub.s32 $0x0, s20;
	[sflag:s22] =	ssyncset.done $0x0  }
0xa0: {  	[sflag:s22] =	ssyncadd.s32 s4;
	_ =	sdelay $0x1  }
0xa1: {  	s23 =	simm.s32 $0x1B8B  }
0xa2: {  	_ =	swait.ge [sflag:s23], $0x1  }
0xa3: {  	[sflag:s23] =	ssyncset.done $0x0  }
0xa4: {  	s25 =	simm.s32 $0x1B8E;
	s24 =	sld [smem:$0x3FFE];
	[sflag:s23] =	ssyncadd.s32 $0xFFFFFFFF  }
0xa5: {  	s26 =	simm.s32 $execute0_lowered;
	[smem:$0x3FD2] =	sst s25  }
0xa6: {  	s5 =	sshll.u32 s26, $0x1;
	_ =	strace $0x80000046;
	[dreg:$0x1] =	wrdreg $0xFFFFFFFF  }
0xa7: {  	s28 =	simm.s32 $_size_execute0_lowered;
	s3 =	sadd.s32 s3, s5;
	[dreg:$0x0] =	wrdreg $0x0  }
0xa8: {  	s5 =	sshll.u32 s28, $0x1;
	[dreg:$0x2] =	wrdreg s3  }
0xa9: {  	[dreg:$0x3] =	wrdreg s5  }
0xaa: {  	[dreg:$0x4] =	wrdreg $0xC0  }
0xab: {  	_ =	task [dreg:s7], $0x5FFFF  }
0xac: {  	[dreg:$0x1] =	wrdreg $0xFFFFFFFF  }
0xad: {  	[dreg:$0x0] =	wrdreg $0x60  }
0xae: {  	[dreg:$0x2] =	wrdreg s24  }
0xaf: {  	[dreg:$0x3] =	wrdreg s2  }
0xb0: {  	[dreg:$0x4] =	wrdreg $0x9  }
0xb1: {  	_ =	task.clear_ibuf [dreg:s7], $0x5FFFF;
	_ =	strace $0x90000046  }
0xb2: {  	s29 =	simm.s32 $0x9;
	_ =	strace $0x80000048  }
0xb3: {  	_ =	swait.ge [sflag:s29], $0x1  }
0xb4: {  	[sflag:s29] =	ssyncadd.s32 $0xFFFFFFFF  }
0xb5: {  	_ =	strace $0x90000048  }
0xb6: {  	_ =	sfence  }
0xb7: {  	s30 =	sld [smem:$0x0];
	_ =	sdelay $0x2  }
0xb8: {  	s31 =	sshll.u32 s1, $0xD;
	s1 =	sshrl.u32 s1, $0x2  }
0xb9: {  	s3 =	sand.u32 $0x4000, s31;
	s1 =	sadd.s32 s1, s30  }
0xba: {  	s0 =	sor.u32 s3, s0;
	s1 =	sshll.u32 s1, $0x11  }
0xbb: {  	s0 =	sor.u32 s1, s0  }
0xbc: {  	s0 =	sadd.s32 $0x8F2B, s0  }
0xbd: {  	[sflag:s0] =	ssyncadd.remote.s32 $0x1  }
0xbe: {  	_ =	sfence.sel $0xFFFF  }
0xbf: {  	[dreg:$0x0] =	wrdreg $0xFFFFFFFF;
	(pc) =	sbr.abs _section_cstart, $3  }
0xc0: {  	[dreg:$0x1] =	wrdreg $0xFFFFFFFF  }
0xc1: {  	_ =	task.clear_ibuf [dreg:s7], $0x2FFFF;
	_ =	strace $0x9FFFFFFF  }
0xc2: {  	(tm) =	ssettm $0x7FFFFFFF  }
0xc3: {  	_ =	shalt  }
tec
execute0_lowered:
.L_overlay_start_1:
0x0: {  	(tag) =	ssettag $0x1  }
0x1: {  	s5 =	stileid.u32;
	s0 =	rddreg [dreg:$0x0]  }
0x2: {  	s1 =	srdreg.scid;
	s2 =	rddreg [dreg:$0x1]  }
0x3: {  	s17 =	simm.s32 $0x1;
	s18 =	simm.s32 $0x4000;
	s3 =	sshll.u32 s5, $0x1  }
0x4: {  	s28 =	simm.s32 $0x18F00;
	s1 =	sand.u32 $0x1, s1;
	s4 =	sand.u32 $0x6, s3  }
0x5: {  	s29 =	simm.s32 $0x0;
	s3 =	simm.s32 $0x0;
	s6 =	sor.u32 s1, s4  }
0x6: {  	[smem:$0x7FF] =	sst s3;
	s4 =	sshrl.u32 s5, $0x2;
	s1 =	ssub.s32 $0x2, s1  }
0x7: {  	s5 =	sadd.s32 $0xEA00, s0;
	s19 =	smul.u32 $0xC0, s6;
	s7 =	sshll.u32 s4, $0x4  }
0x8: {  	_ =	strace $0x80000047;
	s9 =	sshrl.u32 s1, $0x1;
	s7 =	sadd.s32 s7, s0  }
0x9: {  	s21 =	sshll.u32 s6, $0x7;
	s30 =	sshll.u32 s4, $0xA;
	s22 =	sadd.s32 $0x2400, s7  }
0xa: {  	s20 =	ssub.s32 s1, s9;
	s23 =	sadd.s32 $0x4400, s7;
	[dreg:$0x3] =	wrdreg s22  }
0xb: {  	s13 =	sor.u32 s30, s21;
	s24 =	sadd.s32 $0x6400, s7;
	[dreg:$0x4] =	wrdreg s23  }
0xc: {  	s21 =	simm.s32 $0x10000;
	s25 =	sadd.s32 $0xC400, s7;
	[dreg:$0x5] =	wrdreg s24  }
0xd: {  	s8 =	sadd.s32 s19, s0;
	s26 =	sadd.s32 $0xA400, s7;
	[dreg:$0x6] =	wrdreg s25  }
.Ltmp0:
0xe: {  	s7 =	sadd.s32 $0x8400, s7;
	[dreg:$0x7] =	wrdreg s26;
	(pc) =	sbr.rel .LBB2_1-.Ltmp0, $4  }
0xf: {  	s0 =	smax.u32 s20, $0x1;
	s19 =	simm.s32 $0x8000;
	[dreg:$0x8] =	wrdreg s7  }
0x10: {  	s20 =	simm.s32 $0xC000;
	s31 =	sadd.s32 $0xE400, s8;
	[dreg:$0xa] =	wrdreg s0  }
0x11: {  	s22 =	simm.s32 $0x14000;
	s23 =	simm.s32 $0x18000;
	s24 =	simm.s32 $0x18600  }
0x12: {  	v0 =	vimm.f32 $0.0e+00;
	v1 =	vlaneseq.u32;
	v2 =	vimm.s32 $0x0;
	s25 =	simm.s32 $0x18680;
	s26 =	simm.s32 $0x18700;
	[dreg:$0x9] =	wrdreg s31  }
.LBB2_9:
0x13: {  	s29 =	sadd.s32 $0x1, s29;
	s0 =	rddreg [dreg:$0xa]  }
0x14: {  	p0 =	sne.s32 s29, s0  }
.Ltmp1:
0x15: {  	_ = 	snop;
	(pc) =	sbr.rel @!p0 .LBB2_10-.Ltmp1, $1  }
0x16: {  	_ =	sdelay $0x3  }
.LBB2_1:
0x17: {  	s0 =	rddreg [dreg:$0x3];
	s1 =	simm.s32 $0x80;
	s6 =	simm.s32 $0x200  }
0x18: {  	[tilespmem:s3], [sflag:$0x1] =	stream.strided.gather [hbm4b:s0+s1], $0x4000, s6, s1, $0x38;
	[tilespmem:$0x19F00] =	vst v63  }
0x19: {  	_ =	swait.ge [sflag:s17], $0x4000  }
0x1a: {  	[sflag:s17] =	ssyncset.done $0x0  }
0x1b: {  	s11 =	rddreg [dreg:$0x4];
	[sflag:s17] =	ssyncadd.s32 $0xFFFFC000  }
0x1c: {  	[tilespmem:s18], [sflag:$0x1] =	stream.strided.gather [hbm4b:s11+s1], $0x4000, s6, s1, $0x38;
	[tilespmem:$0x19F00] =	vst v63  }
0x1d: {  	_ =	swait.ge [sflag:s17], $0x4000  }
0x1e: {  	[sflag:s17] =	ssyncset.done $0x0  }
0x1f: {  	s12 =	rddreg [dreg:$0x5];
	[sflag:s17] =	ssyncadd.s32 $0xFFFFC000  }
0x20: {  	[tilespmem:s19], [sflag:$0x1] =	stream.strided.gather [hbm4b:s12+s1], $0x4000, s6, s1, $0x38;
	[tilespmem:$0x19F00] =	vst v63  }
0x21: {  	_ =	swait.ge [sflag:s17], $0x4000  }
0x22: {  	[sflag:s17] =	ssyncset.done $0x0  }
0x23: {  	s14 =	rddreg [dreg:$0x6];
	[sflag:s17] =	ssyncadd.s32 $0xFFFFC000  }
0x24: {  	[tilespmem:s20], [sflag:$0x1] =	stream.strided.gather [hbm4b:s14+s1], $0x4000, s6, s1, $0x38;
	[tilespmem:$0x19F00] =	vst v63  }
0x25: {  	_ =	swait.ge [sflag:s17], $0x4000  }
0x26: {  	[sflag:s17] =	ssyncset.done $0x0  }
0x27: {  	s15 =	rddreg [dreg:$0x7];
	[sflag:s17] =	ssyncadd.s32 $0xFFFFC000  }
0x28: {  	[tilespmem:s21], [sflag:$0x1] =	stream.strided.gather [hbm4b:s15+s1], $0x4000, s6, s1, $0x38;
	[tilespmem:$0x19F00] =	vst v63  }
0x29: {  	_ =	swait.ge [sflag:s17], $0x4000  }
0x2a: {  	[sflag:s17] =	ssyncset.done $0x0  }
0x2b: {  	s16 =	rddreg [dreg:$0x8];
	[sflag:s17] =	ssyncadd.s32 $0xFFFFC000  }
0x2c: {  	[tilespmem:s22], [sflag:$0x1] =	stream.strided.gather [hbm4b:s16+s1], $0x4000, s6, s1, $0x38;
	[tilespmem:$0x19F00] =	vst v63  }
0x2d: {  	_ =	swait.ge [sflag:s17], $0x4000  }
0x2e: {  	[sflag:s17] =	ssyncset.done $0x0  }
0x2f: {  	s31 =	rddreg [dreg:$0x9];
	[sflag:s17] =	ssyncadd.s32 $0xFFFFC000  }
0x30: {  	[tilespmem:s23], [sflag:$0x1] =	stream.linear.gather [hbm4b:s31+s3], $0x600, $0x38;
	[tilespmem:$0x19F00] =	vst v63  }
0x31: {  	_ =	swait.ge [sflag:s17], $0x600  }
0x32: {  	[sflag:s17] =	ssyncset.done $0x0  }
0x33: {  	[sflag:s17] =	ssyncadd.s32 $0xFFFFFA00  }
0x34: {  	[tilespmem:$0x18700] =	vst v0  }
0x35: {  	[tilespmem:$0x18710] =	vst v0  }
0x36: {  	[tilespmem:$0x18720] =	vst v0  }
0x37: {  	[tilespmem:$0x18730] =	vst v0  }
0x38: {  	[tilespmem:$0x18740] =	vst v0  }
0x39: {  	[tilespmem:$0x18750] =	vst v0  }
0x3a: {  	[tilespmem:$0x18760] =	vst v0  }
0x3b: {  	[tilespmem:$0x18770] =	vst v0  }
0x3c: {  	[tilespmem:$0x18780] =	vst v0  }
0x3d: {  	[tilespmem:$0x18790] =	vst v0  }
0x3e: {  	[tilespmem:$0x187A0] =	vst v0  }
0x3f: {  	[tilespmem:$0x187B0] =	vst v0  }
0x40: {  	[tilespmem:$0x187C0] =	vst v0  }
0x41: {  	[tilespmem:$0x187D0] =	vst v0  }
0x42: {  	[tilespmem:$0x187E0] =	vst v0  }
0x43: {  	[tilespmem:$0x187F0] =	vst v0  }
0x44: {  	[tilespmem:$0x18800] =	vst v0  }
0x45: {  	[tilespmem:$0x18810] =	vst v0  }
0x46: {  	[tilespmem:$0x18820] =	vst v0  }
0x47: {  	[tilespmem:$0x18830] =	vst v0  }
0x48: {  	[tilespmem:$0x18840] =	vst v0  }
0x49: {  	[tilespmem:$0x18850] =	vst v0  }
0x4a: {  	[tilespmem:$0x18860] =	vst v0  }
0x4b: {  	[tilespmem:$0x18870] =	vst v0  }
0x4c: {  	[tilespmem:$0x18880] =	vst v0  }
0x4d: {  	[tilespmem:$0x18890] =	vst v0  }
0x4e: {  	[tilespmem:$0x188A0] =	vst v0  }
0x4f: {  	[tilespmem:$0x188B0] =	vst v0  }
0x50: {  	[tilespmem:$0x188C0] =	vst v0  }
0x51: {  	[tilespmem:$0x188D0] =	vst v0  }
0x52: {  	[tilespmem:$0x188E0] =	vst v0  }
0x53: {  	[tilespmem:$0x188F0] =	vst v0  }
0x54: {  	[tilespmem:$0x18900] =	vst v0  }
0x55: {  	[tilespmem:$0x18910] =	vst v0  }
0x56: {  	[tilespmem:$0x18920] =	vst v0  }
0x57: {  	[tilespmem:$0x18930] =	vst v0  }
0x58: {  	[tilespmem:$0x18940] =	vst v0  }
0x59: {  	[tilespmem:$0x18950] =	vst v0  }
0x5a: {  	[tilespmem:$0x18960] =	vst v0  }
0x5b: {  	[tilespmem:$0x18970] =	vst v0  }
0x5c: {  	[tilespmem:$0x18980] =	vst v0  }
0x5d: {  	[tilespmem:$0x18990] =	vst v0  }
0x5e: {  	[tilespmem:$0x189A0] =	vst v0  }
0x5f: {  	[tilespmem:$0x189B0] =	vst v0  }
0x60: {  	[tilespmem:$0x189C0] =	vst v0  }
0x61: {  	[tilespmem:$0x189D0] =	vst v0  }
0x62: {  	[tilespmem:$0x189E0] =	vst v0  }
0x63: {  	[tilespmem:$0x189F0] =	vst v0  }
0x64: {  	[tilespmem:$0x18A00] =	vst v0  }
0x65: {  	[tilespmem:$0x18A10] =	vst v0  }
0x66: {  	[tilespmem:$0x18A20] =	vst v0  }
0x67: {  	[tilespmem:$0x18A30] =	vst v0  }
0x68: {  	[tilespmem:$0x18A40] =	vst v0  }
0x69: {  	[tilespmem:$0x18A50] =	vst v0  }
0x6a: {  	[tilespmem:$0x18A60] =	vst v0  }
0x6b: {  	[tilespmem:$0x18A70] =	vst v0  }
0x6c: {  	[tilespmem:$0x18A80] =	vst v0  }
0x6d: {  	[tilespmem:$0x18A90] =	vst v0  }
0x6e: {  	[tilespmem:$0x18AA0] =	vst v0  }
0x6f: {  	[tilespmem:$0x18AB0] =	vst v0  }
0x70: {  	[tilespmem:$0x18AC0] =	vst v0  }
0x71: {  	[tilespmem:$0x18AD0] =	vst v0  }
0x72: {  	[tilespmem:$0x18AE0] =	vst v0  }
0x73: {  	[tilespmem:$0x18AF0] =	vst v0  }
0x74: {  	[tilespmem:$0x18B00] =	vst v0  }
0x75: {  	[tilespmem:$0x18B10] =	vst v0  }
0x76: {  	[tilespmem:$0x18B20] =	vst v0  }
0x77: {  	[tilespmem:$0x18B30] =	vst v0  }
0x78: {  	[tilespmem:$0x18B40] =	vst v0  }
0x79: {  	[tilespmem:$0x18B50] =	vst v0  }
0x7a: {  	[tilespmem:$0x18B60] =	vst v0  }
0x7b: {  	[tilespmem:$0x18B70] =	vst v0  }
0x7c: {  	[tilespmem:$0x18B80] =	vst v0  }
0x7d: {  	[tilespmem:$0x18B90] =	vst v0  }
0x7e: {  	[tilespmem:$0x18BA0] =	vst v0  }
0x7f: {  	[tilespmem:$0x18BB0] =	vst v0  }
0x80: {  	[tilespmem:$0x18BC0] =	vst v0  }
0x81: {  	[tilespmem:$0x18BD0] =	vst v0  }
0x82: {  	[tilespmem:$0x18BE0] =	vst v0  }
0x83: {  	[tilespmem:$0x18BF0] =	vst v0  }
0x84: {  	[tilespmem:$0x18C00] =	vst v0  }
0x85: {  	[tilespmem:$0x18C10] =	vst v0  }
0x86: {  	[tilespmem:$0x18C20] =	vst v0  }
0x87: {  	[tilespmem:$0x18C30] =	vst v0  }
0x88: {  	[tilespmem:$0x18C40] =	vst v0  }
0x89: {  	[tilespmem:$0x18C50] =	vst v0  }
0x8a: {  	[tilespmem:$0x18C60] =	vst v0  }
0x8b: {  	[tilespmem:$0x18C70] =	vst v0  }
0x8c: {  	[tilespmem:$0x18C80] =	vst v0  }
0x8d: {  	[tilespmem:$0x18C90] =	vst v0  }
0x8e: {  	[tilespmem:$0x18CA0] =	vst v0  }
0x8f: {  	[tilespmem:$0x18CB0] =	vst v0  }
0x90: {  	[tilespmem:$0x18CC0] =	vst v0  }
0x91: {  	[tilespmem:$0x18CD0] =	vst v0  }
0x92: {  	[tilespmem:$0x18CE0] =	vst v0  }
0x93: {  	[tilespmem:$0x18CF0] =	vst v0  }
0x94: {  	[tilespmem:$0x18D00] =	vst v0  }
0x95: {  	[tilespmem:$0x18D10] =	vst v0  }
0x96: {  	[tilespmem:$0x18D20] =	vst v0  }
0x97: {  	[tilespmem:$0x18D30] =	vst v0  }
0x98: {  	[tilespmem:$0x18D40] =	vst v0  }
0x99: {  	[tilespmem:$0x18D50] =	vst v0  }
0x9a: {  	[tilespmem:$0x18D60] =	vst v0  }
0x9b: {  	[tilespmem:$0x18D70] =	vst v0  }
0x9c: {  	[tilespmem:$0x18D80] =	vst v0  }
0x9d: {  	[tilespmem:$0x18D90] =	vst v0  }
0x9e: {  	[tilespmem:$0x18DA0] =	vst v0  }
0x9f: {  	[tilespmem:$0x18DB0] =	vst v0  }
0xa0: {  	[tilespmem:$0x18DC0] =	vst v0  }
0xa1: {  	[tilespmem:$0x18DD0] =	vst v0  }
0xa2: {  	[tilespmem:$0x18DE0] =	vst v0  }
0xa3: {  	[tilespmem:$0x18DF0] =	vst v0  }
0xa4: {  	[tilespmem:$0x18E00] =	vst v0  }
0xa5: {  	[tilespmem:$0x18E10] =	vst v0  }
0xa6: {  	[tilespmem:$0x18E20] =	vst v0  }
0xa7: {  	[tilespmem:$0x18E30] =	vst v0  }
0xa8: {  	[tilespmem:$0x18E40] =	vst v0  }
0xa9: {  	[tilespmem:$0x18E50] =	vst v0  }
0xaa: {  	[tilespmem:$0x18E60] =	vst v0  }
0xab: {  	[tilespmem:$0x18E70] =	vst v0  }
0xac: {  	[tilespmem:$0x18E80] =	vst v0  }
0xad: {  	[tilespmem:$0x18E90] =	vst v0  }
0xae: {  	[tilespmem:$0x18EA0] =	vst v0  }
0xaf: {  	[tilespmem:$0x18EB0] =	vst v0  }
0xb0: {  	[tilespmem:$0x18EC0] =	vst v0  }
0xb1: {  	[tilespmem:$0x18ED0] =	vst v0  }
0xb2: {  	[tilespmem:$0x18EE0] =	vst v0  }
0xb3: {  	[tilespmem:$0x18EF0] =	vst v0  }
0xb4: {  	[tilespmem:$0x18F00] =	vst v0  }
0xb5: {  	[tilespmem:$0x18F10] =	vst v0  }
0xb6: {  	[tilespmem:$0x18F20] =	vst v0  }
0xb7: {  	[tilespmem:$0x18F30] =	vst v0  }
0xb8: {  	[tilespmem:$0x18F40] =	vst v0  }
0xb9: {  	[tilespmem:$0x18F50] =	vst v0  }
0xba: {  	[tilespmem:$0x18F60] =	vst v0  }
0xbb: {  	[tilespmem:$0x18F70] =	vst v0  }
0xbc: {  	[tilespmem:$0x18F80] =	vst v0  }
0xbd: {  	[tilespmem:$0x18F90] =	vst v0  }
0xbe: {  	[tilespmem:$0x18FA0] =	vst v0  }
0xbf: {  	[tilespmem:$0x18FB0] =	vst v0  }
0xc0: {  	[tilespmem:$0x18FC0] =	vst v0  }
0xc1: {  	[tilespmem:$0x18FD0] =	vst v0  }
0xc2: {  	[tilespmem:$0x18FE0] =	vst v0  }
0xc3: {  	[tilespmem:$0x18FF0] =	vst v0  }
0xc4: {  	[tilespmem:$0x19000] =	vst v0  }
0xc5: {  	[tilespmem:$0x19010] =	vst v0  }
0xc6: {  	[tilespmem:$0x19020] =	vst v0  }
0xc7: {  	[tilespmem:$0x19030] =	vst v0  }
0xc8: {  	[tilespmem:$0x19040] =	vst v0  }
0xc9: {  	[tilespmem:$0x19050] =	vst v0  }
0xca: {  	[tilespmem:$0x19060] =	vst v0  }
0xcb: {  	[tilespmem:$0x19070] =	vst v0  }
0xcc: {  	[tilespmem:$0x19080] =	vst v0  }
0xcd: {  	[tilespmem:$0x19090] =	vst v0  }
0xce: {  	[tilespmem:$0x190A0] =	vst v0  }
0xcf: {  	[tilespmem:$0x190B0] =	vst v0  }
0xd0: {  	[tilespmem:$0x190C0] =	vst v0  }
0xd1: {  	[tilespmem:$0x190D0] =	vst v0  }
0xd2: {  	[tilespmem:$0x190E0] =	vst v0  }
0xd3: {  	[tilespmem:$0x190F0] =	vst v0  }
0xd4: {  	[tilespmem:$0x19100] =	vst v0  }
0xd5: {  	[tilespmem:$0x19110] =	vst v0  }
0xd6: {  	[tilespmem:$0x19120] =	vst v0  }
0xd7: {  	[tilespmem:$0x19130] =	vst v0  }
0xd8: {  	[tilespmem:$0x19140] =	vst v0  }
0xd9: {  	[tilespmem:$0x19150] =	vst v0  }
0xda: {  	[tilespmem:$0x19160] =	vst v0  }
0xdb: {  	[tilespmem:$0x19170] =	vst v0  }
0xdc: {  	[tilespmem:$0x19180] =	vst v0  }
0xdd: {  	[tilespmem:$0x19190] =	vst v0  }
0xde: {  	[tilespmem:$0x191A0] =	vst v0  }
0xdf: {  	[tilespmem:$0x191B0] =	vst v0  }
0xe0: {  	[tilespmem:$0x191C0] =	vst v0  }
0xe1: {  	[tilespmem:$0x191D0] =	vst v0  }
0xe2: {  	[tilespmem:$0x191E0] =	vst v0  }
0xe3: {  	[tilespmem:$0x191F0] =	vst v0  }
0xe4: {  	[tilespmem:$0x19200] =	vst v0  }
0xe5: {  	[tilespmem:$0x19210] =	vst v0  }
0xe6: {  	[tilespmem:$0x19220] =	vst v0  }
0xe7: {  	[tilespmem:$0x19230] =	vst v0  }
0xe8: {  	[tilespmem:$0x19240] =	vst v0  }
0xe9: {  	[tilespmem:$0x19250] =	vst v0  }
0xea: {  	[tilespmem:$0x19260] =	vst v0  }
0xeb: {  	[tilespmem:$0x19270] =	vst v0  }
0xec: {  	[tilespmem:$0x19280] =	vst v0  }
0xed: {  	[tilespmem:$0x19290] =	vst v0  }
0xee: {  	[tilespmem:$0x192A0] =	vst v0  }
0xef: {  	[tilespmem:$0x192B0] =	vst v0  }
0xf0: {  	[tilespmem:$0x192C0] =	vst v0  }
0xf1: {  	[tilespmem:$0x192D0] =	vst v0  }
0xf2: {  	[tilespmem:$0x192E0] =	vst v0  }
0xf3: {  	[tilespmem:$0x192F0] =	vst v0  }
0xf4: {  	[tilespmem:$0x19300] =	vst v0  }
0xf5: {  	[tilespmem:$0x19310] =	vst v0  }
0xf6: {  	[tilespmem:$0x19320] =	vst v0  }
0xf7: {  	[tilespmem:$0x19330] =	vst v0  }
0xf8: {  	[tilespmem:$0x19340] =	vst v0  }
0xf9: {  	[tilespmem:$0x19350] =	vst v0  }
0xfa: {  	[tilespmem:$0x19360] =	vst v0  }
0xfb: {  	[tilespmem:$0x19370] =	vst v0  }
0xfc: {  	[tilespmem:$0x19380] =	vst v0  }
0xfd: {  	[tilespmem:$0x19390] =	vst v0  }
0xfe: {  	[tilespmem:$0x193A0] =	vst v0  }
0xff: {  	[tilespmem:$0x193B0] =	vst v0  }
0x100: {  	[tilespmem:$0x193C0] =	vst v0  }
0x101: {  	[tilespmem:$0x193D0] =	vst v0  }
0x102: {  	[tilespmem:$0x193E0] =	vst v0  }
0x103: {  	[tilespmem:$0x193F0] =	vst v0  }
0x104: {  	[tilespmem:$0x19400] =	vst v0  }
0x105: {  	[tilespmem:$0x19410] =	vst v0  }
0x106: {  	[tilespmem:$0x19420] =	vst v0  }
0x107: {  	[tilespmem:$0x19430] =	vst v0  }
0x108: {  	[tilespmem:$0x19440] =	vst v0  }
0x109: {  	[tilespmem:$0x19450] =	vst v0  }
0x10a: {  	[tilespmem:$0x19460] =	vst v0  }
0x10b: {  	[tilespmem:$0x19470] =	vst v0  }
0x10c: {  	[tilespmem:$0x19480] =	vst v0  }
0x10d: {  	[tilespmem:$0x19490] =	vst v0  }
0x10e: {  	[tilespmem:$0x194A0] =	vst v0  }
0x10f: {  	[tilespmem:$0x194B0] =	vst v0  }
0x110: {  	[tilespmem:$0x194C0] =	vst v0  }
0x111: {  	[tilespmem:$0x194D0] =	vst v0  }
0x112: {  	[tilespmem:$0x194E0] =	vst v0  }
0x113: {  	[tilespmem:$0x194F0] =	vst v0  }
0x114: {  	[tilespmem:$0x19500] =	vst v0  }
0x115: {  	[tilespmem:$0x19510] =	vst v0  }
0x116: {  	[tilespmem:$0x19520] =	vst v0  }
0x117: {  	[tilespmem:$0x19530] =	vst v0  }
0x118: {  	[tilespmem:$0x19540] =	vst v0  }
0x119: {  	[tilespmem:$0x19550] =	vst v0  }
0x11a: {  	[tilespmem:$0x19560] =	vst v0  }
0x11b: {  	[tilespmem:$0x19570] =	vst v0  }
0x11c: {  	[tilespmem:$0x19580] =	vst v0  }
0x11d: {  	[tilespmem:$0x19590] =	vst v0  }
0x11e: {  	[tilespmem:$0x195A0] =	vst v0  }
0x11f: {  	[tilespmem:$0x195B0] =	vst v0  }
0x120: {  	[tilespmem:$0x195C0] =	vst v0  }
0x121: {  	[tilespmem:$0x195D0] =	vst v0  }
0x122: {  	[tilespmem:$0x195E0] =	vst v0  }
0x123: {  	[tilespmem:$0x195F0] =	vst v0  }
0x124: {  	[tilespmem:$0x19600] =	vst v0  }
0x125: {  	[tilespmem:$0x19610] =	vst v0  }
0x126: {  	[tilespmem:$0x19620] =	vst v0  }
0x127: {  	[tilespmem:$0x19630] =	vst v0  }
0x128: {  	[tilespmem:$0x19640] =	vst v0  }
0x129: {  	[tilespmem:$0x19650] =	vst v0  }
0x12a: {  	[tilespmem:$0x19660] =	vst v0  }
0x12b: {  	[tilespmem:$0x19670] =	vst v0  }
0x12c: {  	[tilespmem:$0x19680] =	vst v0  }
0x12d: {  	[tilespmem:$0x19690] =	vst v0  }
0x12e: {  	[tilespmem:$0x196A0] =	vst v0  }
0x12f: {  	[tilespmem:$0x196B0] =	vst v0  }
0x130: {  	[tilespmem:$0x196C0] =	vst v0  }
0x131: {  	[tilespmem:$0x196D0] =	vst v0  }
0x132: {  	[tilespmem:$0x196E0] =	vst v0  }
0x133: {  	[tilespmem:$0x19710] =	vst v0  }
0x134: {  	[tilespmem:$0x19720] =	vst v0  }
0x135: {  	[tilespmem:$0x19730] =	vst v0  }
0x136: {  	[tilespmem:$0x19740] =	vst v0  }
0x137: {  	[tilespmem:$0x19750] =	vst v0  }
0x138: {  	[tilespmem:$0x19760] =	vst v0  }
0x139: {  	[tilespmem:$0x19770] =	vst v0  }
0x13a: {  	[tilespmem:$0x19780] =	vst v0  }
0x13b: {  	[tilespmem:$0x19790] =	vst v0  }
0x13c: {  	[tilespmem:$0x197A0] =	vst v0  }
0x13d: {  	[tilespmem:$0x197B0] =	vst v0  }
0x13e: {  	[tilespmem:$0x197C0] =	vst v0  }
0x13f: {  	[tilespmem:$0x197D0] =	vst v0  }
0x140: {  	[tilespmem:$0x197E0] =	vst v0  }
0x141: {  	[tilespmem:$0x197F0] =	vst v0  }
0x142: {  	[tilespmem:$0x19800] =	vst v0  }
0x143: {  	[tilespmem:$0x19810] =	vst v0  }
0x144: {  	[tilespmem:$0x19820] =	vst v0  }
0x145: {  	[tilespmem:$0x19830] =	vst v0  }
0x146: {  	[tilespmem:$0x19840] =	vst v0  }
0x147: {  	[tilespmem:$0x19850] =	vst v0  }
0x148: {  	[tilespmem:$0x19860] =	vst v0  }
0x149: {  	[tilespmem:$0x19870] =	vst v0  }
0x14a: {  	[tilespmem:$0x19880] =	vst v0  }
0x14b: {  	[tilespmem:$0x19890] =	vst v0  }
0x14c: {  	[tilespmem:$0x198A0] =	vst v0  }
0x14d: {  	[tilespmem:$0x198B0] =	vst v0  }
0x14e: {  	[tilespmem:$0x198C0] =	vst v0  }
0x14f: {  	[tilespmem:$0x198D0] =	vst v0  }
0x150: {  	[tilespmem:$0x198E0] =	vst v0  }
0x151: {  	[tilespmem:$0x198F0] =	vst v0  }
0x152: {  	[tilespmem:$0x19900] =	vst v0  }
0x153: {  	[tilespmem:$0x19910] =	vst v0  }
0x154: {  	[tilespmem:$0x19920] =	vst v0  }
0x155: {  	[tilespmem:$0x19930] =	vst v0  }
0x156: {  	[tilespmem:$0x19940] =	vst v0  }
0x157: {  	[tilespmem:$0x19950] =	vst v0  }
0x158: {  	[tilespmem:$0x19960] =	vst v0  }
0x159: {  	[tilespmem:$0x19970] =	vst v0  }
0x15a: {  	[tilespmem:$0x19980] =	vst v0  }
0x15b: {  	[tilespmem:$0x19990] =	vst v0  }
0x15c: {  	[tilespmem:$0x199A0] =	vst v0  }
0x15d: {  	[tilespmem:$0x199B0] =	vst v0  }
0x15e: {  	[tilespmem:$0x199C0] =	vst v0  }
0x15f: {  	[tilespmem:$0x199D0] =	vst v0  }
0x160: {  	[tilespmem:$0x199E0] =	vst v0  }
0x161: {  	[tilespmem:$0x199F0] =	vst v0  }
0x162: {  	[tilespmem:$0x19A00] =	vst v0  }
0x163: {  	[tilespmem:$0x19A10] =	vst v0  }
0x164: {  	[tilespmem:$0x19A20] =	vst v0  }
0x165: {  	[tilespmem:$0x19A30] =	vst v0  }
0x166: {  	[tilespmem:$0x19A40] =	vst v0  }
0x167: {  	[tilespmem:$0x19A50] =	vst v0  }
0x168: {  	[tilespmem:$0x19A60] =	vst v0  }
0x169: {  	[tilespmem:$0x19A70] =	vst v0  }
0x16a: {  	[tilespmem:$0x19A80] =	vst v0  }
0x16b: {  	[tilespmem:$0x19A90] =	vst v0  }
0x16c: {  	[tilespmem:$0x19AA0] =	vst v0  }
0x16d: {  	[tilespmem:$0x19AB0] =	vst v0  }
0x16e: {  	[tilespmem:$0x19AC0] =	vst v0  }
0x16f: {  	[tilespmem:$0x19AD0] =	vst v0  }
0x170: {  	[tilespmem:$0x19AE0] =	vst v0  }
0x171: {  	[tilespmem:$0x19AF0] =	vst v0  }
0x172: {  	[tilespmem:$0x19B00] =	vst v0  }
0x173: {  	[tilespmem:$0x19B10] =	vst v0  }
0x174: {  	[tilespmem:$0x19B20] =	vst v0  }
0x175: {  	[tilespmem:$0x19B30] =	vst v0  }
0x176: {  	[tilespmem:$0x19B40] =	vst v0  }
0x177: {  	[tilespmem:$0x19B50] =	vst v0  }
0x178: {  	[tilespmem:$0x19B60] =	vst v0  }
0x179: {  	[tilespmem:$0x19B70] =	vst v0  }
0x17a: {  	[tilespmem:$0x19B80] =	vst v0  }
0x17b: {  	[tilespmem:$0x19B90] =	vst v0  }
0x17c: {  	[tilespmem:$0x19BA0] =	vst v0  }
0x17d: {  	[tilespmem:$0x19BB0] =	vst v0  }
0x17e: {  	[tilespmem:$0x19BC0] =	vst v0  }
0x17f: {  	[tilespmem:$0x19BD0] =	vst v0  }
0x180: {  	[tilespmem:$0x19BE0] =	vst v0  }
0x181: {  	[tilespmem:$0x19BF0] =	vst v0  }
0x182: {  	[tilespmem:$0x19C00] =	vst v0  }
0x183: {  	[tilespmem:$0x19C10] =	vst v0  }
0x184: {  	[tilespmem:$0x19C20] =	vst v0  }
0x185: {  	[tilespmem:$0x19C30] =	vst v0  }
0x186: {  	[tilespmem:$0x19C40] =	vst v0  }
0x187: {  	[tilespmem:$0x19C50] =	vst v0  }
0x188: {  	[tilespmem:$0x19C60] =	vst v0  }
0x189: {  	[tilespmem:$0x19C70] =	vst v0  }
0x18a: {  	[tilespmem:$0x19C80] =	vst v0  }
0x18b: {  	[tilespmem:$0x19C90] =	vst v0  }
0x18c: {  	[tilespmem:$0x19CA0] =	vst v0  }
0x18d: {  	[tilespmem:$0x19CB0] =	vst v0  }
0x18e: {  	[tilespmem:$0x19CC0] =	vst v0  }
0x18f: {  	[tilespmem:$0x19CD0] =	vst v0  }
0x190: {  	[tilespmem:$0x19CE0] =	vst v0  }
0x191: {  	[tilespmem:$0x19CF0] =	vst v0  }
0x192: {  	[tilespmem:$0x19D00] =	vst v0  }
0x193: {  	[tilespmem:$0x19D10] =	vst v0  }
0x194: {  	[tilespmem:$0x19D20] =	vst v0  }
0x195: {  	[tilespmem:$0x19D30] =	vst v0  }
0x196: {  	[tilespmem:$0x19D40] =	vst v0  }
0x197: {  	[tilespmem:$0x19D50] =	vst v0  }
0x198: {  	[tilespmem:$0x19D60] =	vst v0  }
0x199: {  	[tilespmem:$0x19D70] =	vst v0  }
0x19a: {  	[tilespmem:$0x19D80] =	vst v0  }
0x19b: {  	[tilespmem:$0x19D90] =	vst v0  }
0x19c: {  	[tilespmem:$0x19DA0] =	vst v0  }
0x19d: {  	[tilespmem:$0x19DB0] =	vst v0  }
0x19e: {  	[tilespmem:$0x19DC0] =	vst v0  }
0x19f: {  	[tilespmem:$0x19DD0] =	vst v0  }
0x1a0: {  	[tilespmem:$0x19DE0] =	vst v0  }
0x1a1: {  	[tilespmem:$0x19DF0] =	vst v0  }
0x1a2: {  	[tilespmem:$0x19E00] =	vst v0  }
0x1a3: {  	[tilespmem:$0x19E10] =	vst v0  }
0x1a4: {  	[tilespmem:$0x19E20] =	vst v0  }
0x1a5: {  	[tilespmem:$0x19E30] =	vst v0  }
0x1a6: {  	[tilespmem:$0x19E40] =	vst v0  }
0x1a7: {  	[tilespmem:$0x19E50] =	vst v0  }
0x1a8: {  	[tilespmem:$0x19E60] =	vst v0  }
0x1a9: {  	[tilespmem:$0x19E70] =	vst v0  }
0x1aa: {  	[tilespmem:$0x19E80] =	vst v0  }
0x1ab: {  	[tilespmem:$0x19E90] =	vst v0  }
0x1ac: {  	[tilespmem:$0x19EA0] =	vst v0  }
0x1ad: {  	[tilespmem:$0x19EB0] =	vst v0  }
0x1ae: {  	[tilespmem:$0x19EC0] =	vst v0  }
.Ltmp2:
0x1af: {  	[tilespmem:$0x19ED0] =	vst v0;
	(pc) =	sbr.rel .LBB2_2-.Ltmp2, $4  }
0x1b0: {  	[tilespmem:$0x19EE0] =	vst v0  }
0x1b1: {  	[tilespmem:$0x19EF0] =	vst v0  }
0x1b2: {  	[tilespmem:$0x19700] =	vst v0  }
0x1b3: {  	s30 =	simm.s32 $0x0;
	[tilespmem:$0x196F0] =	vst v0  }
.LBB2_8:
0x1b4: {  	s0 =	sadd.s32 s13, s31  }
0x1b5: {  	s1 =	sshll.u32 s0, $0x4  }
0x1b6: {  	s1 =	sand.u32 $0x1FFFFF00, s1  }
0x1b7: {  	s1 =	sadd.s32 s5, s1  }
0x1b8: {  	[hbm4b:s1+s3] =	stream.linear.scatter [tilespmem:s26], [sflag:$0x1], $0x800, $0x38;
	[tilespmem:$0x19F00] =	vst v63  }
0x1b9: {  	s30 =	sadd.s32 $0x1, s30;
	s0 =	sshll.u32 s0, $0x5;
	_ =	swait.ge [sflag:s17], $0x800  }
0x1ba: {  	p0 =	sne.s32 s30, $0x8;
	s0 =	sand.u32 $0x1FFFFE00, s0;
	[sflag:s17] =	ssyncset.done $0x0  }
.Ltmp3:
0x1bb: {  	s0 =	sadd.s32 s2, s0;
	[sflag:s17] =	ssyncadd.s32 $0xFFFFF800;
	(pc) =	sbr.rel @!p0 .LBB2_9-.Ltmp3, $4  }
0x1bc: {  	[hbm4b:s0+s3] =	stream.linear.scatter [tilespmem:s28], [sflag:$0x1], $0x1000, $0x38;
	[tilespmem:$0x19F00] =	vst v63  }
0x1bd: {  	_ =	swait.ge [sflag:s17], $0x1000  }
0x1be: {  	[sflag:s17] =	ssyncset.done $0x0  }
0x1bf: {  	[sflag:s17] =	ssyncadd.s32 $0xFFFFF000  }
.LBB2_2:
.Ltmp4:
0x1c0: {  	(pc) =	sbr.rel .LBB2_3-.Ltmp4, $2  }
0x1c1: {  	_ =	sdelay $0x2  }
0x1c2: {  	s31 =	sshll.u32 s30, $0x4;
	s1 =	simm.s32 $0x0  }
.LBB2_7:
0x1c3: {  	v6 =	vld [tilespmem:$0x18600]  }
0x1c4: {  	v7 =	vld [tilespmem:$0x18680];
	_ =	sdelay $0x3  }
0x1c5: {  	(v2sf) =	vpush v6, $0x0  }
0x1c6: {  	(v2sf) =	vpush v7, $0x0;
	_ =	sdelay $0x9  }
0x1c7: {  	v42 =	vmov s11;
	v43 =	vadd.s32 $0x1, v1  }
0x1c8: {  	v44 =	vmov s10;
	vm0 =	vlt.s32 v42, v43  }
0x1c9: {  	v45 =	vadd.s32 $0x11, v1;
	vm1 =	vlt.s32 v44, v43  }
0x1ca: {  	vm2 =	vlt.s32 v44, v45  }
0x1cb: {  	p0 =	sgt.s32 s11, $0x0;
	v46 =	vor.u32 $0x10, v1;
	s0 =	spop (v2sf)  }
0x1cc: {  	s0 =	simm.s32 @!p0 $0x0;
	p0 =	sgt.s32 s10, $0x0;
	s6 =	spop (v2sf)  }
0x1cd: {  	s6 =	simm.s32 @!p0 $0x0;
	v47 =	vmov s0  }
0x1ce: {  	[tilespmem:v1+s24+$0x0] =	vst.idx.msk vm0, v47;
	v48 =	vmov s6  }
0x1cf: {  	[tilespmem:v1+s25+$0x0] =	vst.idx.msk vm1, v48  }
0x1d0: {  	[tilespmem:v46+s25+$0x0] =	vst.idx.msk vm2, v48  }
0x1d1: {  	v6 =	vld [tilespmem:$0x18600];
	_ =	sdelay $0x7  }
0x1d2: {  	v8 =	vmul.u32 $0x8, v1;
	v7 =	vld.idx.msk [tilespmem:v6+s3+$0x0], $0xffff  }
0x1d3: {  	s15 =	sshll.u32 s1, $0x7  }
0x1d4: {  	v9 =	vor.u32 s15, v8;
	_ =	sdelay $0x2  }
0x1d5: {  	v7 =	vsub.f32 v7, v5;
	_ =	sdelay $0x1  }
0x1d6: {  	[tilespmem:v9+s26+$0x0] =	vst.idx.msk $0xffff, v7  }
0x1d7: {  	v7 =	vld.idx.msk [tilespmem:v6+s18+$0x0], $0xffff  }
0x1d8: {  	v49 =	vor.u32 $0x1, v8  }
0x1d9: {  	v10 =	vor.u32 s15, v49;
	_ =	sdelay $0x2  }
0x1da: {  	v7 =	vsub.f32 v7, v4;
	_ =	sdelay $0x1  }
0x1db: {  	[tilespmem:v10+s26+$0x0] =	vst.idx.msk $0xffff, v7  }
0x1dc: {  	v7 =	vld.idx.msk [tilespmem:v6+s19+$0x0], $0xffff  }
0x1dd: {  	v50 =	vor.u32 $0x2, v8  }
0x1de: {  	v11 =	vor.u32 s15, v50;
	_ =	sdelay $0x2  }
0x1df: {  	v7 =	vsub.f32 v7, v3;
	_ =	sdelay $0x1  }
0x1e0: {  	v51 =	vor.u32 $0x3, v8;
	[tilespmem:v11+s26+$0x0] =	vst.idx.msk $0xffff, v7  }
0x1e1: {  	v12 =	vor.u32 s15, v51;
	v11 =	vld.idx.msk [tilespmem:v6+s20+$0x0], $0xffff;
	_ =	sdelay $0x4  }
0x1e2: {  	v52 =	vor.u32 $0x4, v8;
	[tilespmem:v12+s26+$0x0] =	vst.idx.msk $0xffff, v11  }
0x1e3: {  	v13 =	vor.u32 s15, v52;
	v12 =	vld.idx.msk [tilespmem:v6+s21+$0x0], $0xffff;
	_ =	sdelay $0x4  }
0x1e4: {  	v53 =	vor.u32 $0x5, v8;
	[tilespmem:v13+s26+$0x0] =	vst.idx.msk $0xffff, v12  }
0x1e5: {  	v54 =	vor.u32 s15, v53;
	v6 =	vld.idx.msk [tilespmem:v6+s22+$0x0], $0xffff;
	_ =	sdelay $0x4  }
0x1e6: {  	[tilespmem:v54+s26+$0x0] =	vst.idx.msk $0xffff, v6  }
0x1e7: {  	v6 =	vld [tilespmem:$0x18680];
	_ =	sdelay $0x7  }
0x1e8: {  	v13 =	vld.idx.msk [tilespmem:v6+s3+$0x0], $0xffff  }
0x1e9: {  	s16 =	sshll.u32 s1, $0x8  }
0x1ea: {  	v14 =	vor.u32 s16, v8;
	_ =	sdelay $0x2  }
0x1eb: {  	v13 =	vsub.f32 v13, v5;
	_ =	sdelay $0x1  }
0x1ec: {  	[tilespmem:v14+s28+$0x0] =	vst.idx.msk $0xffff, v13  }
0x1ed: {  	v13 =	vld.idx.msk [tilespmem:v6+s18+$0x0], $0xffff;
	_ =	sdelay $0x1  }
0x1ee: {  	v9 =	vor.u32 s16, v49;
	_ =	sdelay $0x2  }
0x1ef: {  	v13 =	vsub.f32 v13, v4;
	_ =	sdelay $0x1  }
0x1f0: {  	[tilespmem:v9+s28+$0x0] =	vst.idx.msk $0xffff, v13  }
0x1f1: {  	v9 =	vld.idx.msk [tilespmem:v6+s19+$0x0], $0xffff;
	_ =	sdelay $0x1  }
0x1f2: {  	v10 =	vor.u32 s16, v50;
	_ =	sdelay $0x2  }
0x1f3: {  	v9 =	vsub.f32 v9, v3;
	_ =	sdelay $0x1  }
0x1f4: {  	[tilespmem:v10+s28+$0x0] =	vst.idx.msk $0xffff, v9  }
0x1f5: {  	v7 =	vor.u32 s16, v51;
	v9 =	vld.idx.msk [tilespmem:v6+s20+$0x0], $0xffff;
	_ =	sdelay $0x4  }
0x1f6: {  	[tilespmem:v7+s28+$0x0] =	vst.idx.msk $0xffff, v9  }
0x1f7: {  	v55 =	vor.u32 s16, v52;
	v7 =	vld.idx.msk [tilespmem:v6+s21+$0x0], $0xffff;
	_ =	sdelay $0x4  }
0x1f8: {  	[tilespmem:v55+s28+$0x0] =	vst.idx.msk $0xffff, v7  }
0x1f9: {  	v56 =	vor.u32 s16, v53;
	v6 =	vld.idx.msk [tilespmem:v6+s22+$0x0], $0xffff;
	_ =	sdelay $0x4  }
0x1fa: {  	[tilespmem:v56+s28+$0x0] =	vst.idx.msk $0xffff, v6  }
0x1fb: {  	v6 =	vld [tilespmem:$0x18690];
	_ =	sdelay $0x7  }
0x1fc: {  	v57 =	vor.u32 $0x80, v8;
	v9 =	vld.idx.msk [tilespmem:v6+s3+$0x0], $0xffff  }
0x1fd: {  	v58 =	vor.u32 $0xFFFFFF80, v8;
	v7 =	vor.u32 s16, v57  }
0x1fe: {  	v7 =	vand.u32 v58, v7;
	_ =	sdelay $0x2  }
0x1ff: {  	v59 =	vsub.f32 v9, v5;
	_ =	sdelay $0x1  }
0x200: {  	[tilespmem:v7+s28+$0x0] =	vst.idx.msk $0xffff, v59  }
0x201: {  	v5 =	vld.idx.msk [tilespmem:v6+s18+$0x0], $0xffff  }
0x202: {  	v60 =	vor.u32 $0x81, v8  }
0x203: {  	v7 =	vor.u32 s16, v60;
	_ =	sdelay $0x2  }
0x204: {  	v61 =	vsub.f32 v5, v4;
	_ =	sdelay $0x1  }
0x205: {  	[tilespmem:v7+s28+$0x0] =	vst.idx.msk $0xffff, v61  }
0x206: {  	v4 =	vld.idx.msk [tilespmem:v6+s19+$0x0], $0xffff  }
0x207: {  	v62 =	vor.u32 $0x82, v8  }
0x208: {  	v5 =	vor.u32 s16, v62;
	_ =	sdelay $0x2  }
0x209: {  	v3 =	vsub.f32 v4, v3;
	_ =	sdelay $0x1  }
0x20a: {  	[tilespmem:v5+s28+$0x0] =	vst.idx.msk $0xffff, v3;
	v3 =	vor.u32 $0x83, v8  }
0x20b: {  	v63 =	vld.idx.msk [tilespmem:v6+s20+$0x0], $0xffff;
	v3 =	vor.u32 s16, v3;
	_ =	sdelay $0x4  }
0x20c: {  	[tilespmem:v3+s28+$0x0] =	vst.idx.msk $0xffff, v63;
	v3 =	vor.u32 $0x84, v8  }
0x20d: {  	v4 =	vld.idx.msk [tilespmem:v6+s21+$0x0], $0xffff;
	v3 =	vor.u32 s16, v3;
	_ =	sdelay $0x4  }
0x20e: {  	s1 =	sadd.s32 $0x1, s1;
	[tilespmem:v3+s28+$0x0] =	vst.idx.msk $0xffff, v4;
	v3 =	vor.u32 $0x85, v8  }
0x20f: {  	p0 =	sne.s32 s1, $0x10;
	v4 =	vld.idx.msk [tilespmem:v6+s22+$0x0], $0xffff;
	v3 =	vor.u32 s16, v3  }
.Ltmp5:
0x210: {  	_ = 	snop;
	(pc) =	sbr.rel @!p0 .LBB2_8-.Ltmp5, $2  }
0x211: {  	_ =	sdelay $0x2  }
0x212: {  	[tilespmem:v3+s28+$0x0] =	vst.idx.msk $0xffff, v4  }
.LBB2_3:
0x213: {  	s0 =	sadd.s32 s31, s1  }
0x214: {  	s0 =	smul.u32 $0xC, s0;
	_ =	sdelay $0x1  }
0x215: {  	s0 =	sor.u32 s4, s0  }
0x216: {  	v3 =	vmov s0;
	s6 =	sadd.s32 $0x4, s0  }
0x217: {  	s0 =	sadd.s32 $0x8, s0;
	v4 =	vmov s6  }
0x218: {  	v6 =	vmov s0  }
.Ltmp6:
0x219: {  	_ = 	snop;
	(pc) =	sbr.rel .LBB2_4-.Ltmp6, $4  }
0x21a: {  	_ = 	snop  }
0x21b: {  	s7 =	simm.s32 $0x40;
	v5 =	vld.idx.msk [tilespmem:v3+s23+$0x0], $0xffff  }
0x21c: {  	s8 =	simm.s32 $0x0;
	s10 =	simm.s32 $0x0;
	s11 =	simm.s32 $0x0;
	v4 =	vld.idx.msk [tilespmem:v4+s23+$0x0], $0xffff  }
0x21d: {  	s9 =	simm.s32 $0x0;
	s0 =	simm.s32 $0x8040;
	s6 =	simm.s32 $0x4040;
	v3 =	vld.idx.msk [tilespmem:v6+s23+$0x0], $0xffff  }
.LBB2_6:
0x21e: {  	p0 =	slt.s32 s11, $0x10;
	p1 =	slt.s32 s10, $0x20  }
0x21f: {  	p2 =	sgt.u32 s9, $0x7E;
	p0 =	por p0, p1  }
0x220: {  	p0 =	por p2, !p0  }
.Ltmp7:
0x221: {  	_ = 	snop;
	(pc) =	sbr.rel @p0 .LBB2_7-.Ltmp7, $3  }
0x222: {  	_ =	sdelay $0x1  }
0x223: {  	s9 =	sadd.s32 $0x1, s9;
	s8 =	sadd.s32 $0x80, s8  }
0x224: {  	s0 =	sadd.s32 $0x80, s0;
	s6 =	sadd.s32 $0x80, s6;
	s7 =	sadd.s32 $0x80, s7  }
.LBB2_4:
0x225: {  	v6 =	vld [tilespmem:s7+$0xFFFFFFC0]  }
0x226: {  	v7 =	vld [tilespmem:s6+$0xFFFFFFC0]  }
0x227: {  	v8 =	vld [tilespmem:s0+$0xFFFFFFC0]  }
0x228: {  	v9 =	vld [tilespmem:s7+$0xFFFFFFD0]  }
0x229: {  	v10 =	vld [tilespmem:s6+$0xFFFFFFD0]  }
0x22a: {  	v12 =	vld [tilespmem:s7+$0xFFFFFFE0]  }
0x22b: {  	v13 =	vld [tilespmem:s6+$0xFFFFFFE0]  }
0x22c: {  	v14 =	vld [tilespmem:s7+$0xFFFFFFF0]  }
0x22d: {  	v15 =	vld [tilespmem:s6+$0xFFFFFFF0];
	v6 =	vsub.f32 v6, v5;
	v7 =	vsub.f32 v7, v4  }
0x22e: {  	v11 =	vld [tilespmem:s0+$0xFFFFFFD0]  }
0x22f: {  	v17 =	vld [tilespmem:s6+$0x0];
	v8 =	vsub.f32 v8, v3;
	v6 =	vmul.f32 v6, v6;
	v7 =	vmul.f32 v7, v7  }
0x230: {  	v19 =	vld [tilespmem:s7+$0x10];
	v9 =	vsub.f32 v9, v5;
	v12 =	vsub.f32 v12, v5  }
0x231: {  	v13 =	vsub.f32 v13, v4;
	v6 =	vadd.f32 v7, v6;
	v7 =	vmul.f32 v8, v8;
	v8 =	vld [tilespmem:s0+$0xFFFFFFE0]  }
0x232: {  	v16 =	vld [tilespmem:s0+$0xFFFFFFF0];
	v14 =	vsub.f32 v14, v5;
	v15 =	vsub.f32 v15, v4  }
0x233: {  	v7 =	vadd.f32 v7, v6;
	v6 =	vsub.f32 v10, v4;
	v10 =	vld [tilespmem:s7+$0x0]  }
0x234: {  	v11 =	vsub.f32 v11, v3;
	v17 =	vsub.f32 v17, v4;
	v9 =	vmul.f32 v9, v9  }
0x235: {  	v18 =	vld [tilespmem:s0+$0x0];
	v58 =	vsub.f32 v19, v5;
	v12 =	vmul.f32 v12, v12;
	v6 =	vmul.f32 v6, v6  }
0x236: {  	v22 =	vld [tilespmem:s6+$0x20];
	v13 =	vmul.f32 v13, v13;
	v14 =	vmul.f32 v14, v14;
	v8 =	vsub.f32 v8, v3  }
0x237: {  	v20 =	vld [tilespmem:s6+$0x10];
	v6 =	vadd.f32 v6, v9;
	v9 =	vmul.f32 v11, v11;
	v11 =	vsub.f32 v16, v3  }
0x238: {  	v57 =	vld [tilespmem:s0+$0x10];
	v12 =	vadd.f32 v13, v12;
	v8 =	vmul.f32 v8, v8;
	v10 =	vsub.f32 v10, v5  }
0x239: {  	v15 =	vmul.f32 v15, v15;
	v21 =	vmul.f32 v11, v11;
	v13 =	vadd.f32 v9, v6;
	v6 =	vld [tilespmem:s7+$0x30]  }
0x23a: {  	v11 =	vadd.f32 v8, v12;
	v9 =	vmul.f32 v10, v10;
	v10 =	vmul.f32 v17, v17;
	v12 =	vld [tilespmem:s6+$0x30]  }
0x23b: {  	v59 =	vsub.f32 v22, v4;
	v14 =	vadd.f32 v15, v14;
	v15 =	vld [tilespmem:s7+$0x20]  }
0x23c: {  	v9 =	vadd.f32 v10, v9;
	v10 =	vsub.f32 v20, v4  }
0x23d: {  	v8 =	vadd.f32 v21, v14;
	v14 =	vsub.f32 v18, v3  }
0x23e: {  	v60 =	vld [tilespmem:s0+$0x20];
	v16 =	vsub.f32 v57, v3;
	v17 =	vmul.f32 v58, v58;
	v10 =	vmul.f32 v10, v10  }
0x23f: {  	v62 =	vld [tilespmem:s0+$0x30];
	v14 =	vmul.f32 v14, v14;
	v6 =	vsub.f32 v6, v5;
	v61 =	vsub.f32 v12, v4  }
0x240: {  	v15 =	vsub.f32 v15, v5;
	v16 =	vmul.f32 v16, v16;
	v10 =	vadd.f32 v10, v17  }
0x241: {  	v12 =	vadd.f32 v14, v9;
	v6 =	vmul.f32 v6, v6;
	v14 =	vmul.f32 v61, v61  }
0x242: {  	v63 =	vmul.f32 v59, v59;
	v15 =	vmul.f32 v15, v15;
	v9 =	vadd.f32 v16, v10  }
0x243: {  	vm12 =	vle.f32 v7, $1.000000000e+00;
	v6 =	vadd.f32 v14, v6;
	v14 =	vsub.f32 v60, v3  }
0x244: {  	vm8 =	vle.f32 v13, $1.000000000e+00;
	v10 =	vadd.f32 v63, v15;
	v15 =	vsub.f32 v62, v3  }
0x245: {  	vm7 =	vle.f32 v11, $1.000000000e+00;
	vm0 =	vmor vm12, vm8;
	v14 =	vmul.f32 v14, v14  }
0x246: {  	vm4 =	vle.f32 v8, $1.000000000e+00;
	vm0 =	vmor vm0, vm7;
	v15 =	vmul.f32 v15, v15  }
0x247: {  	vm0 =	vmor vm0, vm4;
	vm3 =	vle.f32 v12, $1.000000000e+00;
	v10 =	vadd.f32 v14, v10  }
0x248: {  	vm0 =	vmor vm0, vm3;
	vm2 =	vle.f32 v9, $1.000000000e+00;
	v6 =	vadd.f32 v15, v6  }
0x249: {  	vm5 =	vmor vm0, vm2;
	vm1 =	vle.f32 v10, $1.000000000e+00  }
0x24a: {  	vm9 =	vle.f32 v6, $1.000000000e+00;
	vm5 =	vmor vm5, vm1  }
0x24b: {  	vm5 =	vmor vm5, vm9  }
0x24c: {  	v14 =	vsel vm5, $0x3F800000, v0  }
0x24d: {  	(xrf0) =	vmax.scan.msk.f32 $0xffff, v14;
	_ =	sdelay $0x5  }
0x24e: {  	v14, _, _ =	vpop (xrf0)  }
0x24f: {  	(v2sf) =	vpush v14, $0xF;
	_ =	sdelay $0xe  }
0x250: {  	s12 =	spop (v2sf)  }
0x251: {  	p0 =	sgt.f32 s12, $0.0e+00  }
.Ltmp8:
0x252: {  	_ = 	snop;
	(pc) =	sbr.rel @!p0 .LBB2_6-.Ltmp8, $1  }
0x253: {  	_ =	sdelay $0x3  }
0x254: {  	vm10 =	vle.f32 v7, $2.500000000e-01  }
0x255: {  	v7 =	vsel vm10, $0x1, v2  }
0x256: {  	(xrf0) =	vadd.scan.msk.s32 $0xffff, v7  }
0x257: {  	v7 =	vsel vm12, $0x1, v2  }
0x258: {  	(xrf0) =	vadd.scan.msk.s32 $0xffff, v7;
	_ =	sdelay $0x2  }
0x259: {  	vm14 =	vle.f32 v13, $2.500000000e-01  }
0x25a: {  	v7 =	vsel vm14, $0x1, v2;
	v59, _, _ =	vpop (xrf0)  }
0x25b: {  	(xrf0) =	vadd.scan.msk.s32 $0xffff, v7;
	v7 =	vsel vm8, $0x1, v2;
	(v2sf) =	vpush v59, $0xF  }
0x25c: {  	vm13 =	vle.f32 v11, $2.500000000e-01;
	v14, _, _ =	vpop (xrf0);
	(xrf0) =	vadd.scan.msk.s32 $0xffff, v7  }
0x25d: {  	v7 =	vsel vm13, $0x1, v2;
	(v2sf) =	vpush v14, $0xF  }
0x25e: {  	(xrf0) =	vadd.scan.msk.s32 $0xffff, v7;
	v7 =	vsel vm7, $0x1, v2  }
0x25f: {  	vm5 =	vle.f32 v8, $2.500000000e-01;
	(xrf0) =	vadd.scan.msk.s32 $0xffff, v7  }
0x260: {  	v7 =	vsel vm5, $0x1, v2  }
0x261: {  	v60, _, _ =	vpop (xrf0);
	(xrf0) =	vadd.scan.msk.s32 $0xffff, v7  }
0x262: {  	vm11 =	vle.f32 v12, $2.500000000e-01;
	v7 =	vsel vm4, $0x1, v2;
	(v2sf) =	vpush v60, $0xF;
	v61, _, _ =	vpop (xrf0)  }
0x263: {  	v62 =	vmov s10;
	vm0 =	vle.f32 v9, $2.500000000e-01;
	(xrf0) =	vadd.scan.msk.s32 $0xffff, v7;
	(v2sf) =	vpush v61, $0xF  }
0x264: {  	v19 =	vimm.s32 $0x0;
	v12 =	vsel vm11, $0x1, v2;
	v7 =	vmov s11;
	v15, _, _ =	vpop (xrf0)  }
0x265: {  	v9 =	vsel vm0, $0xFFFFFFFF, v19;
	v7 =	vadd.s32 $0xFFFFFFFF, v7;
	v16, _, _ =	vpop (xrf0);
	(v2sf) =	vpush v15, $0xF  }
0x266: {  	v20 =	vadd.s32 $0xFFFFFFFF, v62;
	v7 =	vbroadcast v7, $0x0;
	(v2sf) =	vpush v16, $0xF  }
0x267: {  	[tilespmem:$0x1FFE0] =	vst v9;
	v9 =	vbroadcast v20, $0x0;
	v17, _, _ =	vpop (xrf0);
	(xrf0) =	vadd.scan.msk.s32 $0xffff, v12  }
0x268: {  	v18 =	vsel vm3, $0x1, v2;
	v21 =	vsel vm0, $0x1, v2;
	v7 =	vadd.s32 v59, v7  }
0x269: {  	v9 =	vadd.s32 v14, v9;
	vm15 =	vlt.s32 v7, $0x10;
	v63, _, _ =	vpop (xrf0);
	(v2sf) =	vpush v17, $0xF  }
0x26a: {  	vm0 =	vlt.s32 v9, $0x20;
	(xrf0) =	vadd.scan.msk.s32 $0xffff, v18;
	vm10 =	vmand vm10, vm15;
	s12 =	spop (v2sf);
	(v2sf) =	vpush v63, $0xF  }
0x26b: {  	v23 =	vsel vm2, $0x1, v2;
	vm12 =	vmand vm12, vm0;
	(xrf0) =	vadd.scan.msk.s32 $0xffff, v21  }
0x26c: {  	vm6 =	vle.f32 v10, $2.500000000e-01;
	v24 =	vimm.s32 $0x0;
	v47 =	vor.u32 s8, v1;
	v59 =	vld [tilespmem:$0x1FFE0];
	s11 =	sadd.s32 s11, s12;
	s16 =	spop (v2sf)  }
0x26d: {  	v10 =	vsel vm6, $0xFFFFFFFF, v24;
	v26 =	vsel vm6, $0x1, v2;
	(xrf0) =	vadd.scan.msk.s32 $0xffff, v23;
	v22 =	vmov s11;
	s14 =	sadd.s32 s10, s16;
	v28, _, _ =	vpop (xrf0)  }
0x26e: {  	v25 =	vadd.s32 $0xFFFFFFFF, v22;
	v27 =	vmov s14;
	(v2sf) =	vpush v28, $0xF  }
0x26f: {  	[tilespmem:$0x1FFF0] =	vst v10;
	(xrf0) =	vadd.scan.msk.s32 $0xffff, v26;
	v10 =	vbroadcast v25, $0x0;
	v29 =	vadd.s32 $0xFFFFFFFF, v27  }
0x270: {  	v44 =	vsel vm9, $0x1, v2;
	v19 =	vsel vm1, $0x1, v2;
	v30, _, _ =	vpop (xrf0);
	[tilespmem:v7+s24+$0x0] =	vst.idx.msk vm10, v47;
	v31 =	vbroadcast v29, $0x0  }
0x271: {  	v32, _, _ =	vpop (xrf0);
	[tilespmem:v9+s25+$0x0] =	vst.idx.msk vm12, v47;
	vm12 =	vnez.u8 v59;
	v10 =	vadd.s32 v60, v10;
	s15 =	spop (v2sf);
	(v2sf) =	vpush v30, $0xF  }
0x272: {  	(xrf0) =	vadd.scan.msk.s32 $0xffff, v19;
	vm6 =	vlt.s32 v10, $0x10;
	s11 =	sadd.s32 s11, s15;
	v8 =	vadd.s32 v61, v31;
	s16 =	spop (v2sf);
	(v2sf) =	vpush v32, $0xF  }
0x273: {  	v34, _, _ =	vpop (xrf0);
	v33 =	vmov s11;
	vm14 =	vmand vm14, vm6;
	vm0 =	vlt.s32 v8, $0x20;
	s10 =	sadd.s32 s14, s16  }
0x274: {  	s14 =	spop (v2sf);
	(v2sf) =	vpush v34, $0xF;
	v11 =	vadd.s32 $0xFFFFFFFF, v33;
	v20 =	vmov s10  }
0x275: {  	v21, _, _ =	vpop (xrf0);
	vm8 =	vmand vm8, vm0;
	s11 =	sadd.s32 s11, s14;
	s15 =	spop (v2sf);
	v11 =	vbroadcast v11, $0x0;
	v20 =	vadd.s32 $0xFFFFFFFF, v20  }
0x276: {  	(v2sf) =	vpush v21, $0xF;
	s10 =	sadd.s32 s10, s15;
	v36 =	vmov s11;
	v35 =	vbroadcast v20, $0x0  }
0x277: {  	v20 =	vadd.s32 $0xFFFFFFFF, v36;
	v22 =	vmov s10;
	v11 =	vadd.s32 v15, v11  }
0x278: {  	v39, _, _ =	vpop (xrf0);
	s16 =	spop (v2sf);
	v37 =	vbroadcast v20, $0x0;
	v38 =	vadd.s32 $0xFFFFFFFF, v22;
	vm15 =	vlt.s32 v11, $0x10  }
0x279: {  	v15 =	vadd.s32 v16, v35;
	v20 =	vbroadcast v38, $0x0;
	s14 =	spop (v2sf);
	(v2sf) =	vpush v39, $0xF  }
0x27a: {  	s11 =	sadd.s32 s11, s16;
	vm6 =	vlt.s32 v15, $0x20;
	vm15 =	vmand vm13, vm15;
	v16 =	vadd.s32 v17, v37  }
0x27b: {  	v40 =	vmov s11;
	vm13 =	vmand vm7, vm6;
	vm7 =	vle.f32 v6, $2.500000000e-01;
	s10 =	sadd.s32 s10, s14  }
0x27c: {  	v17 =	vadd.s32 $0xFFFFFFFF, v40;
	v43 =	vsel vm7, $0x1, v2;
	v41 =	vmov s10  }
0x27d: {  	v12 =	vadd.s32 v63, v20;
	v6 =	vbroadcast v17, $0x0;
	(xrf0) =	vadd.scan.msk.s32 $0xffff, v43;
	v20 =	vadd.s32 $0xFFFFFFFF, v41;
	s14 =	spop (v2sf)  }
0x27e: {  	vm0 =	vlt.s32 v16, $0x10;
	vm6 =	vlt.s32 v12, $0x20;
	(xrf0) =	vadd.scan.msk.s32 $0xffff, v44;
	v42 =	vbroadcast v20, $0x0;
	s11 =	sadd.s32 s11, s14  }
0x27f: {  	vm0 =	vmand vm5, vm0;
	v6 =	vadd.s32 v28, v6;
	v45 =	vmov s11  }
0x280: {  	vm5 =	vlt.s32 v6, $0x10;
	s15 =	spop (v2sf);
	v14 =	vadd.s32 v30, v42;
	v17 =	vadd.s32 $0xFFFFFFFF, v45  }
0x281: {  	vm11 =	vmand vm11, vm5;
	s16 =	spop (v2sf);
	s10 =	sadd.s32 s10, s15;
	vm5 =	vlt.s32 v14, $0x20;
	v17 =	vbroadcast v17, $0x0  }
0x282: {  	vm4 =	vmand vm4, vm6;
	vm3 =	vmand vm3, vm5;
	v46 =	vmov s10;
	s11 =	sadd.s32 s11, s16  }
0x283: {  	s15 =	spop (v2sf);
	v24, _, _ =	vpop (xrf0);
	v18 =	vadd.s32 $0xFFFFFFFF, v46;
	v23 =	vmov s11;
	v13 =	vadd.s32 v32, v17  }
0x284: {  	s12 =	sadd.s32 s10, s15;
	v25, _, _ =	vpop (xrf0);
	(v2sf) =	vpush v24, $0xF;
	s15 =	sadd.s32 $0x20, s8;
	v48 =	vbroadcast v18, $0x0;
	v49 =	vadd.s32 $0xFFFFFFFF, v23  }
0x285: {  	v63 =	vld [tilespmem:$0x1FFF0];
	s16 =	spop (v2sf);
	v50 =	vmov s12;
	(v2sf) =	vpush v25, $0xF;
	v55 =	vor.u32 s15, v1  }
0x286: {  	s10 =	sadd.s32 s11, s16;
	s11 =	sadd.s32 $0x10, s8;
	s16 =	sadd.s32 $0x30, s8;
	vm10 =	vlt.s32 v13, $0x10;
	v18 =	vbroadcast v49, $0x0;
	v23 =	vadd.s32 $0xFFFFFFFF, v50  }
0x287: {  	v26 =	vmov s10;
	v54 =	vor.u32 s11, v1;
	v56 =	vor.u32 s16, v1  }
0x288: {  	vm5 =	vmand vm12, vm10;
	v7 =	vadd.s32 v34, v48;
	v52 =	vadd.s32 $0xFFFFFFFF, v26;
	s14 =	spop (v2sf)  }
0x289: {  	v51 =	vbroadcast v23, $0x0;
	[tilespmem:v10+s24+$0x0] =	vst.idx.msk vm14, v54;
	v53 =	vadd.s32 v21, v18;
	v19 =	vbroadcast v52, $0x0;
	s12 =	sadd.s32 s12, s14  }
0x28a: {  	[tilespmem:v8+s25+$0x0] =	vst.idx.msk vm8, v54;
	vm14 =	vlt.s32 v7, $0x20;
	vm8 =	vnez.u8 v63;
	v58 =	vmov s12  }
0x28b: {  	v17 =	vadd.s32 v39, v51;
	[tilespmem:v11+s24+$0x0] =	vst.idx.msk vm15, v55;
	vm2 =	vmand vm2, vm14;
	v60 =	vadd.s32 $0xFFFFFFFF, v58  }
0x28c: {  	vm15 =	vlt.s32 v53, $0x10;
	[tilespmem:v15+s25+$0x0] =	vst.idx.msk vm13, v55;
	vm10 =	vlt.s32 v17, $0x20;
	v61 =	vbroadcast v60, $0x0  }
0x28d: {  	v57 =	vadd.s32 v24, v19;
	s14 =	sadd.s32 $0x40, s8;
	[tilespmem:v16+s24+$0x0] =	vst.idx.msk vm0, v56;
	vm0 =	vmand vm8, vm15;
	vm12 =	vmand vm1, vm10  }
0x28e: {  	vm13 =	vlt.s32 v57, $0x10;
	v62 =	vor.u32 s14, v1;
	[tilespmem:v12+s25+$0x0] =	vst.idx.msk vm4, v56;
	v10 =	vadd.s32 v25, v61  }
0x28f: {  	s15 =	sadd.s32 $0x50, s8;
	vm4 =	vmand vm7, vm13;
	[tilespmem:v6+s24+$0x0] =	vst.idx.msk vm11, v62;
	vm14 =	vlt.s32 v10, $0x20  }
0x290: {  	v6 =	vor.u32 s15, v1;
	[tilespmem:v14+s25+$0x0] =	vst.idx.msk vm3, v62;
	vm15 =	vmand vm9, vm14  }
0x291: {  	s16 =	sadd.s32 $0x60, s8;
	[tilespmem:v13+s24+$0x0] =	vst.idx.msk vm5, v6  }
.Ltmp9:
0x292: {  	[tilespmem:v7+s25+$0x0] =	vst.idx.msk vm2, v6;
	v6 =	vor.u32 s16, v1;
	(pc) =	sbr.rel .LBB2_6-.Ltmp9, $4  }
0x293: {  	s14 =	sadd.s32 $0x70, s8;
	[tilespmem:v53+s24+$0x0] =	vst.idx.msk vm0, v6  }
0x294: {  	[tilespmem:v17+s25+$0x0] =	vst.idx.msk vm12, v6;
	v6 =	vor.u32 s14, v1;
	s15 =	spop (v2sf)  }
0x295: {  	[tilespmem:v57+s24+$0x0] =	vst.idx.msk vm4, v6;
	s16 =	spop (v2sf)  }
0x296: {  	s11 =	sadd.s32 s10, s15;
	s10 =	sadd.s32 s12, s16;
	[tilespmem:v10+s25+$0x0] =	vst.idx.msk vm15, v6  }
.LBB2_10:
0x297: {  	_ =	sfence.sel $0x180000  }
0x298: {  	[bflag:$0x0] =	sbarrier.arrive $0xFFFF  }
0x299: {  	_ =	strace $0x90000047  }
0x29a: {  	s0 =	stileid.u32;
	[bflag:$0x2] =	sbarrier.arrive $0xFFFF  }
0x29b: {  	p0 =	sne.s32 s0, $0x0;
	s0 =	rddreg [dreg:$0x2]  }
0x29c: {  	s0 =	sadd.s32 @!p0 $0x100000, s0  }
0x29d: {  	[sflag:s0] =	ssyncadd.tile.s32 @!p0 $0x1;
	_ =	shalt  }
.Lfunc_end2:
_tile_overlayer_lowered:
.L_overlay_start_2:
0x29e: {  	(tag) =	ssettag $0x2  }
0x29f: {  	s0 =	rddreg [dreg:$0x0];
	s2 =	stileid.u32  }
0x2a0: {  	s1 =	rddreg [dreg:$0x1];
	p0 =	sne.s32 s2, $0x0  }
0x2a1: {  	s3 =	rddreg [dreg:$0x2];
	[bflag:$0x3] =	sbarrier.arrive $0xFFFF;
	s2 =	simm.s32 @!p0 $0x1C01  }
0x2a2: {  	[timem:s3], [sflag:s2] =	dma.local @!p0 [hbm:s0], s1  }
0x2a3: {  	s0 =	simm.s32 @!p0 $0x1  }
0x2a4: {  	_ =	swait.ge @!p0 [sflag:s0], s1  }
0x2a5: {  	s1 =	ssub.s32 @!p0 $0x0, s1;
	[sflag:s0] =	ssyncset.done @!p0 $0x0  }
0x2a6: {  	[sflag:s0] =	ssyncadd.s32 @!p0 s1  }
0x2a7: {  	[bflag:$0x3] =	sbarrier.arrive $0xFFFF  }
0x2a8: {  	_ =	shalt  }

</sc_bundles>
